<compile_context>
chip_gen: v7x
topology: tpu7x:2x2x1
jax: 0.10.2.dev20260603
libtpu: 0.0.44.dev20260713+nightly
codegen_flags: <defaults>
</compile_context>

<pallas_src>
import functools

import jax
import jax.numpy as jnp
from jax import lax
from jax.experimental import pallas as pl
from jax.experimental.pallas import tpu as pltpu
from jax.experimental.pallas import tpu_sc as plsc

B = 16384
D = 32
H = 256
NROWS = 1000000
PACK = 4
_TCP = 2048
_NSTEP = 123
SL = _NSTEP * _TCP

try:
    _info = plsc.get_sparse_core_info()
    _NC, _NS = _info.num_cores, _info.num_subcores
except Exception:
    _NC, _NS = 2, 16
_NW = _NC * _NS
_BPW = B // _NW




def _pack_body(x0, x1, x2, x3, dst):
    for k, src in enumerate((x0, x1, x2, x3)):
        dst[:, k * D:(k + 1) * D] = jnp.transpose(src[...], (1, 0))


def _pack_table(tT):
    _LAST = NROWS // _TCP
    def mk_spec(k):
        return pl.BlockSpec(
            (D, _TCP), lambda i, k=k: (0, jnp.minimum(_NSTEP * k + i, _LAST)))
    return pl.pallas_call(
        _pack_body,
        grid=(_NSTEP,),
        in_specs=[mk_spec(k) for k in range(PACK)],
        out_specs=pl.BlockSpec((_TCP, PACK * D), lambda i: (i, 0)),
        out_shape=jax.ShapeDtypeStruct((SL, PACK * D), jnp.float32),
        compiler_params=pltpu.CompilerParams(
            dimension_semantics=("arbitrary",),
        ),
    )(tT, tT, tT, tT)


_CH = 256
_NCHUNK = _BPW // _CH


_G = 16


def _sc_gather_body(uidp_hbm, midp_hbm, utp_hbm, mtp_hbm, uep_hbm, mep_hbm,
                    idx_vm, rows_u, rows_m, sem):
    wid = lax.axis_index("s") * _NC + lax.axis_index("c")
    base = wid * _BPW

    pltpu.sync_copy(uidp_hbm.at[pl.ds(base, _BPW)], idx_vm.at[0])
    pltpu.sync_copy(midp_hbm.at[pl.ds(base, _BPW)], idx_vm.at[1])

    for c in range(_NCHUNK):
        handles = []
        for g in range(_CH // _G):
            off = c * _CH + g * _G
            iu = idx_vm[0, pl.ds(off, _G)]
            im = idx_vm[1, pl.ds(off, _G)]
            handles.append(pltpu.async_copy(
                utp_hbm.at[iu], rows_u.at[pl.ds(g * _G, _G)], sem))
            handles.append(pltpu.async_copy(
                mtp_hbm.at[im], rows_m.at[pl.ds(g * _G, _G)], sem))
        for h in handles:
            h.wait()
        pltpu.sync_copy(rows_u, uep_hbm.at[pl.ds(base + c * _CH, _CH)])
        pltpu.sync_copy(rows_m, mep_hbm.at[pl.ds(base + c * _CH, _CH)])


@functools.lru_cache(maxsize=1)
def _sc_gather():
    return pl.kernel(
        _sc_gather_body,
        mesh=plsc.VectorSubcoreMesh(core_axis_name="c", subcore_axis_name="s"),
        out_type=[jax.ShapeDtypeStruct((B, PACK * D), jnp.float32)
                  for _ in range(2)],
        scratch_types=[
            pltpu.VMEM((2, _BPW), jnp.int32),
            pltpu.VMEM((_CH, PACK * D), jnp.float32),
            pltpu.VMEM((_CH, PACK * D), jnp.float32),
            pltpu.SemaphoreType.DMA,
        ],
    )


BLK = 2048


def _onehot_embed(ids_1d, table):
    oh = (ids_1d.reshape(BLK, 1) ==
          lax.broadcasted_iota(jnp.int32, (BLK, 32), 1)).astype(jnp.float32)
    return jnp.dot(oh, table, preferred_element_type=jnp.float32)


def _select_packed(packed, slots_1d):
    lo = slots_1d.reshape(BLK, 1)
    out = jnp.zeros((BLK, D), jnp.float32)
    for k in range(PACK):
        mask = (lo == k).astype(jnp.float32)
        out = out + mask * packed[:, k * D:(k + 1) * D]
    return out


def _mlp_body(eup, emp, uid, mid, gid, aid, oid, nid, gt, at_, ot, nt,
              w1, b1, w2, b2, w3, b3, out):
    eu = _select_packed(eup[...], uid[...])
    em = _select_packed(emp[...], mid[...])
    ge = _onehot_embed(gid[...], gt[...])
    ae = _onehot_embed(aid[...], at_[...])
    oe = _onehot_embed(oid[...], ot[...])
    ne = _onehot_embed(nid[...], nt[...])
    x = jnp.concatenate([eu, ge, ae, oe, em, ne], axis=1)
    h = jnp.dot(x, w1[...], preferred_element_type=jnp.float32) + b1[...]
    h = jnp.maximum(h, 0.0)
    h = jnp.dot(h, w2[...], preferred_element_type=jnp.float32) + b2[...]
    h = jnp.maximum(h, 0.0)
    y = jnp.sum(h * w3[...], axis=1) + b3[0, 0]
    out[...] = y


def _mlp(eup, emp, uid, mid, gid, aid, oid, nid, gt, at_, ot, nt,
         W1, b1, W2, b2, W3, b3):
    pk_spec = pl.BlockSpec((BLK, PACK * D), lambda i: (i, 0))
    id_spec = pl.BlockSpec((BLK,), lambda i: (i,))
    full = lambda shape: pl.BlockSpec(shape, lambda i: tuple(0 for _ in shape))
    return pl.pallas_call(
        _mlp_body,
        grid=(B // BLK,),
        in_specs=[pk_spec, pk_spec] + [id_spec] * 6 + [full((32, D))] * 4 + [
            full((6 * D, H)),
            full((H,)),
            full((H, H)),
            full((H,)),
            full((1, H)),
            full((1, 1)),
        ],
        out_specs=pl.BlockSpec((BLK,), lambda i: (i,)),
        out_shape=jax.ShapeDtypeStruct((B,), jnp.float32),
        compiler_params=pltpu.CompilerParams(
            dimension_semantics=("arbitrary",),
        ),
    )(eup, emp, uid, mid, gid, aid, oid, nid, gt, at_, ot, nt,
      W1, b1, W2, b2, W3, b3)


def _pad32(t):
    return jnp.pad(t, ((0, 32 - t.shape[0]), (0, 0)))


def kernel(user_ids, gender_ids, age_ids, occupation_ids, movie_ids, genre_ids,
           user_table, gender_table, age_table, occupation_table, movie_table,
           genre_table, W1, b1, W2, b2, W3, b3):
    uid = jnp.asarray(user_ids, jnp.int32)
    mid = jnp.asarray(movie_ids, jnp.int32)
    gid = jnp.asarray(gender_ids, jnp.int32)
    aid = jnp.asarray(age_ids, jnp.int32)
    oid = jnp.asarray(occupation_ids, jnp.int32)
    nid = jnp.asarray(genre_ids, jnp.int32)
    utp = _pack_table(user_table.T)
    mtp = _pack_table(movie_table.T)
    eup, emp = _sc_gather()(uid % SL, mid % SL, utp, mtp)
    return _mlp(eup, emp, uid // SL, mid // SL, gid, aid, oid, nid,
                _pad32(gender_table), _pad32(age_table),
                _pad32(occupation_table), _pad32(genre_table),
                W1, b1, W2, b2, W3.reshape(1, H), b3.reshape(1, 1))

# --- scband reference (transcript-rebuilt; emitter-appended) ---
"""Pipeline reference for scband-recommender-net-40553081209246 (READ-ONLY COPY).

The authoritative reference and input builder live on the scoring server;
editing this copy changes nothing except your own understanding.
"""

import jax, jax.numpy as jnp
import numpy as np

B = 16384
D = 32
H = 256

def setup_inputs(seed: int = 0) -> dict:
    key = jax.random.key(seed)
    ks = jax.random.split(key, 20)
    inp = {}
    inp["user_ids"] = jax.random.randint(ks[0], (B,), 0, 1000000, dtype=jnp.int32).astype(jnp.int64) if jax.config.jax_enable_x64 else jax.random.randint(ks[0], (B,), 0, 1000000)
    inp["gender_ids"] = jax.random.randint(ks[1], (B,), 0, 2)
    inp["age_ids"] = jax.random.randint(ks[2], (B,), 0, 7)
    inp["occupation_ids"] = jax.random.randint(ks[3], (B,), 0, 21)
    inp["movie_ids"] = jax.random.randint(ks[4], (B,), 0, 1000000)
    inp["genre_ids"] = jax.random.randint(ks[5], (B,), 0, 18)
    # learned parameters (embedding tables + MLP weights)
    inp["user_table"] = jax.random.normal(ks[6], (1000000, D), dtype=jnp.float32)
    inp["gender_table"] = jax.random.normal(ks[7], (2, D), dtype=jnp.float32)
    inp["age_table"] = jax.random.normal(ks[8], (7, D), dtype=jnp.float32)
    inp["occupation_table"] = jax.random.normal(ks[9], (21, D), dtype=jnp.float32)
    inp["movie_table"] = jax.random.normal(ks[10], (1000000, D), dtype=jnp.float32)
    inp["genre_table"] = jax.random.normal(ks[11], (18, D), dtype=jnp.float32)
    inp["W1"] = jax.random.normal(ks[12], (6 * D, H), dtype=jnp.float32) * 0.02
    inp["b1"] = jnp.zeros((H,), dtype=jnp.float32)
    inp["W2"] = jax.random.normal(ks[13], (H, H), dtype=jnp.float32) * 0.02
    inp["b2"] = jnp.zeros((H,), dtype=jnp.float32)
    inp["W3"] = jax.random.normal(ks[14], (H, 1), dtype=jnp.float32) * 0.02
    inp["b3"] = jnp.zeros((1,), dtype=jnp.float32)
    return inp

def reference(user_ids, gender_ids, age_ids, occupation_ids, movie_ids, genre_ids,
              user_table, gender_table, age_table, occupation_table, movie_table, genre_table,
              W1, b1, W2, b2, W3, b3):
    user_e = jnp.take(user_table, user_ids, axis=0)
    gender_e = jnp.take(gender_table, gender_ids, axis=0)
    age_e = jnp.take(age_table, age_ids, axis=0)
    occ_e = jnp.take(occupation_table, occupation_ids, axis=0)
    movie_e = jnp.take(movie_table, movie_ids, axis=0)
    genre_e = jnp.take(genre_table, genre_ids, axis=0)
    x = jnp.concatenate([user_e, gender_e, age_e, occ_e, movie_e, genre_e], axis=-1)
    x = x @ W1 + b1
    x = jax.nn.relu(x)
    # dropout is identity in eval mode
    x = x @ W2 + b2
    x = jax.nn.relu(x)
    x = x @ W3 + b3
    return x.reshape(-1)

if __name__ == "__main__":
    import jax
    _d = setup_inputs()
    print(jax.jit(kernel)(*tuple(_d.values())))

</pallas_src>

<mosaic_0001>
#map = affine_map<(d0, d1) -> (0)>
#map1 = affine_map<(d0, d1) -> (0, 0)>
module attributes {stable_mosaic.version = 14 : i64} {
  func.func @_sc_gather_body(%arg0: i32, %arg1: i32, %arg2: memref<16384xi32, #tpu.memory_space<hbm>>, %arg3: memref<16384xi32, #tpu.memory_space<hbm>>, %arg4: memref<251904x128xf32, #tpu.memory_space<hbm>>, %arg5: memref<251904x128xf32, #tpu.memory_space<hbm>>, %arg6: memref<16384x128xf32, #tpu.memory_space<hbm>>, %arg7: memref<16384x128xf32, #tpu.memory_space<hbm>>, %arg8: memref<2x512xi32, #tpu.memory_space<vmem>>, %arg9: memref<256x128xf32, #tpu.memory_space<vmem>>, %arg10: memref<256x128xf32, #tpu.memory_space<vmem>>, %arg11: memref<!tpu.dma_semaphore, #tpu.memory_space<semaphore_mem>>) attributes {dimension_semantics = [#tpu.dimension_semantics<core_parallel>, #tpu.dimension_semantics<subcore_parallel>], iteration_bounds = array<i64: 2, 16>, scalar_prefetch = 0 : i64, scratch_operands = 4 : i64, tpu.core_type = #tpu.core_type<sc_vector_subcore>, window_params = [{transform_indices = #map}, {transform_indices = #map}, {transform_indices = #map1}, {transform_indices = #map1}, {transform_indices = #map1}, {transform_indices = #map1}]} {
    %mul3A = arith.constant 2 : i32
    %mul3A_0 = arith.muli %arg1, %mul3A : i32
    %add3A = arith.addi %mul3A_0, %arg0 : i32
    %mul3A_1 = arith.constant 512 : i32
    %mul3A_2 = arith.muli %add3A, %mul3A_1 : i32
    %run_scoped3A = arith.constant 0 : i32
    "tpu.region"() ({
      %run_scoped3A_1097 = tpu.sem_alloc : memref<!tpu.dma_semaphore, #tpu.memory_space<semaphore_mem>>
      %dma_start3A_1098 = arith.constant 0 : i32
      %dma_start3A_1099 = tpu.memref_slice %arg8[%run_scoped3A, %dma_start3A_1098] : memref<2x512xi32, #tpu.memory_space<vmem>> -> memref<1x512xi32, #tpu.memory_space<vmem>>
      %dma_start3A_1100 = tpu.memref_squeeze %dma_start3A_1099 : memref<1x512xi32, #tpu.memory_space<vmem>> -> memref<512xi32, #tpu.memory_space<vmem>>
      %dma_start3A_1101 = tpu.memref_slice %arg2[%mul3A_2] : memref<16384xi32, #tpu.memory_space<hbm>> -> memref<512xi32, #tpu.memory_space<hbm>>
      %dma_start3A_1102 = arith.constant 0 : i32
      %dma_start3A_1103 = tpu.memref_slice %arg8[%run_scoped3A, %dma_start3A_1102] : memref<2x512xi32, #tpu.memory_space<vmem>> -> memref<1x512xi32, #tpu.memory_space<vmem>>
      %dma_start3A_1104 = tpu.memref_squeeze %dma_start3A_1103 : memref<1x512xi32, #tpu.memory_space<vmem>> -> memref<512xi32, #tpu.memory_space<vmem>>
      %dma_start3A_1105 = tpu.memref_slice %arg2[%mul3A_2] : memref<16384xi32, #tpu.memory_space<hbm>> -> memref<512xi32, #tpu.memory_space<hbm>>
      tpu.enqueue_dma source(%dma_start3A_1105 : memref<512xi32, #tpu.memory_space<hbm>>) target(%dma_start3A_1104 : memref<512xi32, #tpu.memory_space<vmem>>) target_semaphore(%run_scoped3A_1097 : memref<!tpu.dma_semaphore, #tpu.memory_space<semaphore_mem>>)
      %dma_wait3A_1106 = arith.constant 0 : i32
      %dma_wait3A_1107 = tpu.memref_slice %arg8[%run_scoped3A, %dma_wait3A_1106] : memref<2x512xi32, #tpu.memory_space<vmem>> -> memref<1x512xi32, #tpu.memory_space<vmem>>
      %dma_wait3A_1108 = tpu.memref_squeeze %dma_wait3A_1107 : memref<1x512xi32, #tpu.memory_space<vmem>> -> memref<512xi32, #tpu.memory_space<vmem>>
      %dma_wait3A_1109 = tpu.memref_slice %arg2[%mul3A_2] : memref<16384xi32, #tpu.memory_space<hbm>> -> memref<512xi32, #tpu.memory_space<hbm>>
      %dma_wait3A_1110 = arith.constant 0 : i32
      %dma_wait3A_1111 = tpu.memref_slice %arg8[%run_scoped3A, %dma_wait3A_1110] : memref<2x512xi32, #tpu.memory_space<vmem>> -> memref<1x512xi32, #tpu.memory_space<vmem>>
      %dma_wait3A_1112 = tpu.memref_squeeze %dma_wait3A_1111 : memref<1x512xi32, #tpu.memory_space<vmem>> -> memref<512xi32, #tpu.memory_space<vmem>>
      %dma_wait3A_1113 = tpu.memref_slice %arg2[%mul3A_2] : memref<16384xi32, #tpu.memory_space<hbm>> -> memref<512xi32, #tpu.memory_space<hbm>>
      tpu.wait_dma2 semaphore(%run_scoped3A_1097 : memref<!tpu.dma_semaphore, #tpu.memory_space<semaphore_mem>>) src(%dma_wait3A_1113 : memref<512xi32, #tpu.memory_space<hbm>>) dst(%dma_wait3A_1112 : memref<512xi32, #tpu.memory_space<vmem>>)
      tpu.yield
    }) : () -> ()
    %run_scoped3A_3 = arith.constant 1 : i32
    "tpu.region"() ({
      %run_scoped3A_1097 = tpu.sem_alloc : memref<!tpu.dma_semaphore, #tpu.memory_space<semaphore_mem>>
      %dma_start3A_1098 = arith.constant 0 : i32
      %dma_start3A_1099 = tpu.memref_slice %arg8[%run_scoped3A_3, %dma_start3A_1098] : memref<2x512xi32, #tpu.memory_space<vmem>> -> memref<1x512xi32, #tpu.memory_space<vmem>>
      %dma_start3A_1100 = tpu.memref_squeeze %dma_start3A_1099 : memref<1x512xi32, #tpu.memory_space<vmem>> -> memref<512xi32, #tpu.memory_space<vmem>>
      %dma_start3A_1101 = tpu.memref_slice %arg3[%mul3A_2] : memref<16384xi32, #tpu.memory_space<hbm>> -> memref<512xi32, #tpu.memory_space<hbm>>
      %dma_start3A_1102 = arith.constant 0 : i32
      %dma_start3A_1103 = tpu.memref_slice %arg8[%run_scoped3A_3, %dma_start3A_1102] : memref<2x512xi32, #tpu.memory_space<vmem>> -> memref<1x512xi32, #tpu.memory_space<vmem>>
      %dma_start3A_1104 = tpu.memref_squeeze %dma_start3A_1103 : memref<1x512xi32, #tpu.memory_space<vmem>> -> memref<512xi32, #tpu.memory_space<vmem>>
      %dma_start3A_1105 = tpu.memref_slice %arg3[%mul3A_2] : memref<16384xi32, #tpu.memory_space<hbm>> -> memref<512xi32, #tpu.memory_space<hbm>>
      tpu.enqueue_dma source(%dma_start3A_1105 : memref<512xi32, #tpu.memory_space<hbm>>) target(%dma_start3A_1104 : memref<512xi32, #tpu.memory_space<vmem>>) target_semaphore(%run_scoped3A_1097 : memref<!tpu.dma_semaphore, #tpu.memory_space<semaphore_mem>>)
      %dma_wait3A_1106 = arith.constant 0 : i32
      %dma_wait3A_1107 = tpu.memref_slice %arg8[%run_scoped3A_3, %dma_wait3A_1106] : memref<2x512xi32, #tpu.memory_space<vmem>> -> memref<1x512xi32, #tpu.memory_space<vmem>>
      %dma_wait3A_1108 = tpu.memref_squeeze %dma_wait3A_1107 : memref<1x512xi32, #tpu.memory_space<vmem>> -> memref<512xi32, #tpu.memory_space<vmem>>
      %dma_wait3A_1109 = tpu.memref_slice %arg3[%mul3A_2] : memref<16384xi32, #tpu.memory_space<hbm>> -> memref<512xi32, #tpu.memory_space<hbm>>
      %dma_wait3A_1110 = arith.constant 0 : i32
      %dma_wait3A_1111 = tpu.memref_slice %arg8[%run_scoped3A_3, %dma_wait3A_1110] : memref<2x512xi32, #tpu.memory_space<vmem>> -> memref<1x512xi32, #tpu.memory_space<vmem>>
      %dma_wait3A_1112 = tpu.memref_squeeze %dma_wait3A_1111 : memref<1x512xi32, #tpu.memory_space<vmem>> -> memref<512xi32, #tpu.memory_space<vmem>>
      %dma_wait3A_1113 = tpu.memref_slice %arg3[%mul3A_2] : memref<16384xi32, #tpu.memory_space<hbm>> -> memref<512xi32, #tpu.memory_space<hbm>>
      tpu.wait_dma2 semaphore(%run_scoped3A_1097 : memref<!tpu.dma_semaphore, #tpu.memory_space<semaphore_mem>>) src(%dma_wait3A_1113 : memref<512xi32, #tpu.memory_space<hbm>>) dst(%dma_wait3A_1112 : memref<512xi32, #tpu.memory_space<vmem>>)
      tpu.yield
    }) : () -> ()
    %get3A = arith.constant 0 : i32
    %get3A_4 = arith.index_cast %get3A : i32 to index
    %get3A_5 = arith.constant 0 : index
    %get3A_6 = tpu.vector_load %arg8[%get3A_4, %get3A_5] {strides = array<i32>} : memref<2x512xi32, #tpu.memory_space<vmem>>, vector<1x16xi32>,
    %get3A_7 = vector.shape_cast %get3A_6 : vector<1x16xi32> to vector<16xi32>
    %get3A_8 = arith.constant 1 : i32
    %get3A_9 = arith.index_cast %get3A_8 : i32 to index
    %get3A_10 = arith.constant 0 : index
    %get3A_11 = tpu.vector_load %arg8[%get3A_9, %get3A_10] {strides = array<i32>} : memref<2x512xi32, #tpu.memory_space<vmem>>, vector<1x16xi32>,
    %get3A_12 = vector.shape_cast %get3A_11 : vector<1x16xi32> to vector<16xi32>
    %dma_start3A = arith.constant 0 : i32
    %dma_start3A_13 = arith.constant 0 : i32
    %dma_start3A_14 = tpu.memref_slice %arg9[%dma_start3A, %dma_start3A_13] : memref<256x128xf32, #tpu.memory_space<vmem>> -> memref<16x128xf32, #tpu.memory_space<vmem>>
    %dma_start3A_15 = arith.constant 0 : i32
    %dma_start3A_16 = arith.constant 0 : i32
    %dma_start3A_17 = tpu.memref_slice %arg4[%dma_start3A_15, %dma_start3A_16] : memref<251904x128xf32, #tpu.memory_space<hbm>> -> memref<251904x128xf32, #tpu.memory_space<hbm>>
    tpu.enqueue_indirect_dma source(%dma_start3A_17 : memref<251904x128xf32, #tpu.memory_space<hbm>>) target(%dma_start3A_14 : memref<16x128xf32, #tpu.memory_space<vmem>>) offsets(%get3A_7 : vector<16xi32>) semaphore(%arg11 : memref<!tpu.dma_semaphore, #tpu.memory_space<semaphore_mem>>)
    %dma_start3A_18 = arith.constant 0 : i32
    %dma_start3A_19 = arith.constant 0 : i32
    %dma_start3A_20 = tpu.memref_slice %arg10[%dma_start3A_18, %dma_start3A_19] : memref<256x128xf32, #tpu.memory_space<vmem>> -> memref<16x128xf32, #tpu.memory_space<vmem>>
    %dma_start3A_21 = arith.constant 0 : i32
    %dma_start3A_22 = arith.constant 0 : i32
    %dma_start3A_23 = tpu.memref_slice %arg5[%dma_start3A_21, %dma_start3A_22] : memref<251904x128xf32, #tpu.memory_space<hbm>> -> memref<251904x128xf32, #tpu.memory_space<hbm>>
    tpu.enqueue_indirect_dma source(%dma_start3A_23 : memref<251904x128xf32, #tpu.memory_space<hbm>>) target(%dma_start3A_20 : memref<16x128xf32, #tpu.memory_space<vmem>>) offsets(%get3A_12 : vector<16xi32>) semaphore(%arg11 : memref<!tpu.dma_semaphore, #tpu.memory_space<semaphore_mem>>)
    %get3A_24 = arith.constant 0 : i32
    %get3A_25 = arith.index_cast %get3A_24 : i32 to index
    %get3A_26 = arith.constant 16 : index
    %get3A_27 = tpu.vector_load %arg8[%get3A_25, %get3A_26] {strides = array<i32>} : memref<2x512xi32, #tpu.memory_space<vmem>>, vector<1x16xi32>,
    %get3A_28 = vector.shape_cast %get3A_27 : vector<1x16xi32> to vector<16xi32>
    %get3A_29 = arith.constant 1 : i32
    %get3A_30 = arith.index_cast %get3A_29 : i32 to index
    %get3A_31 = arith.constant 16 : index
    %get3A_32 = tpu.vector_load %arg8[%get3A_30, %get3A_31] {strides = array<i32>} : memref<2x512xi32, #tpu.memory_space<vmem>>, vector<1x16xi32>,
    %get3A_33 = vector.shape_cast %get3A_32 : vector<1x16xi32> to vector<16xi32>
    %dma_start3A_34 = arith.constant 16 : i32
    %dma_start3A_35 = arith.constant 0 : i32
    %dma_start3A_36 = tpu.memref_slice %arg9[%dma_start3A_34, %dma_start3A_35] : memref<256x128xf32, #tpu.memory_space<vmem>> -> memref<16x128xf32, #tpu.memory_space<vmem>>
    %dma_start3A_37 = arith.constant 0 : i32
    %dma_start3A_38 = arith.constant 0 : i32
    %dma_start3A_39 = tpu.memref_slice %arg4[%dma_start3A_37, %dma_start3A_38] : memref<251904x128xf32, #tpu.memory_space<hbm>> -> memref<251904x128xf32, #tpu.memory_space<hbm>>
    tpu.enqueue_indirect_dma source(%dma_start3A_39 : memref<251904x128xf32, #tpu.memory_space<hbm>>) target(%dma_start3A_36 : memref<16x128xf32, #tpu.memory_space<vmem>>) offsets(%get3A_28 : vector<16xi32>) semaphore(%arg11 : memref<!tpu.dma_semaphore, #tpu.memory_space<semaphore_mem>>)
    %dma_start3A_40 = arith.constant 16 : i32
    %dma_start3A_41 = arith.constant 0 : i32
    %dma_start3A_42 = tpu.memref_slice %arg10[%dma_start3A_40, %dma_start3A_41] : memref<256x128xf32, #tpu.memory_space<vmem>> -> memref<16x128xf32, #tpu.memory_space<vmem>>
    %dma_start3A_43 = arith.constant 0 : i32
    %dma_start3A_44 = arith.constant 0 : i32
    %dma_start3A_45 = tpu.memref_slice %arg5[%dma_start3A_43, %dma_start3A_44] : memref<251904x128xf32, #tpu.memory_space<hbm>> -> memref<251904x128xf32, #tpu.memory_space<hbm>>
    tpu.enqueue_indirect_dma source(%dma_start3A_45 : memref<251904x128xf32, #tpu.memory_space<hbm>>) target(%dma_start3A_42 : memref<16x128xf32, #tpu.memory_space<vmem>>) offsets(%get3A_33 : vector<16xi32>) semaphore(%arg11 : memref<!tpu.dma_semaphore, #tpu.memory_space<semaphore_mem>>)
    %get3A_46 = arith.constant 0 : i32
    %get3A_47 = arith.index_cast %get3A_46 : i32 to index
    %get3A_48 = arith.constant 32 : index
    %get3A_49 = tpu.vector_load %arg8[%get3A_47, %get3A_48] {strides = array<i32>} : memref<2x512xi32, #tpu.memory_space<vmem>>, vector<1x16xi32>,
    %get3A_50 = vector.shape_cast %get3A_49 : vector<1x16xi32> to vector<16xi32>
    %get3A_51 = arith.constant 1 : i32
    %get3A_52 = arith.index_cast %get3A_51 : i32 to index
    %get3A_53 = arith.constant 32 : index
    %get3A_54 = tpu.vector_load %arg8[%get3A_52, %get3A_53] {strides = array<i32>} : memref<2x512xi32, #tpu.memory_space<vmem>>, vector<1x16xi32>,
    %get3A_55 = vector.shape_cast %get3A_54 : vector<1x16xi32> to vector<16xi32>
    %dma_start3A_56 = arith.constant 32 : i32
    %dma_start3A_57 = arith.constant 0 : i32
    %dma_start3A_58 = tpu.memref_slice %arg9[%dma_start3A_56, %dma_start3A_57] : memref<256x128xf32, #tpu.memory_space<vmem>> -> memref<16x128xf32, #tpu.memory_space<vmem>>
    %dma_start3A_59 = arith.constant 0 : i32
    %dma_start3A_60 = arith.constant 0 : i32
    %dma_start3A_61 = tpu.memref_slice %arg4[%dma_start3A_59, %dma_start3A_60] : memref<251904x128xf32, #tpu.memory_space<hbm>> -> memref<251904x128xf32, #tpu.memory_space<hbm>>
    tpu.enqueue_indirect_dma source(%dma_start3A_61 : memref<251904x128xf32, #tpu.memory_space<hbm>>) target(%dma_start3A_58 : memref<16x128xf32, #tpu.memory_space<vmem>>) offsets(%get3A_50 : vector<16xi32>) semaphore(%arg11 : memref<!tpu.dma_semaphore, #tpu.memory_space<semaphore_mem>>)
    %dma_start3A_62 = arith.constant 32 : i32
    %dma_start3A_63 = arith.constant 0 : i32
    %dma_start3A_64 = tpu.memref_slice %arg10[%dma_start3A_62, %dma_start3A_63] : memref<256x128xf32, #tpu.memory_space<vmem>> -> memref<16x128xf32, #tpu.memory_space<vmem>>
    %dma_start3A_65 = arith.constant 0 : i32
    %dma_start3A_66 = arith.constant 0 : i32
    %dma_start3A_67 = tpu.memref_slice %arg5[%dma_start3A_65, %dma_start3A_66] : memref<251904x128xf32, #tpu.memory_space<hbm>> -> memref<251904x128xf32, #tpu.memory_space<hbm>>
    tpu.enqueue_indirect_dma source(%dma_start3A_67 : memref<251904x128xf32, #tpu.memory_space<hbm>>) target(%dma_start3A_64 : memref<16x128xf32, #tpu.memory_space<vmem>>) offsets(%get3A_55 : vector<16xi32>) semaphore(%arg11 : memref<!tpu.dma_semaphore, #tpu.memory_space<semaphore_mem>>)
    %get3A_68 = arith.constant 0 : i32
    %get3A_69 = arith.index_cast %get3A_68 : i32 to index
    %get3A_70 = arith.constant 48 : index
    %get3A_71 = tpu.vector_load %arg8[%get3A_69, %get3A_70] {strides = array<i32>} : memref<2x512xi32, #tpu.memory_space<vmem>>, vector<1x16xi32>,
    %get3A_72 = vector.shape_cast %get3A_71 : vector<1x16xi32> to vector<16xi32>
    %get3A_73 = arith.constant 1 : i32
    %get3A_74 = arith.index_cast %get3A_73 : i32 to index
    %get3A_75 = arith.constant 48 : index
    %get3A_76 = tpu.vector_load %arg8[%get3A_74, %get3A_75] {strides = array<i32>} : memref<2x512xi32, #tpu.memory_space<vmem>>, vector<1x16xi32>,
    %get3A_77 = vector.shape_cast %get3A_76 : vector<1x16xi32> to vector<16xi32>
    %dma_start3A_78 = arith.constant 48 : i32
    %dma_start3A_79 = arith.constant 0 : i32
    %dma_start3A_80 = tpu.memref_slice %arg9[%dma_start3A_78, %dma_start3A_79] : memref<256x128xf32, #tpu.memory_space<vmem>> -> memref<16x128xf32, #tpu.memory_space<vmem>>
    %dma_start3A_81 = arith.constant 0 : i32
    %dma_start3A_82 = arith.constant 0 : i32
    %dma_start3A_83 = tpu.memref_slice %arg4[%dma_start3A_81, %dma_start3A_82] : memref<251904x128xf32, #tpu.memory_space<hbm>> -> memref<251904x128xf32, #tpu.memory_space<hbm>>
    tpu.enqueue_indirect_dma source(%dma_start3A_83 : memref<251904x128xf32, #tpu.memory_space<hbm>>) target(%dma_start3A_80 : memref<16x128xf32, #tpu.memory_space<vmem>>) offsets(%get3A_72 : vector<16xi32>) semaphore(%arg11 : memref<!tpu.dma_semaphore, #tpu.memory_space<semaphore_mem>>)
    %dma_start3A_84 = arith.constant 48 : i32
    %dma_start3A_85 = arith.constant 0 : i32
    %dma_start3A_86 = tpu.memref_slice %arg10[%dma_start3A_84, %dma_start3A_85] : memref<256x128xf32, #tpu.memory_space<vmem>> -> memref<16x128xf32, #tpu.memory_space<vmem>>
    %dma_start3A_87 = arith.constant 0 : i32
    %dma_start3A_88 = arith.constant 0 : i32
    %dma_start3A_89 = tpu.memref_slice %arg5[%dma_start3A_87, %dma_start3A_88] : memref<251904x128xf32, #tpu.memory_space<hbm>> -> memref<251904x128xf32, #tpu.memory_space<hbm>>
    tpu.enqueue_indirect_dma source(%dma_start3A_89 : memref<251904x128xf32, #tpu.memory_space<hbm>>) target(%dma_start3A_86 : memref<16x128xf32, #tpu.memory_space<vmem>>) offsets(%get3A_77 : vector<16xi32>) semaphore(%arg11 : memref<!tpu.dma_semaphore, #tpu.memory_space<semaphore_mem>>)
    %get3A_90 = arith.constant 0 : i32
    %get3A_91 = arith.index_cast %get3A_90 : i32 to index
    %get3A_92 = arith.constant 64 : index
    %get3A_93 = tpu.vector_load %arg8[%get3A_91, %get3A_92] {strides = array<i32>} : memref<2x512xi32, #tpu.memory_space<vmem>>, vector<1x16xi32>,
    %get3A_94 = vector.shape_cast %get3A_93 : vector<1x16xi32> to vector<16xi32>
    %get3A_95 = arith.constant 1 : i32
    %get3A_96 = arith.index_cast %get3A_95 : i32 to index
    %get3A_97 = arith.constant 64 : index
    %get3A_98 = tpu.vector_load %arg8[%get3A_96, %get3A_97] {strides = array<i32>} : memref<2x512xi32, #tpu.memory_space<vmem>>, vector<1x16xi32>,
    %get3A_99 = vector.shape_cast %get3A_98 : vector<1x16xi32> to vector<16xi32>
    %dma_start3A_100 = arith.constant 64 : i32
    %dma_start3A_101 = arith.constant 0 : i32
    %dma_start3A_102 = tpu.memref_slice %arg9[%dma_start3A_100, %dma_start3A_101] : memref<256x128xf32, #tpu.memory_space<vmem>> -> memref<16x128xf32, #tpu.memory_space<vmem>>
    %dma_start3A_103 = arith.constant 0 : i32
    %dma_start3A_104 = arith.constant 0 : i32
    %dma_start3A_105 = tpu.memref_slice %arg4[%dma_start3A_103, %dma_start3A_104] : memref<251904x128xf32, #tpu.memory_space<hbm>> -> memref<251904x128xf32, #tpu.memory_space<hbm>>
    tpu.enqueue_indirect_dma source(%dma_start3A_105 : memref<251904x128xf32, #tpu.memory_space<hbm>>) target(%dma_start3A_102 : memref<16x128xf32, #tpu.memory_space<vmem>>) offsets(%get3A_94 : vector<16xi32>) semaphore(%arg11 : memref<!tpu.dma_semaphore, #tpu.memory_space<semaphore_mem>>)
    %dma_start3A_106 = arith.constant 64 : i32
    %dma_start3A_107 = arith.constant 0 : i32
    %dma_start3A_108 = tpu.memref_slice %arg10[%dma_start3A_106, %dma_start3A_107] : memref<256x128xf32, #tpu.memory_space<vmem>> -> memref<16x128xf32, #tpu.memory_space<vmem>>
    %dma_start3A_109 = arith.constant 0 : i32
    %dma_start3A_110 = arith.constant 0 : i32
    %dma_start3A_111 = tpu.memref_slice %arg5[%dma_start3A_109, %dma_start3A_110] : memref<251904x128xf32, #tpu.memory_space<hbm>> -> memref<251904x128xf32, #tpu.memory_space<hbm>>
    tpu.enqueue_indirect_dma source(%dma_start3A_111 : memref<251904x128xf32, #tpu.memory_space<hbm>>) target(%dma_start3A_108 : memref<16x128xf32, #tpu.memory_space<vmem>>) offsets(%get3A_99 : vector<16xi32>) semaphore(%arg11 : memref<!tpu.dma_semaphore, #tpu.memory_space<semaphore_mem>>)
    %get3A_112 = arith.constant 0 : i32
    %get3A_113 = arith.index_cast %get3A_112 : i32 to index
    %get3A_114 = arith.constant 80 : index
    %get3A_115 = tpu.vector_load %arg8[%get3A_113, %get3A_114] {strides = array<i32>} : memref<2x512xi32, #tpu.memory_space<vmem>>, vector<1x16xi32>,
    %get3A_116 = vector.shape_cast %get3A_115 : vector<1x16xi32> to vector<16xi32>
    %get3A_117 = arith.constant 1 : i32
    %get3A_118 = arith.index_cast %get3A_117 : i32 to index
    %get3A_119 = arith.constant 80 : index
    %get3A_120 = tpu.vector_load %arg8[%get3A_118, %get3A_119] {strides = array<i32>} : memref<2x512xi32, #tpu.memory_space<vmem>>, vector<1x16xi32>,
    %get3A_121 = vector.shape_cast %get3A_120 : vector<1x16xi32> to vector<16xi32>
    %dma_start3A_122 = arith.constant 80 : i32
    %dma_start3A_123 = arith.constant 0 : i32
    %dma_start3A_124 = tpu.memref_slice %arg9[%dma_start3A_122, %dma_start3A_123] : memref<256x128xf32, #tpu.memory_space<vmem>> -> memref<16x128xf32, #tpu.memory_space<vmem>>
    %dma_start3A_125 = arith.constant 0 : i32
    %dma_start3A_126 = arith.constant 0 : i32
    %dma_start3A_127 = tpu.memref_slice %arg4[%dma_start3A_125, %dma_start3A_126] : memref<251904x128xf32, #tpu.memory_space<hbm>> -> memref<251904x128xf32, #tpu.memory_space<hbm>>
    tpu.enqueue_indirect_dma source(%dma_start3A_127 : memref<251904x128xf32, #tpu.memory_space<hbm>>) target(%dma_start3A_124 : memref<16x128xf32, #tpu.memory_space<vmem>>) offsets(%get3A_116 : vector<16xi32>) semaphore(%arg11 : memref<!tpu.dma_semaphore, #tpu.memory_space<semaphore_mem>>)
    %dma_start3A_128 = arith.constant 80 : i32
    %dma_start3A_129 = arith.constant 0 : i32
    %dma_start3A_130 = tpu.memref_slice %arg10[%dma_start3A_128, %dma_start3A_129] : memref<256x128xf32, #tpu.memory_space<vmem>> -> memref<16x128xf32, #tpu.memory_space<vmem>>
    %dma_start3A_131 = arith.constant 0 : i32
    %dma_start3A_132 = arith.constant 0 : i32
    %dma_start3A_133 = tpu.memref_slice %arg5[%dma_start3A_131, %dma_start3A_132] : memref<251904x128xf32, #tpu.memory_space<hbm>> -> memref<251904x128xf32, #tpu.memory_space<hbm>>
    tpu.enqueue_indirect_dma source(%dma_start3A_133 : memref<251904x128xf32, #tpu.memory_space<hbm>>) target(%dma_start3A_130 : memref<16x128xf32, #tpu.memory_space<vmem>>) offsets(%get3A_121 : vector<16xi32>) semaphore(%arg11 : memref<!tpu.dma_semaphore, #tpu.memory_space<semaphore_mem>>)
    %get3A_134 = arith.constant 0 : i32
    %get3A_135 = arith.index_cast %get3A_134 : i32 to index
    %get3A_136 = arith.constant 96 : index
    %get3A_137 = tpu.vector_load %arg8[%get3A_135, %get3A_136] {strides = array<i32>} : memref<2x512xi32, #tpu.memory_space<vmem>>, vector<1x16xi32>,
    %get3A_138 = vector.shape_cast %get3A_137 : vector<1x16xi32> to vector<16xi32>
    %get3A_139 = arith.constant 1 : i32
    %get3A_140 = arith.index_cast %get3A_139 : i32 to index
    %get3A_141 = arith.constant 96 : index
    %get3A_142 = tpu.vector_load %arg8[%get3A_140, %get3A_141] {strides = array<i32>} : memref<2x512xi32, #tpu.memory_space<vmem>>, vector<1x16xi32>,
    %get3A_143 = vector.shape_cast %get3A_142 : vector<1x16xi32> to vector<16xi32>
    %dma_start3A_144 = arith.constant 96 : i32
    %dma_start3A_145 = arith.constant 0 : i32
    %dma_start3A_146 = tpu.memref_slice %arg9[%dma_start3A_144, %dma_start3A_145] : memref<256x128xf32, #tpu.memory_space<vmem>> -> memref<16x128xf32, #tpu.memory_space<vmem>>
    %dma_start3A_147 = arith.constant 0 : i32
    %dma_start3A_148 = arith.constant 0 : i32
    %dma_start3A_149 = tpu.memref_slice %arg4[%dma_start3A_147, %dma_start3A_148] : memref<251904x128xf32, #tpu.memory_space<hbm>> -> memref<251904x128xf32, #tpu.memory_space<hbm>>
    tpu.enqueue_indirect_dma source(%dma_start3A_149 : memref<251904x128xf32, #tpu.memory_space<hbm>>) target(%dma_start3A_146 : memref<16x128xf32, #tpu.memory_space<vmem>>) offsets(%get3A_138 : vector<16xi32>) semaphore(%arg11 : memref<!tpu.dma_semaphore, #tpu.memory_space<semaphore_mem>>)
    %dma_start3A_150 = arith.constant 96 : i32
    %dma_start3A_151 = arith.constant 0 : i32
    %dma_start3A_152 = tpu.memref_slice %arg10[%dma_start3A_150, %dma_start3A_151] : memref<256x128xf32, #tpu.memory_space<vmem>> -> memref<16x128xf32, #tpu.memory_space<vmem>>
    %dma_start3A_153 = arith.constant 0 : i32
    %dma_start3A_154 = arith.constant 0 : i32
    %dma_start3A_155 = tpu.memref_slice %arg5[%dma_start3A_153, %dma_start3A_154] : memref<251904x128xf32, #tpu.memory_space<hbm>> -> memref<251904x128xf32, #tpu.memory_space<hbm>>
    tpu.enqueue_indirect_dma source(%dma_start3A_155 : memref<251904x128xf32, #tpu.memory_space<hbm>>) target(%dma_start3A_152 : memref<16x128xf32, #tpu.memory_space<vmem>>) offsets(%get3A_143 : vector<16xi32>) semaphore(%arg11 : memref<!tpu.dma_semaphore, #tpu.memory_space<semaphore_mem>>)
    %get3A_156 = arith.constant 0 : i32
    %get3A_157 = arith.index_cast %get3A_156 : i32 to index
    %get3A_158 = arith.constant 112 : index
    %get3A_159 = tpu.vector_load %arg8[%get3A_157, %get3A_158] {strides = array<i32>} : memref<2x512xi32, #tpu.memory_space<vmem>>, vector<1x16xi32>,
    %get3A_160 = vector.shape_cast %get3A_159 : vector<1x16xi32> to vector<16xi32>
    %get3A_161 = arith.constant 1 : i32
    %get3A_162 = arith.index_cast %get3A_161 : i32 to index
    %get3A_163 = arith.constant 112 : index
    %get3A_164 = tpu.vector_load %arg8[%get3A_162, %get3A_163] {strides = array<i32>} : memref<2x512xi32, #tpu.memory_space<vmem>>, vector<1x16xi32>,
    %get3A_165 = vector.shape_cast %get3A_164 : vector<1x16xi32> to vector<16xi32>
    %dma_start3A_166 = arith.constant 112 : i32
    %dma_start3A_167 = arith.constant 0 : i32
    %dma_start3A_168 = tpu.memref_slice %arg9[%dma_start3A_166, %dma_start3A_167] : memref<256x128xf32, #tpu.memory_space<vmem>> -> memref<16x128xf32, #tpu.memory_space<vmem>>
    %dma_start3A_169 = arith.constant 0 : i32
    %dma_start3A_170 = arith.constant 0 : i32
    %dma_start3A_171 = tpu.memref_slice %arg4[%dma_start3A_169, %dma_start3A_170] : memref<251904x128xf32, #tpu.memory_space<hbm>> -> memref<251904x128xf32, #tpu.memory_space<hbm>>
    tpu.enqueue_indirect_dma source(%dma_start3A_171 : memref<251904x128xf32, #tpu.memory_space<hbm>>) target(%dma_start3A_168 : memref<16x128xf32, #tpu.memory_space<vmem>>) offsets(%get3A_160 : vector<16xi32>) semaphore(%arg11 : memref<!tpu.dma_semaphore, #tpu.memory_space<semaphore_mem>>)
    %dma_start3A_172 = arith.constant 112 : i32
    %dma_start3A_173 = arith.constant 0 : i32
    %dma_start3A_174 = tpu.memref_slice %arg10[%dma_start3A_172, %dma_start3A_173] : memref<256x128xf32, #tpu.memory_space<vmem>> -> memref<16x128xf32, #tpu.memory_space<vmem>>
    %dma_start3A_175 = arith.constant 0 : i32
    %dma_start3A_176 = arith.constant 0 : i32
    %dma_start3A_177 = tpu.memref_slice %arg5[%dma_start3A_175, %dma_start3A_176] : memref<251904x128xf32, #tpu.memory_space<hbm>> -> memref<251904x128xf32, #tpu.memory_space<hbm>>
    tpu.enqueue_indirect_dma source(%dma_start3A_177 : memref<251904x128xf32, #tpu.memory_space<hbm>>) target(%dma_start3A_174 : memref<16x128xf32, #tpu.memory_space<vmem>>) offsets(%get3A_165 : vector<16xi32>) semaphore(%arg11 : memref<!tpu.dma_semaphore, #tpu.memory_space<semaphore_mem>>)
    %get3A_178 = arith.constant 0 : i32
    %get3A_179 = arith.index_cast %get3A_178 : i32 to index
    %get3A_180 = arith.constant 128 : index
    %get3A_181 = tpu.vector_load %arg8[%get3A_179, %get3A_180] {strides = array<i32>} : memref<2x512xi32, #tpu.memory_space<vmem>>, vector<1x16xi32>,
    %get3A_182 = vector.shape_cast %get3A_181 : vector<1x16xi32> to vector<16xi32>
    %get3A_183 = arith.constant 1 : i32
    %get3A_184 = arith.index_cast %get3A_183 : i32 to index
    %get3A_185 = arith.constant 128 : index
    %get3A_186 = tpu.vector_load %arg8[%get3A_184, %get3A_185] {strides = array<i32>} : memref<2x512xi32, #tpu.memory_space<vmem>>, vector<1x16xi32>,
    %get3A_187 = vector.shape_cast %get3A_186 : vector<1x16xi32> to vector<16xi32>
    %dma_start3A_188 = arith.constant 128 : i32
    %dma_start3A_189 = arith.constant 0 : i32
    %dma_start3A_190 = tpu.memref_slice %arg9[%dma_start3A_188, %dma_start3A_189] : memref<256x128xf32, #tpu.memory_space<vmem>> -> memref<16x128xf32, #tpu.memory_space<vmem>>
    %dma_start3A_191 = arith.constant 0 : i32
    %dma_start3A_192 = arith.constant 0 : i32
    %dma_start3A_193 = tpu.memref_slice %arg4[%dma_start3A_191, %dma_start3A_192] : memref<251904x128xf32, #tpu.memory_space<hbm>> -> memref<251904x128xf32, #tpu.memory_space<hbm>>
    tpu.enqueue_indirect_dma source(%dma_start3A_193 : memref<251904x128xf32, #tpu.memory_space<hbm>>) target(%dma_start3A_190 : memref<16x128xf32, #tpu.memory_space<vmem>>) offsets(%get3A_182 : vector<16xi32>) semaphore(%arg11 : memref<!tpu.dma_semaphore, #tpu.memory_space<semaphore_mem>>)
    %dma_start3A_194 = arith.constant 128 : i32
    %dma_start3A_195 = arith.constant 0 : i32
    %dma_start3A_196 = tpu.memref_slice %arg10[%dma_start3A_194, %dma_start3A_195] : memref<256x128xf32, #tpu.memory_space<vmem>> -> memref<16x128xf32, #tpu.memory_space<vmem>>
    %dma_start3A_197 = arith.constant 0 : i32
    %dma_start3A_198 = arith.constant 0 : i32
    %dma_start3A_199 = tpu.memref_slice %arg5[%dma_start3A_197, %dma_start3A_198] : memref<251904x128xf32, #tpu.memory_space<hbm>> -> memref<251904x128xf32, #tpu.memory_space<hbm>>
    tpu.enqueue_indirect_dma source(%dma_start3A_199 : memref<251904x128xf32, #tpu.memory_space<hbm>>) target(%dma_start3A_196 : memref<16x128xf32, #tpu.memory_space<vmem>>) offsets(%get3A_187 : vector<16xi32>) semaphore(%arg11 : memref<!tpu.dma_semaphore, #tpu.memory_space<semaphore_mem>>)
    %get3A_200 = arith.constant 0 : i32
    %get3A_201 = arith.index_cast %get3A_200 : i32 to index
    %get3A_202 = arith.constant 144 : index
    %get3A_203 = tpu.vector_load %arg8[%get3A_201, %get3A_202] {strides = array<i32>} : memref<2x512xi32, #tpu.memory_space<vmem>>, vector<1x16xi32>,
    %get3A_204 = vector.shape_cast %get3A_203 : vector<1x16xi32> to vector<16xi32>
    %get3A_205 = arith.constant 1 : i32
    %get3A_206 = arith.index_cast %get3A_205 : i32 to index
    %get3A_207 = arith.constant 144 : index
    %get3A_208 = tpu.vector_load %arg8[%get3A_206, %get3A_207] {strides = array<i32>} : memref<2x512xi32, #tpu.memory_space<vmem>>, vector<1x16xi32>,
    %get3A_209 = vector.shape_cast %get3A_208 : vector<1x16xi32> to vector<16xi32>
    %dma_start3A_210 = arith.constant 144 : i32
    %dma_start3A_211 = arith.constant 0 : i32
    %dma_start3A_212 = tpu.memref_slice %arg9[%dma_start3A_210, %dma_start3A_211] : memref<256x128xf32, #tpu.memory_space<vmem>> -> memref<16x128xf32, #tpu.memory_space<vmem>>
    %dma_start3A_213 = arith.constant 0 : i32
    %dma_start3A_214 = arith.constant 0 : i32
    %dma_start3A_215 = tpu.memref_slice %arg4[%dma_start3A_213, %dma_start3A_214] : memref<251904x128xf32, #tpu.memory_space<hbm>> -> memref<251904x128xf32, #tpu.memory_space<hbm>>
    tpu.enqueue_indirect_dma source(%dma_start3A_215 : memref<251904x128xf32, #tpu.memory_space<hbm>>) target(%dma_start3A_212 : memref<16x128xf32, #tpu.memory_space<vmem>>) offsets(%get3A_204 : vector<16xi32>) semaphore(%arg11 : memref<!tpu.dma_semaphore, #tpu.memory_space<semaphore_mem>>)
    %dma_start3A_216 = arith.constant 144 : i32
    %dma_start3A_217 = arith.constant 0 : i32
    %dma_start3A_218 = tpu.memref_slice %arg10[%dma_start3A_216, %dma_start3A_217] : memref<256x128xf32, #tpu.memory_space<vmem>> -> memref<16x128xf32, #tpu.memory_space<vmem>>
    %dma_start3A_219 = arith.constant 0 : i32
    %dma_start3A_220 = arith.constant 0 : i32
    %dma_start3A_221 = tpu.memref_slice %arg5[%dma_start3A_219, %dma_start3A_220] : memref<251904x128xf32, #tpu.memory_space<hbm>> -> memref<251904x128xf32, #tpu.memory_space<hbm>>
    tpu.enqueue_indirect_dma source(%dma_start3A_221 : memref<251904x128xf32, #tpu.memory_space<hbm>>) target(%dma_start3A_218 : memref<16x128xf32, #tpu.memory_space<vmem>>) offsets(%get3A_209 : vector<16xi32>) semaphore(%arg11 : memref<!tpu.dma_semaphore, #tpu.memory_space<semaphore_mem>>)
    %get3A_222 = arith.constant 0 : i32
    %get3A_223 = arith.index_cast %get3A_222 : i32 to index
    %get3A_224 = arith.constant 160 : index
    %get3A_225 = tpu.vector_load %arg8[%get3A_223, %get3A_224] {strides = array<i32>} : memref<2x512xi32, #tpu.memory_space<vmem>>, vector<1x16xi32>,
    %get3A_226 = vector.shape_cast %get3A_225 : vector<1x16xi32> to vector<16xi32>
    %get3A_227 = arith.constant 1 : i32
    %get3A_228 = arith.index_cast %get3A_227 : i32 to index
    %get3A_229 = arith.constant 160 : index
    %get3A_230 = tpu.vector_load %arg8[%get3A_228, %get3A_229] {strides = array<i32>} : memref<2x512xi32, #tpu.memory_space<vmem>>, vector<1x16xi32>,
    %get3A_231 = vector.shape_cast %get3A_230 : vector<1x16xi32> to vector<16xi32>
    %dma_start3A_232 = arith.constant 160 : i32
    %dma_start3A_233 = arith.constant 0 : i32
    %dma_start3A_234 = tpu.memref_slice %arg9[%dma_start3A_232, %dma_start3A_233] : memref<256x128xf32, #tpu.memory_space<vmem>> -> memref<16x128xf32, #tpu.memory_space<vmem>>
    %dma_start3A_235 = arith.constant 0 : i32
    %dma_start3A_236 = arith.constant 0 : i32
    %dma_start3A_237 = tpu.memref_slice %arg4[%dma_start3A_235, %dma_start3A_236] : memref<251904x128xf32, #tpu.memory_space<hbm>> -> memref<251904x128xf32, #tpu.memory_space<hbm>>
    tpu.enqueue_indirect_dma source(%dma_start3A_237 : memref<251904x128xf32, #tpu.memory_space<hbm>>) target(%dma_start3A_234 : memref<16x128xf32, #tpu.memory_space<vmem>>) offsets(%get3A_226 : vector<16xi32>) semaphore(%arg11 : memref<!tpu.dma_semaphore, #tpu.memory_space<semaphore_mem>>)
    %dma_start3A_238 = arith.constant 160 : i32
    %dma_start3A_239 = arith.constant 0 : i32
    %dma_start3A_240 = tpu.memref_slice %arg10[%dma_start3A_238, %dma_start3A_239] : memref<256x128xf32, #tpu.memory_space<vmem>> -> memref<16x128xf32, #tpu.memory_space<vmem>>
    %dma_start3A_241 = arith.constant 0 : i32
    %dma_start3A_242 = arith.constant 0 : i32
    %dma_start3A_243 = tpu.memref_slice %arg5[%dma_start3A_241, %dma_start3A_242] : memref<251904x128xf32, #tpu.memory_space<hbm>> -> memref<251904x128xf32, #tpu.memory_space<hbm>>
    tpu.enqueue_indirect_dma source(%dma_start3A_243 : memref<251904x128xf32, #tpu.memory_space<hbm>>) target(%dma_start3A_240 : memref<16x128xf32, #tpu.memory_space<vmem>>) offsets(%get3A_231 : vector<16xi32>) semaphore(%arg11 : memref<!tpu.dma_semaphore, #tpu.memory_space<semaphore_mem>>)
    %get3A_244 = arith.constant 0 : i32
    %get3A_245 = arith.index_cast %get3A_244 : i32 to index
    %get3A_246 = arith.constant 176 : index
    %get3A_247 = tpu.vector_load %arg8[%get3A_245, %get3A_246] {strides = array<i32>} : memref<2x512xi32, #tpu.memory_space<vmem>>, vector<1x16xi32>,
    %get3A_248 = vector.shape_cast %get3A_247 : vector<1x16xi32> to vector<16xi32>
    %get3A_249 = arith.constant 1 : i32
    %get3A_250 = arith.index_cast %get3A_249 : i32 to index
    %get3A_251 = arith.constant 176 : index
    %get3A_252 = tpu.vector_load %arg8[%get3A_250, %get3A_251] {strides = array<i32>} : memref<2x512xi32, #tpu.memory_space<vmem>>, vector<1x16xi32>,
    %get3A_253 = vector.shape_cast %get3A_252 : vector<1x16xi32> to vector<16xi32>
    %dma_start3A_254 = arith.constant 176 : i32
    %dma_start3A_255 = arith.constant 0 : i32
    %dma_start3A_256 = tpu.memref_slice %arg9[%dma_start3A_254, %dma_start3A_255] : memref<256x128xf32, #tpu.memory_space<vmem>> -> memref<16x128xf32, #tpu.memory_space<vmem>>
    %dma_start3A_257 = arith.constant 0 : i32
    %dma_start3A_258 = arith.constant 0 : i32
    %dma_start3A_259 = tpu.memref_slice %arg4[%dma_start3A_257, %dma_start3A_258] : memref<251904x128xf32, #tpu.memory_space<hbm>> -> memref<251904x128xf32, #tpu.memory_space<hbm>>
    tpu.enqueue_indirect_dma source(%dma_start3A_259 : memref<251904x128xf32, #tpu.memory_space<hbm>>) target(%dma_start3A_256 : memref<16x128xf32, #tpu.memory_space<vmem>>) offsets(%get3A_248 : vector<16xi32>) semaphore(%arg11 : memref<!tpu.dma_semaphore, #tpu.memory_space<semaphore_mem>>)
    %dma_start3A_260 = arith.constant 176 : i32
    %dma_start3A_261 = arith.constant 0 : i32
    %dma_start3A_262 = tpu.memref_slice %arg10[%dma_start3A_260, %dma_start3A_261] : memref<256x128xf32, #tpu.memory_space<vmem>> -> memref<16x128xf32, #tpu.memory_space<vmem>>
    %dma_start3A_263 = arith.constant 0 : i32
    %dma_start3A_264 = arith.constant 0 : i32
    %dma_start3A_265 = tpu.memref_slice %arg5[%dma_start3A_263, %dma_start3A_264] : memref<251904x128xf32, #tpu.memory_space<hbm>> -> memref<251904x128xf32, #tpu.memory_space<hbm>>
    tpu.enqueue_indirect_dma source(%dma_start3A_265 : memref<251904x128xf32, #tpu.memory_space<hbm>>) target(%dma_start3A_262 : memref<16x128xf32, #tpu.memory_space<vmem>>) offsets(%get3A_253 : vector<16xi32>) semaphore(%arg11 : memref<!tpu.dma_semaphore, #tpu.memory_space<semaphore_mem>>)
    %get3A_266 = arith.constant 0 : i32
    %get3A_267 = arith.index_cast %get3A_266 : i32 to index
    %get3A_268 = arith.constant 192 : index
    %get3A_269 = tpu.vector_load %arg8[%get3A_267, %get3A_268] {strides = array<i32>} : memref<2x512xi32, #tpu.memory_space<vmem>>, vector<1x16xi32>,
    %get3A_270 = vector.shape_cast %get3A_269 : vector<1x16xi32> to vector<16xi32>
    %get3A_271 = arith.constant 1 : i32
    %get3A_272 = arith.index_cast %get3A_271 : i32 to index
    %get3A_273 = arith.constant 192 : index
    %get3A_274 = tpu.vector_load %arg8[%get3A_272, %get3A_273] {strides = array<i32>} : memref<2x512xi32, #tpu.memory_space<vmem>>, vector<1x16xi32>,
    %get3A_275 = vector.shape_cast %get3A_274 : vector<1x16xi32> to vector<16xi32>
    %dma_start3A_276 = arith.constant 192 : i32
    %dma_start3A_277 = arith.constant 0 : i32
    %dma_start3A_278 = tpu.memref_slice %arg9[%dma_start3A_276, %dma_start3A_277] : memref<256x128xf32, #tpu.memory_space<vmem>> -> memref<16x128xf32, #tpu.memory_space<vmem>>
    %dma_start3A_279 = arith.constant 0 : i32
    %dma_start3A_280 = arith.constant 0 : i32
    %dma_start3A_281 = tpu.memref_slice %arg4[%dma_start3A_279, %dma_start3A_280] : memref<251904x128xf32, #tpu.memory_space<hbm>> -> memref<251904x128xf32, #tpu.memory_space<hbm>>
    tpu.enqueue_indirect_dma source(%dma_start3A_281 : memref<251904x128xf32, #tpu.memory_space<hbm>>) target(%dma_start3A_278 : memref<16x128xf32, #tpu.memory_space<vmem>>) offsets(%get3A_270 : vector<16xi32>) semaphore(%arg11 : memref<!tpu.dma_semaphore, #tpu.memory_space<semaphore_mem>>)
    %dma_start3A_282 = arith.constant 192 : i32
    %dma_start3A_283 = arith.constant 0 : i32
    %dma_start3A_284 = tpu.memref_slice %arg10[%dma_start3A_282, %dma_start3A_283] : memref<256x128xf32, #tpu.memory_space<vmem>> -> memref<16x128xf32, #tpu.memory_space<vmem>>
    %dma_start3A_285 = arith.constant 0 : i32
    %dma_start3A_286 = arith.constant 0 : i32
    %dma_start3A_287 = tpu.memref_slice %arg5[%dma_start3A_285, %dma_start3A_286] : memref<251904x128xf32, #tpu.memory_space<hbm>> -> memref<251904x128xf32, #tpu.memory_space<hbm>>
    tpu.enqueue_indirect_dma source(%dma_start3A_287 : memref<251904x128xf32, #tpu.memory_space<hbm>>) target(%dma_start3A_284 : memref<16x128xf32, #tpu.memory_space<vmem>>) offsets(%get3A_275 : vector<16xi32>) semaphore(%arg11 : memref<!tpu.dma_semaphore, #tpu.memory_space<semaphore_mem>>)
    %get3A_288 = arith.constant 0 : i32
    %get3A_289 = arith.index_cast %get3A_288 : i32 to index
    %get3A_290 = arith.constant 208 : index
    %get3A_291 = tpu.vector_load %arg8[%get3A_289, %get3A_290] {strides = array<i32>} : memref<2x512xi32, #tpu.memory_space<vmem>>, vector<1x16xi32>,
    %get3A_292 = vector.shape_cast %get3A_291 : vector<1x16xi32> to vector<16xi32>
    %get3A_293 = arith.constant 1 : i32
    %get3A_294 = arith.index_cast %get3A_293 : i32 to index
    %get3A_295 = arith.constant 208 : index
    %get3A_296 = tpu.vector_load %arg8[%get3A_294, %get3A_295] {strides = array<i32>} : memref<2x512xi32, #tpu.memory_space<vmem>>, vector<1x16xi32>,
    %get3A_297 = vector.shape_cast %get3A_296 : vector<1x16xi32> to vector<16xi32>
    %dma_start3A_298 = arith.constant 208 : i32
    %dma_start3A_299 = arith.constant 0 : i32
    %dma_start3A_300 = tpu.memref_slice %arg9[%dma_start3A_298, %dma_start3A_299] : memref<256x128xf32, #tpu.memory_space<vmem>> -> memref<16x128xf32, #tpu.memory_space<vmem>>
    %dma_start3A_301 = arith.constant 0 : i32
    %dma_start3A_302 = arith.constant 0 : i32
    %dma_start3A_303 = tpu.memref_slice %arg4[%dma_start3A_301, %dma_start3A_302] : memref<251904x128xf32, #tpu.memory_space<hbm>> -> memref<251904x128xf32, #tpu.memory_space<hbm>>
    tpu.enqueue_indirect_dma source(%dma_start3A_303 : memref<251904x128xf32, #tpu.memory_space<hbm>>) target(%dma_start3A_300 : memref<16x128xf32, #tpu.memory_space<vmem>>) offsets(%get3A_292 : vector<16xi32>) semaphore(%arg11 : memref<!tpu.dma_semaphore, #tpu.memory_space<semaphore_mem>>)
    %dma_start3A_304 = arith.constant 208 : i32
    %dma_start3A_305 = arith.constant 0 : i32
    %dma_start3A_306 = tpu.memref_slice %arg10[%dma_start3A_304, %dma_start3A_305] : memref<256x128xf32, #tpu.memory_space<vmem>> -> memref<16x128xf32, #tpu.memory_space<vmem>>
    %dma_start3A_307 = arith.constant 0 : i32
    %dma_start3A_308 = arith.constant 0 : i32
    %dma_start3A_309 = tpu.memref_slice %arg5[%dma_start3A_307, %dma_start3A_308] : memref<251904x128xf32, #tpu.memory_space<hbm>> -> memref<251904x128xf32, #tpu.memory_space<hbm>>
    tpu.enqueue_indirect_dma source(%dma_start3A_309 : memref<251904x128xf32, #tpu.memory_space<hbm>>) target(%dma_start3A_306 : memref<16x128xf32, #tpu.memory_space<vmem>>) offsets(%get3A_297 : vector<16xi32>) semaphore(%arg11 : memref<!tpu.dma_semaphore, #tpu.memory_space<semaphore_mem>>)
    %get3A_310 = arith.constant 0 : i32
    %get3A_311 = arith.index_cast %get3A_310 : i32 to index
    %get3A_312 = arith.constant 224 : index
    %get3A_313 = tpu.vector_load %arg8[%get3A_311, %get3A_312] {strides = array<i32>} : memref<2x512xi32, #tpu.memory_space<vmem>>, vector<1x16xi32>,
    %get3A_314 = vector.shape_cast %get3A_313 : vector<1x16xi32> to vector<16xi32>
    %get3A_315 = arith.constant 1 : i32
    %get3A_316 = arith.index_cast %get3A_315 : i32 to index
    %get3A_317 = arith.constant 224 : index
    %get3A_318 = tpu.vector_load %arg8[%get3A_316, %get3A_317] {strides = array<i32>} : memref<2x512xi32, #tpu.memory_space<vmem>>, vector<1x16xi32>,
    %get3A_319 = vector.shape_cast %get3A_318 : vector<1x16xi32> to vector<16xi32>
    %dma_start3A_320 = arith.constant 224 : i32
    %dma_start3A_321 = arith.constant 0 : i32
    %dma_start3A_322 = tpu.memref_slice %arg9[%dma_start3A_320, %dma_start3A_321] : memref<256x128xf32, #tpu.memory_space<vmem>> -> memref<16x128xf32, #tpu.memory_space<vmem>>
    %dma_start3A_323 = arith.constant 0 : i32
    %dma_start3A_324 = arith.constant 0 : i32
    %dma_start3A_325 = tpu.memref_slice %arg4[%dma_start3A_323, %dma_start3A_324] : memref<251904x128xf32, #tpu.memory_space<hbm>> -> memref<251904x128xf32, #tpu.memory_space<hbm>>
    tpu.enqueue_indirect_dma source(%dma_start3A_325 : memref<251904x128xf32, #tpu.memory_space<hbm>>) target(%dma_start3A_322 : memref<16x128xf32, #tpu.memory_space<vmem>>) offsets(%get3A_314 : vector<16xi32>) semaphore(%arg11 : memref<!tpu.dma_semaphore, #tpu.memory_space<semaphore_mem>>)
    %dma_start3A_326 = arith.constant 224 : i32
    %dma_start3A_327 = arith.constant 0 : i32
    %dma_start3A_328 = tpu.memref_slice %arg10[%dma_start3A_326, %dma_start3A_327] : memref<256x128xf32, #tpu.memory_space<vmem>> -> memref<16x128xf32, #tpu.memory_space<vmem>>
    %dma_start3A_329 = arith.constant 0 : i32
    %dma_start3A_330 = arith.constant 0 : i32
    %dma_start3A_331 = tpu.memref_slice %arg5[%dma_start3A_329, %dma_start3A_330] : memref<251904x128xf32, #tpu.memory_space<hbm>> -> memref<251904x128xf32, #tpu.memory_space<hbm>>
    tpu.enqueue_indirect_dma source(%dma_start3A_331 : memref<251904x128xf32, #tpu.memory_space<hbm>>) target(%dma_start3A_328 : memref<16x128xf32, #tpu.memory_space<vmem>>) offsets(%get3A_319 : vector<16xi32>) semaphore(%arg11 : memref<!tpu.dma_semaphore, #tpu.memory_space<semaphore_mem>>)
    %get3A_332 = arith.constant 0 : i32
    %get3A_333 = arith.index_cast %get3A_332 : i32 to index
    %get3A_334 = arith.constant 240 : index
    %get3A_335 = tpu.vector_load %arg8[%get3A_333, %get3A_334] {strides = array<i32>} : memref<2x512xi32, #tpu.memory_space<vmem>>, vector<1x16xi32>,
    %get3A_336 = vector.shape_cast %get3A_335 : vector<1x16xi32> to vector<16xi32>
    %get3A_337 = arith.constant 1 : i32
    %get3A_338 = arith.index_cast %get3A_337 : i32 to index
    %get3A_339 = arith.constant 240 : index
    %get3A_340 = tpu.vector_load %arg8[%get3A_338, %get3A_339] {strides = array<i32>} : memref<2x512xi32, #tpu.memory_space<vmem>>, vector<1x16xi32>,
    %get3A_341 = vector.shape_cast %get3A_340 : vector<1x16xi32> to vector<16xi32>
    %dma_start3A_342 = arith.constant 240 : i32
    %dma_start3A_343 = arith.constant 0 : i32
    %dma_start3A_344 = tpu.memref_slice %arg9[%dma_start3A_342, %dma_start3A_343] : memref<256x128xf32, #tpu.memory_space<vmem>> -> memref<16x128xf32, #tpu.memory_space<vmem>>
    %dma_start3A_345 = arith.constant 0 : i32
    %dma_start3A_346 = arith.constant 0 : i32
    %dma_start3A_347 = tpu.memref_slice %arg4[%dma_start3A_345, %dma_start3A_346] : memref<251904x128xf32, #tpu.memory_space<hbm>> -> memref<251904x128xf32, #tpu.memory_space<hbm>>
    tpu.enqueue_indirect_dma source(%dma_start3A_347 : memref<251904x128xf32, #tpu.memory_space<hbm>>) target(%dma_start3A_344 : memref<16x128xf32, #tpu.memory_space<vmem>>) offsets(%get3A_336 : vector<16xi32>) semaphore(%arg11 : memref<!tpu.dma_semaphore, #tpu.memory_space<semaphore_mem>>)
    %dma_start3A_348 = arith.constant 240 : i32
    %dma_start3A_349 = arith.constant 0 : i32
    %dma_start3A_350 = tpu.memref_slice %arg10[%dma_start3A_348, %dma_start3A_349] : memref<256x128xf32, #tpu.memory_space<vmem>> -> memref<16x128xf32, #tpu.memory_space<vmem>>
    %dma_start3A_351 = arith.constant 0 : i32
    %dma_start3A_352 = arith.constant 0 : i32
    %dma_start3A_353 = tpu.memref_slice %arg5[%dma_start3A_351, %dma_start3A_352] : memref<251904x128xf32, #tpu.memory_space<hbm>> -> memref<251904x128xf32, #tpu.memory_space<hbm>>
    tpu.enqueue_indirect_dma source(%dma_start3A_353 : memref<251904x128xf32, #tpu.memory_space<hbm>>) target(%dma_start3A_350 : memref<16x128xf32, #tpu.memory_space<vmem>>) offsets(%get3A_341 : vector<16xi32>) semaphore(%arg11 : memref<!tpu.dma_semaphore, #tpu.memory_space<semaphore_mem>>)
    %dma_wait3A = arith.constant 0 : i32
    %dma_wait3A_354 = arith.constant 0 : i32
    %dma_wait3A_355 = tpu.memref_slice %arg9[%dma_wait3A, %dma_wait3A_354] : memref<256x128xf32, #tpu.memory_space<vmem>> -> memref<16x128xf32, #tpu.memory_space<vmem>>
    %dma_wait3A_356 = arith.constant 0 : i32
    %dma_wait3A_357 = arith.constant 0 : i32
    %dma_wait3A_358 = tpu.memref_slice %arg4[%dma_wait3A_356, %dma_wait3A_357] : memref<251904x128xf32, #tpu.memory_space<hbm>> -> memref<251904x128xf32, #tpu.memory_space<hbm>>
    tpu.wait_indirect_dma semaphore(%arg11 : memref<!tpu.dma_semaphore, #tpu.memory_space<semaphore_mem>>) src(%dma_wait3A_358 : memref<251904x128xf32, #tpu.memory_space<hbm>>) dst(%dma_wait3A_355 : memref<16x128xf32, #tpu.memory_space<vmem>>)
    %dma_wait3A_359 = arith.constant 0 : i32
    %dma_wait3A_360 = arith.constant 0 : i32
    %dma_wait3A_361 = tpu.memref_slice %arg10[%dma_wait3A_359, %dma_wait3A_360] : memref<256x128xf32, #tpu.memory_space<vmem>> -> memref<16x128xf32, #tpu.memory_space<vmem>>
    %dma_wait3A_362 = arith.constant 0 : i32
    %dma_wait3A_363 = arith.constant 0 : i32
    %dma_wait3A_364 = tpu.memref_slice %arg5[%dma_wait3A_362, %dma_wait3A_363] : memref<251904x128xf32, #tpu.memory_space<hbm>> -> memref<251904x128xf32, #tpu.memory_space<hbm>>
    tpu.wait_indirect_dma semaphore(%arg11 : memref<!tpu.dma_semaphore, #tpu.memory_space<semaphore_mem>>) src(%dma_wait3A_364 : memref<251904x128xf32, #tpu.memory_space<hbm>>) dst(%dma_wait3A_361 : memref<16x128xf32, #tpu.memory_space<vmem>>)
    %dma_wait3A_365 = arith.constant 16 : i32
    %dma_wait3A_366 = arith.constant 0 : i32
    %dma_wait3A_367 = tpu.memref_slice %arg9[%dma_wait3A_365, %dma_wait3A_366] : memref<256x128xf32, #tpu.memory_space<vmem>> -> memref<16x128xf32, #tpu.memory_space<vmem>>
    %dma_wait3A_368 = arith.constant 0 : i32
    %dma_wait3A_369 = arith.constant 0 : i32
    %dma_wait3A_370 = tpu.memref_slice %arg4[%dma_wait3A_368, %dma_wait3A_369] : memref<251904x128xf32, #tpu.memory_space<hbm>> -> memref<251904x128xf32, #tpu.memory_space<hbm>>
    tpu.wait_indirect_dma semaphore(%arg11 : memref<!tpu.dma_semaphore, #tpu.memory_space<semaphore_mem>>) src(%dma_wait3A_370 : memref<251904x128xf32, #tpu.memory_space<hbm>>) dst(%dma_wait3A_367 : memref<16x128xf32, #tpu.memory_space<vmem>>)
    %dma_wait3A_371 = arith.constant 16 : i32
    %dma_wait3A_372 = arith.constant 0 : i32
    %dma_wait3A_373 = tpu.memref_slice %arg10[%dma_wait3A_371, %dma_wait3A_372] : memref<256x128xf32, #tpu.memory_space<vmem>> -> memref<16x128xf32, #tpu.memory_space<vmem>>
    %dma_wait3A_374 = arith.constant 0 : i32
    %dma_wait3A_375 = arith.constant 0 : i32
    %dma_wait3A_376 = tpu.memref_slice %arg5[%dma_wait3A_374, %dma_wait3A_375] : memref<251904x128xf32, #tpu.memory_space<hbm>> -> memref<251904x128xf32, #tpu.memory_space<hbm>>
    tpu.wait_indirect_dma semaphore(%arg11 : memref<!tpu.dma_semaphore, #tpu.memory_space<semaphore_mem>>) src(%dma_wait3A_376 : memref<251904x128xf32, #tpu.memory_space<hbm>>) dst(%dma_wait3A_373 : memref<16x128xf32, #tpu.memory_space<vmem>>)
    %dma_wait3A_377 = arith.constant 32 : i32
    %dma_wait3A_378 = arith.constant 0 : i32
    %dma_wait3A_379 = tpu.memref_slice %arg9[%dma_wait3A_377, %dma_wait3A_378] : memref<256x128xf32, #tpu.memory_space<vmem>> -> memref<16x128xf32, #tpu.memory_space<vmem>>
    %dma_wait3A_380 = arith.constant 0 : i32
    %dma_wait3A_381 = arith.constant 0 : i32
    %dma_wait3A_382 = tpu.memref_slice %arg4[%dma_wait3A_380, %dma_wait3A_381] : memref<251904x128xf32, #tpu.memory_space<hbm>> -> memref<251904x128xf32, #tpu.memory_space<hbm>>
    tpu.wait_indirect_dma semaphore(%arg11 : memref<!tpu.dma_semaphore, #tpu.memory_space<semaphore_mem>>) src(%dma_wait3A_382 : memref<251904x128xf32, #tpu.memory_space<hbm>>) dst(%dma_wait3A_379 : memref<16x128xf32, #tpu.memory_space<vmem>>)
    %dma_wait3A_383 = arith.constant 32 : i32
    %dma_wait3A_384 = arith.constant 0 : i32
    %dma_wait3A_385 = tpu.memref_slice %arg10[%dma_wait3A_383, %dma_wait3A_384] : memref<256x128xf32, #tpu.memory_space<vmem>> -> memref<16x128xf32, #tpu.memory_space<vmem>>
    %dma_wait3A_386 = arith.constant 0 : i32
    %dma_wait3A_387 = arith.constant 0 : i32
    %dma_wait3A_388 = tpu.memref_slice %arg5[%dma_wait3A_386, %dma_wait3A_387] : memref<251904x128xf32, #tpu.memory_space<hbm>> -> memref<251904x128xf32, #tpu.memory_space<hbm>>
    tpu.wait_indirect_dma semaphore(%arg11 : memref<!tpu.dma_semaphore, #tpu.memory_space<semaphore_mem>>) src(%dma_wait3A_388 : memref<251904x128xf32, #tpu.memory_space<hbm>>) dst(%dma_wait3A_385 : memref<16x128xf32, #tpu.memory_space<vmem>>)
    %dma_wait3A_389 = arith.constant 48 : i32
    %dma_wait3A_390 = arith.constant 0 : i32
    %dma_wait3A_391 = tpu.memref_slice %arg9[%dma_wait3A_389, %dma_wait3A_390] : memref<256x128xf32, #tpu.memory_space<vmem>> -> memref<16x128xf32, #tpu.memory_space<vmem>>
    %dma_wait3A_392 = arith.constant 0 : i32
    %dma_wait3A_393 = arith.constant 0 : i32
    %dma_wait3A_394 = tpu.memref_slice %arg4[%dma_wait3A_392, %dma_wait3A_393] : memref<251904x128xf32, #tpu.memory_space<hbm>> -> memref<251904x128xf32, #tpu.memory_space<hbm>>
    tpu.wait_indirect_dma semaphore(%arg11 : memref<!tpu.dma_semaphore, #tpu.memory_space<semaphore_mem>>) src(%dma_wait3A_394 : memref<251904x128xf32, #tpu.memory_space<hbm>>) dst(%dma_wait3A_391 : memref<16x128xf32, #tpu.memory_space<vmem>>)
    %dma_wait3A_395 = arith.constant 48 : i32
    %dma_wait3A_396 = arith.constant 0 : i32
    %dma_wait3A_397 = tpu.memref_slice %arg10[%dma_wait3A_395, %dma_wait3A_396] : memref<256x128xf32, #tpu.memory_space<vmem>> -> memref<16x128xf32, #tpu.memory_space<vmem>>
    %dma_wait3A_398 = arith.constant 0 : i32
    %dma_wait3A_399 = arith.constant 0 : i32
    %dma_wait3A_400 = tpu.memref_slice %arg5[%dma_wait3A_398, %dma_wait3A_399] : memref<251904x128xf32, #tpu.memory_space<hbm>> -> memref<251904x128xf32, #tpu.memory_space<hbm>>
    tpu.wait_indirect_dma semaphore(%arg11 : memref<!tpu.dma_semaphore, #tpu.memory_space<semaphore_mem>>) src(%dma_wait3A_400 : memref<251904x128xf32, #tpu.memory_space<hbm>>) dst(%dma_wait3A_397 : memref<16x128xf32, #tpu.memory_space<vmem>>)
    %dma_wait3A_401 = arith.constant 64 : i32
    %dma_wait3A_402 = arith.constant 0 : i32
    %dma_wait3A_403 = tpu.memref_slice %arg9[%dma_wait3A_401, %dma_wait3A_402] : memref<256x128xf32, #tpu.memory_space<vmem>> -> memref<16x128xf32, #tpu.memory_space<vmem>>
    %dma_wait3A_404 = arith.constant 0 : i32
    %dma_wait3A_405 = arith.constant 0 : i32
    %dma_wait3A_406 = tpu.memref_slice %arg4[%dma_wait3A_404, %dma_wait3A_405] : memref<251904x128xf32, #tpu.memory_space<hbm>> -> memref<251904x128xf32, #tpu.memory_space<hbm>>
    tpu.wait_indirect_dma semaphore(%arg11 : memref<!tpu.dma_semaphore, #tpu.memory_space<semaphore_mem>>) src(%dma_wait3A_406 : memref<251904x128xf32, #tpu.memory_space<hbm>>) dst(%dma_wait3A_403 : memref<16x128xf32, #tpu.memory_space<vmem>>)
    %dma_wait3A_407 = arith.constant 64 : i32
    %dma_wait3A_408 = arith.constant 0 : i32
    %dma_wait3A_409 = tpu.memref_slice %arg10[%dma_wait3A_407, %dma_wait3A_408] : memref<256x128xf32, #tpu.memory_space<vmem>> -> memref<16x128xf32, #tpu.memory_space<vmem>>
    %dma_wait3A_410 = arith.constant 0 : i32
    %dma_wait3A_411 = arith.constant 0 : i32
    %dma_wait3A_412 = tpu.memref_slice %arg5[%dma_wait3A_410, %dma_wait3A_411] : memref<251904x128xf32, #tpu.memory_space<hbm>> -> memref<251904x128xf32, #tpu.memory_space<hbm>>
    tpu.wait_indirect_dma semaphore(%arg11 : memref<!tpu.dma_semaphore, #tpu.memory_space<semaphore_mem>>) src(%dma_wait3A_412 : memref<251904x128xf32, #tpu.memory_space<hbm>>) dst(%dma_wait3A_409 : memref<16x128xf32, #tpu.memory_space<vmem>>)
    %dma_wait3A_413 = arith.constant 80 : i32
    %dma_wait3A_414 = arith.constant 0 : i32
    %dma_wait3A_415 = tpu.memref_slice %arg9[%dma_wait3A_413, %dma_wait3A_414] : memref<256x128xf32, #tpu.memory_space<vmem>> -> memref<16x128xf32, #tpu.memory_space<vmem>>
    %dma_wait3A_416 = arith.constant 0 : i32
    %dma_wait3A_417 = arith.constant 0 : i32
    %dma_wait3A_418 = tpu.memref_slice %arg4[%dma_wait3A_416, %dma_wait3A_417] : memref<251904x128xf32, #tpu.memory_space<hbm>> -> memref<251904x128xf32, #tpu.memory_space<hbm>>
    tpu.wait_indirect_dma semaphore(%arg11 : memref<!tpu.dma_semaphore, #tpu.memory_space<semaphore_mem>>) src(%dma_wait3A_418 : memref<251904x128xf32, #tpu.memory_space<hbm>>) dst(%dma_wait3A_415 : memref<16x128xf32, #tpu.memory_space<vmem>>)
    %dma_wait3A_419 = arith.constant 80 : i32
    %dma_wait3A_420 = arith.constant 0 : i32
    %dma_wait3A_421 = tpu.memref_slice %arg10[%dma_wait3A_419, %dma_wait3A_420] : memref<256x128xf32, #tpu.memory_space<vmem>> -> memref<16x128xf32, #tpu.memory_space<vmem>>
    %dma_wait3A_422 = arith.constant 0 : i32
    %dma_wait3A_423 = arith.constant 0 : i32
    %dma_wait3A_424 = tpu.memref_slice %arg5[%dma_wait3A_422, %dma_wait3A_423] : memref<251904x128xf32, #tpu.memory_space<hbm>> -> memref<251904x128xf32, #tpu.memory_space<hbm>>
    tpu.wait_indirect_dma semaphore(%arg11 : memref<!tpu.dma_semaphore, #tpu.memory_space<semaphore_mem>>) src(%dma_wait3A_424 : memref<251904x128xf32, #tpu.memory_space<hbm>>) dst(%dma_wait3A_421 : memref<16x128xf32, #tpu.memory_space<vmem>>)
    %dma_wait3A_425 = arith.constant 96 : i32
    %dma_wait3A_426 = arith.constant 0 : i32
    %dma_wait3A_427 = tpu.memref_slice %arg9[%dma_wait3A_425, %dma_wait3A_426] : memref<256x128xf32, #tpu.memory_space<vmem>> -> memref<16x128xf32, #tpu.memory_space<vmem>>
    %dma_wait3A_428 = arith.constant 0 : i32
    %dma_wait3A_429 = arith.constant 0 : i32
    %dma_wait3A_430 = tpu.memref_slice %arg4[%dma_wait3A_428, %dma_wait3A_429] : memref<251904x128xf32, #tpu.memory_space<hbm>> -> memref<251904x128xf32, #tpu.memory_space<hbm>>
    tpu.wait_indirect_dma semaphore(%arg11 : memref<!tpu.dma_semaphore, #tpu.memory_space<semaphore_mem>>) src(%dma_wait3A_430 : memref<251904x128xf32, #tpu.memory_space<hbm>>) dst(%dma_wait3A_427 : memref<16x128xf32, #tpu.memory_space<vmem>>)
    %dma_wait3A_431 = arith.constant 96 : i32
    %dma_wait3A_432 = arith.constant 0 : i32
    %dma_wait3A_433 = tpu.memref_slice %arg10[%dma_wait3A_431, %dma_wait3A_432] : memref<256x128xf32, #tpu.memory_space<vmem>> -> memref<16x128xf32, #tpu.memory_space<vmem>>
    %dma_wait3A_434 = arith.constant 0 : i32
    %dma_wait3A_435 = arith.constant 0 : i32
    %dma_wait3A_436 = tpu.memref_slice %arg5[%dma_wait3A_434, %dma_wait3A_435] : memref<251904x128xf32, #tpu.memory_space<hbm>> -> memref<251904x128xf32, #tpu.memory_space<hbm>>
    tpu.wait_indirect_dma semaphore(%arg11 : memref<!tpu.dma_semaphore, #tpu.memory_space<semaphore_mem>>) src(%dma_wait3A_436 : memref<251904x128xf32, #tpu.memory_space<hbm>>) dst(%dma_wait3A_433 : memref<16x128xf32, #tpu.memory_space<vmem>>)
    %dma_wait3A_437 = arith.constant 112 : i32
    %dma_wait3A_438 = arith.constant 0 : i32
    %dma_wait3A_439 = tpu.memref_slice %arg9[%dma_wait3A_437, %dma_wait3A_438] : memref<256x128xf32, #tpu.memory_space<vmem>> -> memref<16x128xf32, #tpu.memory_space<vmem>>
    %dma_wait3A_440 = arith.constant 0 : i32
    %dma_wait3A_441 = arith.constant 0 : i32
    %dma_wait3A_442 = tpu.memref_slice %arg4[%dma_wait3A_440, %dma_wait3A_441] : memref<251904x128xf32, #tpu.memory_space<hbm>> -> memref<251904x128xf32, #tpu.memory_space<hbm>>
    tpu.wait_indirect_dma semaphore(%arg11 : memref<!tpu.dma_semaphore, #tpu.memory_space<semaphore_mem>>) src(%dma_wait3A_442 : memref<251904x128xf32, #tpu.memory_space<hbm>>) dst(%dma_wait3A_439 : memref<16x128xf32, #tpu.memory_space<vmem>>)
    %dma_wait3A_443 = arith.constant 112 : i32
    %dma_wait3A_444 = arith.constant 0 : i32
    %dma_wait3A_445 = tpu.memref_slice %arg10[%dma_wait3A_443, %dma_wait3A_444] : memref<256x128xf32, #tpu.memory_space<vmem>> -> memref<16x128xf32, #tpu.memory_space<vmem>>
    %dma_wait3A_446 = arith.constant 0 : i32
    %dma_wait3A_447 = arith.constant 0 : i32
    %dma_wait3A_448 = tpu.memref_slice %arg5[%dma_wait3A_446, %dma_wait3A_447] : memref<251904x128xf32, #tpu.memory_space<hbm>> -> memref<251904x128xf32, #tpu.memory_space<hbm>>
    tpu.wait_indirect_dma semaphore(%arg11 : memref<!tpu.dma_semaphore, #tpu.memory_space<semaphore_mem>>) src(%dma_wait3A_448 : memref<251904x128xf32, #tpu.memory_space<hbm>>) dst(%dma_wait3A_445 : memref<16x128xf32, #tpu.memory_space<vmem>>)
    %dma_wait3A_449 = arith.constant 128 : i32
    %dma_wait3A_450 = arith.constant 0 : i32
    %dma_wait3A_451 = tpu.memref_slice %arg9[%dma_wait3A_449, %dma_wait3A_450] : memref<256x128xf32, #tpu.memory_space<vmem>> -> memref<16x128xf32, #tpu.memory_space<vmem>>
    %dma_wait3A_452 = arith.constant 0 : i32
    %dma_wait3A_453 = arith.constant 0 : i32
    %dma_wait3A_454 = tpu.memref_slice %arg4[%dma_wait3A_452, %dma_wait3A_453] : memref<251904x128xf32, #tpu.memory_space<hbm>> -> memref<251904x128xf32, #tpu.memory_space<hbm>>
    tpu.wait_indirect_dma semaphore(%arg11 : memref<!tpu.dma_semaphore, #tpu.memory_space<semaphore_mem>>) src(%dma_wait3A_454 : memref<251904x128xf32, #tpu.memory_space<hbm>>) dst(%dma_wait3A_451 : memref<16x128xf32, #tpu.memory_space<vmem>>)
    %dma_wait3A_455 = arith.constant 128 : i32
    %dma_wait3A_456 = arith.constant 0 : i32
    %dma_wait3A_457 = tpu.memref_slice %arg10[%dma_wait3A_455, %dma_wait3A_456] : memref<256x128xf32, #tpu.memory_space<vmem>> -> memref<16x128xf32, #tpu.memory_space<vmem>>
    %dma_wait3A_458 = arith.constant 0 : i32
    %dma_wait3A_459 = arith.constant 0 : i32
    %dma_wait3A_460 = tpu.memref_slice %arg5[%dma_wait3A_458, %dma_wait3A_459] : memref<251904x128xf32, #tpu.memory_space<hbm>> -> memref<251904x128xf32, #tpu.memory_space<hbm>>
    tpu.wait_indirect_dma semaphore(%arg11 : memref<!tpu.dma_semaphore, #tpu.memory_space<semaphore_mem>>) src(%dma_wait3A_460 : memref<251904x128xf32, #tpu.memory_space<hbm>>) dst(%dma_wait3A_457 : memref<16x128xf32, #tpu.memory_space<vmem>>)
    %dma_wait3A_461 = arith.constant 144 : i32
    %dma_wait3A_462 = arith.constant 0 : i32
    %dma_wait3A_463 = tpu.memref_slice %arg9[%dma_wait3A_461, %dma_wait3A_462] : memref<256x128xf32, #tpu.memory_space<vmem>> -> memref<16x128xf32, #tpu.memory_space<vmem>>
    %dma_wait3A_464 = arith.constant 0 : i32
    %dma_wait3A_465 = arith.constant 0 : i32
    %dma_wait3A_466 = tpu.memref_slice %arg4[%dma_wait3A_464, %dma_wait3A_465] : memref<251904x128xf32, #tpu.memory_space<hbm>> -> memref<251904x128xf32, #tpu.memory_space<hbm>>
    tpu.wait_indirect_dma semaphore(%arg11 : memref<!tpu.dma_semaphore, #tpu.memory_space<semaphore_mem>>) src(%dma_wait3A_466 : memref<251904x128xf32, #tpu.memory_space<hbm>>) dst(%dma_wait3A_463 : memref<16x128xf32, #tpu.memory_space<vmem>>)
    %dma_wait3A_467 = arith.constant 144 : i32
    %dma_wait3A_468 = arith.constant 0 : i32
    %dma_wait3A_469 = tpu.memref_slice %arg10[%dma_wait3A_467, %dma_wait3A_468] : memref<256x128xf32, #tpu.memory_space<vmem>> -> memref<16x128xf32, #tpu.memory_space<vmem>>
    %dma_wait3A_470 = arith.constant 0 : i32
    %dma_wait3A_471 = arith.constant 0 : i32
    %dma_wait3A_472 = tpu.memref_slice %arg5[%dma_wait3A_470, %dma_wait3A_471] : memref<251904x128xf32, #tpu.memory_space<hbm>> -> memref<251904x128xf32, #tpu.memory_space<hbm>>
    tpu.wait_indirect_dma semaphore(%arg11 : memref<!tpu.dma_semaphore, #tpu.memory_space<semaphore_mem>>) src(%dma_wait3A_472 : memref<251904x128xf32, #tpu.memory_space<hbm>>) dst(%dma_wait3A_469 : memref<16x128xf32, #tpu.memory_space<vmem>>)
    %dma_wait3A_473 = arith.constant 160 : i32
    %dma_wait3A_474 = arith.constant 0 : i32
    %dma_wait3A_475 = tpu.memref_slice %arg9[%dma_wait3A_473, %dma_wait3A_474] : memref<256x128xf32, #tpu.memory_space<vmem>> -> memref<16x128xf32, #tpu.memory_space<vmem>>
    %dma_wait3A_476 = arith.constant 0 : i32
    %dma_wait3A_477 = arith.constant 0 : i32
    %dma_wait3A_478 = tpu.memref_slice %arg4[%dma_wait3A_476, %dma_wait3A_477] : memref<251904x128xf32, #tpu.memory_space<hbm>> -> memref<251904x128xf32, #tpu.memory_space<hbm>>
    tpu.wait_indirect_dma semaphore(%arg11 : memref<!tpu.dma_semaphore, #tpu.memory_space<semaphore_mem>>) src(%dma_wait3A_478 : memref<251904x128xf32, #tpu.memory_space<hbm>>) dst(%dma_wait3A_475 : memref<16x128xf32, #tpu.memory_space<vmem>>)
    %dma_wait3A_479 = arith.constant 160 : i32
    %dma_wait3A_480 = arith.constant 0 : i32
    %dma_wait3A_481 = tpu.memref_slice %arg10[%dma_wait3A_479, %dma_wait3A_480] : memref<256x128xf32, #tpu.memory_space<vmem>> -> memref<16x128xf32, #tpu.memory_space<vmem>>
    %dma_wait3A_482 = arith.constant 0 : i32
    %dma_wait3A_483 = arith.constant 0 : i32
    %dma_wait3A_484 = tpu.memref_slice %arg5[%dma_wait3A_482, %dma_wait3A_483] : memref<251904x128xf32, #tpu.memory_space<hbm>> -> memref<251904x128xf32, #tpu.memory_space<hbm>>
    tpu.wait_indirect_dma semaphore(%arg11 : memref<!tpu.dma_semaphore, #tpu.memory_space<semaphore_mem>>) src(%dma_wait3A_484 : memref<251904x128xf32, #tpu.memory_space<hbm>>) dst(%dma_wait3A_481 : memref<16x128xf32, #tpu.memory_space<vmem>>)
    %dma_wait3A_485 = arith.constant 176 : i32
    %dma_wait3A_486 = arith.constant 0 : i32
    %dma_wait3A_487 = tpu.memref_slice %arg9[%dma_wait3A_485, %dma_wait3A_486] : memref<256x128xf32, #tpu.memory_space<vmem>> -> memref<16x128xf32, #tpu.memory_space<vmem>>
    %dma_wait3A_488 = arith.constant 0 : i32
    %dma_wait3A_489 = arith.constant 0 : i32
    %dma_wait3A_490 = tpu.memref_slice %arg4[%dma_wait3A_488, %dma_wait3A_489] : memref<251904x128xf32, #tpu.memory_space<hbm>> -> memref<251904x128xf32, #tpu.memory_space<hbm>>
    tpu.wait_indirect_dma semaphore(%arg11 : memref<!tpu.dma_semaphore, #tpu.memory_space<semaphore_mem>>) src(%dma_wait3A_490 : memref<251904x128xf32, #tpu.memory_space<hbm>>) dst(%dma_wait3A_487 : memref<16x128xf32, #tpu.memory_space<vmem>>)
    %dma_wait3A_491 = arith.constant 176 : i32
    %dma_wait3A_492 = arith.constant 0 : i32
    %dma_wait3A_493 = tpu.memref_slice %arg10[%dma_wait3A_491, %dma_wait3A_492] : memref<256x128xf32, #tpu.memory_space<vmem>> -> memref<16x128xf32, #tpu.memory_space<vmem>>
    %dma_wait3A_494 = arith.constant 0 : i32
    %dma_wait3A_495 = arith.constant 0 : i32
    %dma_wait3A_496 = tpu.memref_slice %arg5[%dma_wait3A_494, %dma_wait3A_495] : memref<251904x128xf32, #tpu.memory_space<hbm>> -> memref<251904x128xf32, #tpu.memory_space<hbm>>
    tpu.wait_indirect_dma semaphore(%arg11 : memref<!tpu.dma_semaphore, #tpu.memory_space<semaphore_mem>>) src(%dma_wait3A_496 : memref<251904x128xf32, #tpu.memory_space<hbm>>) dst(%dma_wait3A_493 : memref<16x128xf32, #tpu.memory_space<vmem>>)
    %dma_wait3A_497 = arith.constant 192 : i32
    %dma_wait3A_498 = arith.constant 0 : i32
    %dma_wait3A_499 = tpu.memref_slice %arg9[%dma_wait3A_497, %dma_wait3A_498] : memref<256x128xf32, #tpu.memory_space<vmem>> -> memref<16x128xf32, #tpu.memory_space<vmem>>
    %dma_wait3A_500 = arith.constant 0 : i32
    %dma_wait3A_501 = arith.constant 0 : i32
    %dma_wait3A_502 = tpu.memref_slice %arg4[%dma_wait3A_500, %dma_wait3A_501] : memref<251904x128xf32, #tpu.memory_space<hbm>> -> memref<251904x128xf32, #tpu.memory_space<hbm>>
    tpu.wait_indirect_dma semaphore(%arg11 : memref<!tpu.dma_semaphore, #tpu.memory_space<semaphore_mem>>) src(%dma_wait3A_502 : memref<251904x128xf32, #tpu.memory_space<hbm>>) dst(%dma_wait3A_499 : memref<16x128xf32, #tpu.memory_space<vmem>>)
    %dma_wait3A_503 = arith.constant 192 : i32
    %dma_wait3A_504 = arith.constant 0 : i32
    %dma_wait3A_505 = tpu.memref_slice %arg10[%dma_wait3A_503, %dma_wait3A_504] : memref<256x128xf32, #tpu.memory_space<vmem>> -> memref<16x128xf32, #tpu.memory_space<vmem>>
    %dma_wait3A_506 = arith.constant 0 : i32
    %dma_wait3A_507 = arith.constant 0 : i32
    %dma_wait3A_508 = tpu.memref_slice %arg5[%dma_wait3A_506, %dma_wait3A_507] : memref<251904x128xf32, #tpu.memory_space<hbm>> -> memref<251904x128xf32, #tpu.memory_space<hbm>>
    tpu.wait_indirect_dma semaphore(%arg11 : memref<!tpu.dma_semaphore, #tpu.memory_space<semaphore_mem>>) src(%dma_wait3A_508 : memref<251904x128xf32, #tpu.memory_space<hbm>>) dst(%dma_wait3A_505 : memref<16x128xf32, #tpu.memory_space<vmem>>)
    %dma_wait3A_509 = arith.constant 208 : i32
    %dma_wait3A_510 = arith.constant 0 : i32
    %dma_wait3A_511 = tpu.memref_slice %arg9[%dma_wait3A_509, %dma_wait3A_510] : memref<256x128xf32, #tpu.memory_space<vmem>> -> memref<16x128xf32, #tpu.memory_space<vmem>>
    %dma_wait3A_512 = arith.constant 0 : i32
    %dma_wait3A_513 = arith.constant 0 : i32
    %dma_wait3A_514 = tpu.memref_slice %arg4[%dma_wait3A_512, %dma_wait3A_513] : memref<251904x128xf32, #tpu.memory_space<hbm>> -> memref<251904x128xf32, #tpu.memory_space<hbm>>
    tpu.wait_indirect_dma semaphore(%arg11 : memref<!tpu.dma_semaphore, #tpu.memory_space<semaphore_mem>>) src(%dma_wait3A_514 : memref<251904x128xf32, #tpu.memory_space<hbm>>) dst(%dma_wait3A_511 : memref<16x128xf32, #tpu.memory_space<vmem>>)
    %dma_wait3A_515 = arith.constant 208 : i32
    %dma_wait3A_516 = arith.constant 0 : i32
    %dma_wait3A_517 = tpu.memref_slice %arg10[%dma_wait3A_515, %dma_wait3A_516] : memref<256x128xf32, #tpu.memory_space<vmem>> -> memref<16x128xf32, #tpu.memory_space<vmem>>
    %dma_wait3A_518 = arith.constant 0 : i32
    %dma_wait3A_519 = arith.constant 0 : i32
    %dma_wait3A_520 = tpu.memref_slice %arg5[%dma_wait3A_518, %dma_wait3A_519] : memref<251904x128xf32, #tpu.memory_space<hbm>> -> memref<251904x128xf32, #tpu.memory_space<hbm>>
    tpu.wait_indirect_dma semaphore(%arg11 : memref<!tpu.dma_semaphore, #tpu.memory_space<semaphore_mem>>) src(%dma_wait3A_520 : memref<251904x128xf32, #tpu.memory_space<hbm>>) dst(%dma_wait3A_517 : memref<16x128xf32, #tpu.memory_space<vmem>>)
    %dma_wait3A_521 = arith.constant 224 : i32
    %dma_wait3A_522 = arith.constant 0 : i32
    %dma_wait3A_523 = tpu.memref_slice %arg9[%dma_wait3A_521, %dma_wait3A_522] : memref<256x128xf32, #tpu.memory_space<vmem>> -> memref<16x128xf32, #tpu.memory_space<vmem>>
    %dma_wait3A_524 = arith.constant 0 : i32
    %dma_wait3A_525 = arith.constant 0 : i32
    %dma_wait3A_526 = tpu.memref_slice %arg4[%dma_wait3A_524, %dma_wait3A_525] : memref<251904x128xf32, #tpu.memory_space<hbm>> -> memref<251904x128xf32, #tpu.memory_space<hbm>>
    tpu.wait_indirect_dma semaphore(%arg11 : memref<!tpu.dma_semaphore, #tpu.memory_space<semaphore_mem>>) src(%dma_wait3A_526 : memref<251904x128xf32, #tpu.memory_space<hbm>>) dst(%dma_wait3A_523 : memref<16x128xf32, #tpu.memory_space<vmem>>)
    %dma_wait3A_527 = arith.constant 224 : i32
    %dma_wait3A_528 = arith.constant 0 : i32
    %dma_wait3A_529 = tpu.memref_slice %arg10[%dma_wait3A_527, %dma_wait3A_528] : memref<256x128xf32, #tpu.memory_space<vmem>> -> memref<16x128xf32, #tpu.memory_space<vmem>>
    %dma_wait3A_530 = arith.constant 0 : i32
    %dma_wait3A_531 = arith.constant 0 : i32
    %dma_wait3A_532 = tpu.memref_slice %arg5[%dma_wait3A_530, %dma_wait3A_531] : memref<251904x128xf32, #tpu.memory_space<hbm>> -> memref<251904x128xf32, #tpu.memory_space<hbm>>
    tpu.wait_indirect_dma semaphore(%arg11 : memref<!tpu.dma_semaphore, #tpu.memory_space<semaphore_mem>>) src(%dma_wait3A_532 : memref<251904x128xf32, #tpu.memory_space<hbm>>) dst(%dma_wait3A_529 : memref<16x128xf32, #tpu.memory_space<vmem>>)
    %dma_wait3A_533 = arith.constant 240 : i32
    %dma_wait3A_534 = arith.constant 0 : i32
    %dma_wait3A_535 = tpu.memref_slice %arg9[%dma_wait3A_533, %dma_wait3A_534] : memref<256x128xf32, #tpu.memory_space<vmem>> -> memref<16x128xf32, #tpu.memory_space<vmem>>
    %dma_wait3A_536 = arith.constant 0 : i32
    %dma_wait3A_537 = arith.constant 0 : i32
    %dma_wait3A_538 = tpu.memref_slice %arg4[%dma_wait3A_536, %dma_wait3A_537] : memref<251904x128xf32, #tpu.memory_space<hbm>> -> memref<251904x128xf32, #tpu.memory_space<hbm>>
    tpu.wait_indirect_dma semaphore(%arg11 : memref<!tpu.dma_semaphore, #tpu.memory_space<semaphore_mem>>) src(%dma_wait3A_538 : memref<251904x128xf32, #tpu.memory_space<hbm>>) dst(%dma_wait3A_535 : memref<16x128xf32, #tpu.memory_space<vmem>>)
    %dma_wait3A_539 = arith.constant 240 : i32
    %dma_wait3A_540 = arith.constant 0 : i32
    %dma_wait3A_541 = tpu.memref_slice %arg10[%dma_wait3A_539, %dma_wait3A_540] : memref<256x128xf32, #tpu.memory_space<vmem>> -> memref<16x128xf32, #tpu.memory_space<vmem>>
    %dma_wait3A_542 = arith.constant 0 : i32
    %dma_wait3A_543 = arith.constant 0 : i32
    %dma_wait3A_544 = tpu.memref_slice %arg5[%dma_wait3A_542, %dma_wait3A_543] : memref<251904x128xf32, #tpu.memory_space<hbm>> -> memref<251904x128xf32, #tpu.memory_space<hbm>>
    tpu.wait_indirect_dma semaphore(%arg11 : memref<!tpu.dma_semaphore, #tpu.memory_space<semaphore_mem>>) src(%dma_wait3A_544 : memref<251904x128xf32, #tpu.memory_space<hbm>>) dst(%dma_wait3A_541 : memref<16x128xf32, #tpu.memory_space<vmem>>)
    %add3A_545 = arith.constant 0 : i32
    %add3A_546 = arith.addi %mul3A_2, %add3A_545 : i32
    "tpu.region"() ({
      %run_scoped3A_1097 = tpu.sem_alloc : memref<!tpu.dma_semaphore, #tpu.memory_space<semaphore_mem>>
      %dma_start3A_1098 = arith.constant 0 : i32
      %dma_start3A_1099 = tpu.memref_slice %arg6[%add3A_546, %dma_start3A_1098] : memref<16384x128xf32, #tpu.memory_space<hbm>> -> memref<256x128xf32, #tpu.memory_space<hbm>>
      %dma_start3A_1100 = arith.constant 0 : i32
      %dma_start3A_1101 = tpu.memref_slice %arg6[%add3A_546, %dma_start3A_1100] : memref<16384x128xf32, #tpu.memory_space<hbm>> -> memref<256x128xf32, #tpu.memory_space<hbm>>
      tpu.enqueue_dma source(%arg9 : memref<256x128xf32, #tpu.memory_space<vmem>>) target(%dma_start3A_1101 : memref<256x128xf32, #tpu.memory_space<hbm>>) target_semaphore(%run_scoped3A_1097 : memref<!tpu.dma_semaphore, #tpu.memory_space<semaphore_mem>>)
      %dma_wait3A_1102 = arith.constant 0 : i32
      %dma_wait3A_1103 = tpu.memref_slice %arg6[%add3A_546, %dma_wait3A_1102] : memref<16384x128xf32, #tpu.memory_space<hbm>> -> memref<256x128xf32, #tpu.memory_space<hbm>>
      %dma_wait3A_1104 = arith.constant 0 : i32
      %dma_wait3A_1105 = tpu.memref_slice %arg6[%add3A_546, %dma_wait3A_1104] : memref<16384x128xf32, #tpu.memory_space<hbm>> -> memref<256x128xf32, #tpu.memory_space<hbm>>
      tpu.wait_dma2 semaphore(%run_scoped3A_1097 : memref<!tpu.dma_semaphore, #tpu.memory_space<semaphore_mem>>) src(%arg9 : memref<256x128xf32, #tpu.memory_space<vmem>>) dst(%dma_wait3A_1105 : memref<256x128xf32, #tpu.memory_space<hbm>>)
      tpu.yield
    }) : () -> ()
    %add3A_547 = arith.constant 0 : i32
    %add3A_548 = arith.addi %mul3A_2, %add3A_547 : i32
    "tpu.region"() ({
      %run_scoped3A_1097 = tpu.sem_alloc : memref<!tpu.dma_semaphore, #tpu.memory_space<semaphore_mem>>
      %dma_start3A_1098 = arith.constant 0 : i32
      %dma_start3A_1099 = tpu.memref_slice %arg7[%add3A_548, %dma_start3A_1098] : memref<16384x128xf32, #tpu.memory_space<hbm>> -> memref<256x128xf32, #tpu.memory_space<hbm>>
      %dma_start3A_1100 = arith.constant 0 : i32
      %dma_start3A_1101 = tpu.memref_slice %arg7[%add3A_548, %dma_start3A_1100] : memref<16384x128xf32, #tpu.memory_space<hbm>> -> memref<256x128xf32, #tpu.memory_space<hbm>>
      tpu.enqueue_dma source(%arg10 : memref<256x128xf32, #tpu.memory_space<vmem>>) target(%dma_start3A_1101 : memref<256x128xf32, #tpu.memory_space<hbm>>) target_semaphore(%run_scoped3A_1097 : memref<!tpu.dma_semaphore, #tpu.memory_space<semaphore_mem>>)
      %dma_wait3A_1102 = arith.constant 0 : i32
      %dma_wait3A_1103 = tpu.memref_slice %arg7[%add3A_548, %dma_wait3A_1102] : memref<16384x128xf32, #tpu.memory_space<hbm>> -> memref<256x128xf32, #tpu.memory_space<hbm>>
      %dma_wait3A_1104 = arith.constant 0 : i32
      %dma_wait3A_1105 = tpu.memref_slice %arg7[%add3A_548, %dma_wait3A_1104] : memref<16384x128xf32, #tpu.memory_space<hbm>> -> memref<256x128xf32, #tpu.memory_space<hbm>>
      tpu.wait_dma2 semaphore(%run_scoped3A_1097 : memref<!tpu.dma_semaphore, #tpu.memory_space<semaphore_mem>>) src(%arg10 : memref<256x128xf32, #tpu.memory_space<vmem>>) dst(%dma_wait3A_1105 : memref<256x128xf32, #tpu.memory_space<hbm>>)
      tpu.yield
    }) : () -> ()
    %get3A_549 = arith.constant 0 : i32
    %get3A_550 = arith.index_cast %get3A_549 : i32 to index
    %get3A_551 = arith.constant 256 : index
    %get3A_552 = tpu.vector_load %arg8[%get3A_550, %get3A_551] {strides = array<i32>} : memref<2x512xi32, #tpu.memory_space<vmem>>, vector<1x16xi32>,
    %get3A_553 = vector.shape_cast %get3A_552 : vector<1x16xi32> to vector<16xi32>
    %get3A_554 = arith.constant 1 : i32
    %get3A_555 = arith.index_cast %get3A_554 : i32 to index
    %get3A_556 = arith.constant 256 : index
    %get3A_557 = tpu.vector_load %arg8[%get3A_555, %get3A_556] {strides = array<i32>} : memref<2x512xi32, #tpu.memory_space<vmem>>, vector<1x16xi32>,
    %get3A_558 = vector.shape_cast %get3A_557 : vector<1x16xi32> to vector<16xi32>
    %dma_start3A_559 = arith.constant 0 : i32
    %dma_start3A_560 = arith.constant 0 : i32
    %dma_start3A_561 = tpu.memref_slice %arg9[%dma_start3A_559, %dma_start3A_560] : memref<256x128xf32, #tpu.memory_space<vmem>> -> memref<16x128xf32, #tpu.memory_space<vmem>>
    %dma_start3A_562 = arith.constant 0 : i32
    %dma_start3A_563 = arith.constant 0 : i32
    %dma_start3A_564 = tpu.memref_slice %arg4[%dma_start3A_562, %dma_start3A_563] : memref<251904x128xf32, #tpu.memory_space<hbm>> -> memref<251904x128xf32, #tpu.memory_space<hbm>>
    tpu.enqueue_indirect_dma source(%dma_start3A_564 : memref<251904x128xf32, #tpu.memory_space<hbm>>) target(%dma_start3A_561 : memref<16x128xf32, #tpu.memory_space<vmem>>) offsets(%get3A_553 : vector<16xi32>) semaphore(%arg11 : memref<!tpu.dma_semaphore, #tpu.memory_space<semaphore_mem>>)
    %dma_start3A_565 = arith.constant 0 : i32
    %dma_start3A_566 = arith.constant 0 : i32
    %dma_start3A_567 = tpu.memref_slice %arg10[%dma_start3A_565, %dma_start3A_566] : memref<256x128xf32, #tpu.memory_space<vmem>> -> memref<16x128xf32, #tpu.memory_space<vmem>>
    %dma_start3A_568 = arith.constant 0 : i32
    %dma_start3A_569 = arith.constant 0 : i32
    %dma_start3A_570 = tpu.memref_slice %arg5[%dma_start3A_568, %dma_start3A_569] : memref<251904x128xf32, #tpu.memory_space<hbm>> -> memref<251904x128xf32, #tpu.memory_space<hbm>>
    tpu.enqueue_indirect_dma source(%dma_start3A_570 : memref<251904x128xf32, #tpu.memory_space<hbm>>) target(%dma_start3A_567 : memref<16x128xf32, #tpu.memory_space<vmem>>) offsets(%get3A_558 : vector<16xi32>) semaphore(%arg11 : memref<!tpu.dma_semaphore, #tpu.memory_space<semaphore_mem>>)
    %get3A_571 = arith.constant 0 : i32
    %get3A_572 = arith.index_cast %get3A_571 : i32 to index
    %get3A_573 = arith.constant 272 : index
    %get3A_574 = tpu.vector_load %arg8[%get3A_572, %get3A_573] {strides = array<i32>} : memref<2x512xi32, #tpu.memory_space<vmem>>, vector<1x16xi32>,
    %get3A_575 = vector.shape_cast %get3A_574 : vector<1x16xi32> to vector<16xi32>
    %get3A_576 = arith.constant 1 : i32
    %get3A_577 = arith.index_cast %get3A_576 : i32 to index
    %get3A_578 = arith.constant 272 : index
    %get3A_579 = tpu.vector_load %arg8[%get3A_577, %get3A_578] {strides = array<i32>} : memref<2x512xi32, #tpu.memory_space<vmem>>, vector<1x16xi32>,
    %get3A_580 = vector.shape_cast %get3A_579 : vector<1x16xi32> to vector<16xi32>
    %dma_start3A_581 = arith.constant 16 : i32
    %dma_start3A_582 = arith.constant 0 : i32
    %dma_start3A_583 = tpu.memref_slice %arg9[%dma_start3A_581, %dma_start3A_582] : memref<256x128xf32, #tpu.memory_space<vmem>> -> memref<16x128xf32, #tpu.memory_space<vmem>>
    %dma_start3A_584 = arith.constant 0 : i32
    %dma_start3A_585 = arith.constant 0 : i32
    %dma_start3A_586 = tpu.memref_slice %arg4[%dma_start3A_584, %dma_start3A_585] : memref<251904x128xf32, #tpu.memory_space<hbm>> -> memref<251904x128xf32, #tpu.memory_space<hbm>>
    tpu.enqueue_indirect_dma source(%dma_start3A_586 : memref<251904x128xf32, #tpu.memory_space<hbm>>) target(%dma_start3A_583 : memref<16x128xf32, #tpu.memory_space<vmem>>) offsets(%get3A_575 : vector<16xi32>) semaphore(%arg11 : memref<!tpu.dma_semaphore, #tpu.memory_space<semaphore_mem>>)
    %dma_start3A_587 = arith.constant 16 : i32
    %dma_start3A_588 = arith.constant 0 : i32
    %dma_start3A_589 = tpu.memref_slice %arg10[%dma_start3A_587, %dma_start3A_588] : memref<256x128xf32, #tpu.memory_space<vmem>> -> memref<16x128xf32, #tpu.memory_space<vmem>>
    %dma_start3A_590 = arith.constant 0 : i32
    %dma_start3A_591 = arith.constant 0 : i32
    %dma_start3A_592 = tpu.memref_slice %arg5[%dma_start3A_590, %dma_start3A_591] : memref<251904x128xf32, #tpu.memory_space<hbm>> -> memref<251904x128xf32, #tpu.memory_space<hbm>>
    tpu.enqueue_indirect_dma source(%dma_start3A_592 : memref<251904x128xf32, #tpu.memory_space<hbm>>) target(%dma_start3A_589 : memref<16x128xf32, #tpu.memory_space<vmem>>) offsets(%get3A_580 : vector<16xi32>) semaphore(%arg11 : memref<!tpu.dma_semaphore, #tpu.memory_space<semaphore_mem>>)
    %get3A_593 = arith.constant 0 : i32
    %get3A_594 = arith.index_cast %get3A_593 : i32 to index
    %get3A_595 = arith.constant 288 : index
    %get3A_596 = tpu.vector_load %arg8[%get3A_594, %get3A_595] {strides = array<i32>} : memref<2x512xi32, #tpu.memory_space<vmem>>, vector<1x16xi32>,
    %get3A_597 = vector.shape_cast %get3A_596 : vector<1x16xi32> to vector<16xi32>
    %get3A_598 = arith.constant 1 : i32
    %get3A_599 = arith.index_cast %get3A_598 : i32 to index
    %get3A_600 = arith.constant 288 : index
    %get3A_601 = tpu.vector_load %arg8[%get3A_599, %get3A_600] {strides = array<i32>} : memref<2x512xi32, #tpu.memory_space<vmem>>, vector<1x16xi32>,
    %get3A_602 = vector.shape_cast %get3A_601 : vector<1x16xi32> to vector<16xi32>
    %dma_start3A_603 = arith.constant 32 : i32
    %dma_start3A_604 = arith.constant 0 : i32
    %dma_start3A_605 = tpu.memref_slice %arg9[%dma_start3A_603, %dma_start3A_604] : memref<256x128xf32, #tpu.memory_space<vmem>> -> memref<16x128xf32, #tpu.memory_space<vmem>>
    %dma_start3A_606 = arith.constant 0 : i32
    %dma_start3A_607 = arith.constant 0 : i32
    %dma_start3A_608 = tpu.memref_slice %arg4[%dma_start3A_606, %dma_start3A_607] : memref<251904x128xf32, #tpu.memory_space<hbm>> -> memref<251904x128xf32, #tpu.memory_space<hbm>>
    tpu.enqueue_indirect_dma source(%dma_start3A_608 : memref<251904x128xf32, #tpu.memory_space<hbm>>) target(%dma_start3A_605 : memref<16x128xf32, #tpu.memory_space<vmem>>) offsets(%get3A_597 : vector<16xi32>) semaphore(%arg11 : memref<!tpu.dma_semaphore, #tpu.memory_space<semaphore_mem>>)
    %dma_start3A_609 = arith.constant 32 : i32
    %dma_start3A_610 = arith.constant 0 : i32
    %dma_start3A_611 = tpu.memref_slice %arg10[%dma_start3A_609, %dma_start3A_610] : memref<256x128xf32, #tpu.memory_space<vmem>> -> memref<16x128xf32, #tpu.memory_space<vmem>>
    %dma_start3A_612 = arith.constant 0 : i32
    %dma_start3A_613 = arith.constant 0 : i32
    %dma_start3A_614 = tpu.memref_slice %arg5[%dma_start3A_612, %dma_start3A_613] : memref<251904x128xf32, #tpu.memory_space<hbm>> -> memref<251904x128xf32, #tpu.memory_space<hbm>>
    tpu.enqueue_indirect_dma source(%dma_start3A_614 : memref<251904x128xf32, #tpu.memory_space<hbm>>) target(%dma_start3A_611 : memref<16x128xf32, #tpu.memory_space<vmem>>) offsets(%get3A_602 : vector<16xi32>) semaphore(%arg11 : memref<!tpu.dma_semaphore, #tpu.memory_space<semaphore_mem>>)
    %get3A_615 = arith.constant 0 : i32
    %get3A_616 = arith.index_cast %get3A_615 : i32 to index
    %get3A_617 = arith.constant 304 : index
    %get3A_618 = tpu.vector_load %arg8[%get3A_616, %get3A_617] {strides = array<i32>} : memref<2x512xi32, #tpu.memory_space<vmem>>, vector<1x16xi32>,
    %get3A_619 = vector.shape_cast %get3A_618 : vector<1x16xi32> to vector<16xi32>
    %get3A_620 = arith.constant 1 : i32
    %get3A_621 = arith.index_cast %get3A_620 : i32 to index
    %get3A_622 = arith.constant 304 : index
    %get3A_623 = tpu.vector_load %arg8[%get3A_621, %get3A_622] {strides = array<i32>} : memref<2x512xi32, #tpu.memory_space<vmem>>, vector<1x16xi32>,
    %get3A_624 = vector.shape_cast %get3A_623 : vector<1x16xi32> to vector<16xi32>
    %dma_start3A_625 = arith.constant 48 : i32
    %dma_start3A_626 = arith.constant 0 : i32
    %dma_start3A_627 = tpu.memref_slice %arg9[%dma_start3A_625, %dma_start3A_626] : memref<256x128xf32, #tpu.memory_space<vmem>> -> memref<16x128xf32, #tpu.memory_space<vmem>>
    %dma_start3A_628 = arith.constant 0 : i32
    %dma_start3A_629 = arith.constant 0 : i32
    %dma_start3A_630 = tpu.memref_slice %arg4[%dma_start3A_628, %dma_start3A_629] : memref<251904x128xf32, #tpu.memory_space<hbm>> -> memref<251904x128xf32, #tpu.memory_space<hbm>>
    tpu.enqueue_indirect_dma source(%dma_start3A_630 : memref<251904x128xf32, #tpu.memory_space<hbm>>) target(%dma_start3A_627 : memref<16x128xf32, #tpu.memory_space<vmem>>) offsets(%get3A_619 : vector<16xi32>) semaphore(%arg11 : memref<!tpu.dma_semaphore, #tpu.memory_space<semaphore_mem>>)
    %dma_start3A_631 = arith.constant 48 : i32
    %dma_start3A_632 = arith.constant 0 : i32
    %dma_start3A_633 = tpu.memref_slice %arg10[%dma_start3A_631, %dma_start3A_632] : memref<256x128xf32, #tpu.memory_space<vmem>> -> memref<16x128xf32, #tpu.memory_space<vmem>>
    %dma_start3A_634 = arith.constant 0 : i32
    %dma_start3A_635 = arith.constant 0 : i32
    %dma_start3A_636 = tpu.memref_slice %arg5[%dma_start3A_634, %dma_start3A_635] : memref<251904x128xf32, #tpu.memory_space<hbm>> -> memref<251904x128xf32, #tpu.memory_space<hbm>>
    tpu.enqueue_indirect_dma source(%dma_start3A_636 : memref<251904x128xf32, #tpu.memory_space<hbm>>) target(%dma_start3A_633 : memref<16x128xf32, #tpu.memory_space<vmem>>) offsets(%get3A_624 : vector<16xi32>) semaphore(%arg11 : memref<!tpu.dma_semaphore, #tpu.memory_space<semaphore_mem>>)
    %get3A_637 = arith.constant 0 : i32
    %get3A_638 = arith.index_cast %get3A_637 : i32 to index
    %get3A_639 = arith.constant 320 : index
    %get3A_640 = tpu.vector_load %arg8[%get3A_638, %get3A_639] {strides = array<i32>} : memref<2x512xi32, #tpu.memory_space<vmem>>, vector<1x16xi32>,
    %get3A_641 = vector.shape_cast %get3A_640 : vector<1x16xi32> to vector<16xi32>
    %get3A_642 = arith.constant 1 : i32
    %get3A_643 = arith.index_cast %get3A_642 : i32 to index
    %get3A_644 = arith.constant 320 : index
    %get3A_645 = tpu.vector_load %arg8[%get3A_643, %get3A_644] {strides = array<i32>} : memref<2x512xi32, #tpu.memory_space<vmem>>, vector<1x16xi32>,
    %get3A_646 = vector.shape_cast %get3A_645 : vector<1x16xi32> to vector<16xi32>
    %dma_start3A_647 = arith.constant 64 : i32
    %dma_start3A_648 = arith.constant 0 : i32
    %dma_start3A_649 = tpu.memref_slice %arg9[%dma_start3A_647, %dma_start3A_648] : memref<256x128xf32, #tpu.memory_space<vmem>> -> memref<16x128xf32, #tpu.memory_space<vmem>>
    %dma_start3A_650 = arith.constant 0 : i32
    %dma_start3A_651 = arith.constant 0 : i32
    %dma_start3A_652 = tpu.memref_slice %arg4[%dma_start3A_650, %dma_start3A_651] : memref<251904x128xf32, #tpu.memory_space<hbm>> -> memref<251904x128xf32, #tpu.memory_space<hbm>>
    tpu.enqueue_indirect_dma source(%dma_start3A_652 : memref<251904x128xf32, #tpu.memory_space<hbm>>) target(%dma_start3A_649 : memref<16x128xf32, #tpu.memory_space<vmem>>) offsets(%get3A_641 : vector<16xi32>) semaphore(%arg11 : memref<!tpu.dma_semaphore, #tpu.memory_space<semaphore_mem>>)
    %dma_start3A_653 = arith.constant 64 : i32
    %dma_start3A_654 = arith.constant 0 : i32
    %dma_start3A_655 = tpu.memref_slice %arg10[%dma_start3A_653, %dma_start3A_654] : memref<256x128xf32, #tpu.memory_space<vmem>> -> memref<16x128xf32, #tpu.memory_space<vmem>>
    %dma_start3A_656 = arith.constant 0 : i32
    %dma_start3A_657 = arith.constant 0 : i32
    %dma_start3A_658 = tpu.memref_slice %arg5[%dma_start3A_656, %dma_start3A_657] : memref<251904x128xf32, #tpu.memory_space<hbm>> -> memref<251904x128xf32, #tpu.memory_space<hbm>>
    tpu.enqueue_indirect_dma source(%dma_start3A_658 : memref<251904x128xf32, #tpu.memory_space<hbm>>) target(%dma_start3A_655 : memref<16x128xf32, #tpu.memory_space<vmem>>) offsets(%get3A_646 : vector<16xi32>) semaphore(%arg11 : memref<!tpu.dma_semaphore, #tpu.memory_space<semaphore_mem>>)
    %get3A_659 = arith.constant 0 : i32
    %get3A_660 = arith.index_cast %get3A_659 : i32 to index
    %get3A_661 = arith.constant 336 : index
    %get3A_662 = tpu.vector_load %arg8[%get3A_660, %get3A_661] {strides = array<i32>} : memref<2x512xi32, #tpu.memory_space<vmem>>, vector<1x16xi32>,
    %get3A_663 = vector.shape_cast %get3A_662 : vector<1x16xi32> to vector<16xi32>
    %get3A_664 = arith.constant 1 : i32
    %get3A_665 = arith.index_cast %get3A_664 : i32 to index
    %get3A_666 = arith.constant 336 : index
    %get3A_667 = tpu.vector_load %arg8[%get3A_665, %get3A_666] {strides = array<i32>} : memref<2x512xi32, #tpu.memory_space<vmem>>, vector<1x16xi32>,
    %get3A_668 = vector.shape_cast %get3A_667 : vector<1x16xi32> to vector<16xi32>
    %dma_start3A_669 = arith.constant 80 : i32
    %dma_start3A_670 = arith.constant 0 : i32
    %dma_start3A_671 = tpu.memref_slice %arg9[%dma_start3A_669, %dma_start3A_670] : memref<256x128xf32, #tpu.memory_space<vmem>> -> memref<16x128xf32, #tpu.memory_space<vmem>>
    %dma_start3A_672 = arith.constant 0 : i32
    %dma_start3A_673 = arith.constant 0 : i32
    %dma_start3A_674 = tpu.memref_slice %arg4[%dma_start3A_672, %dma_start3A_673] : memref<251904x128xf32, #tpu.memory_space<hbm>> -> memref<251904x128xf32, #tpu.memory_space<hbm>>
    tpu.enqueue_indirect_dma source(%dma_start3A_674 : memref<251904x128xf32, #tpu.memory_space<hbm>>) target(%dma_start3A_671 : memref<16x128xf32, #tpu.memory_space<vmem>>) offsets(%get3A_663 : vector<16xi32>) semaphore(%arg11 : memref<!tpu.dma_semaphore, #tpu.memory_space<semaphore_mem>>)
    %dma_start3A_675 = arith.constant 80 : i32
    %dma_start3A_676 = arith.constant 0 : i32
    %dma_start3A_677 = tpu.memref_slice %arg10[%dma_start3A_675, %dma_start3A_676] : memref<256x128xf32, #tpu.memory_space<vmem>> -> memref<16x128xf32, #tpu.memory_space<vmem>>
    %dma_start3A_678 = arith.constant 0 : i32
    %dma_start3A_679 = arith.constant 0 : i32
    %dma_start3A_680 = tpu.memref_slice %arg5[%dma_start3A_678, %dma_start3A_679] : memref<251904x128xf32, #tpu.memory_space<hbm>> -> memref<251904x128xf32, #tpu.memory_space<hbm>>
    tpu.enqueue_indirect_dma source(%dma_start3A_680 : memref<251904x128xf32, #tpu.memory_space<hbm>>) target(%dma_start3A_677 : memref<16x128xf32, #tpu.memory_space<vmem>>) offsets(%get3A_668 : vector<16xi32>) semaphore(%arg11 : memref<!tpu.dma_semaphore, #tpu.memory_space<semaphore_mem>>)
    %get3A_681 = arith.constant 0 : i32
    %get3A_682 = arith.index_cast %get3A_681 : i32 to index
    %get3A_683 = arith.constant 352 : index
    %get3A_684 = tpu.vector_load %arg8[%get3A_682, %get3A_683] {strides = array<i32>} : memref<2x512xi32, #tpu.memory_space<vmem>>, vector<1x16xi32>,
    %get3A_685 = vector.shape_cast %get3A_684 : vector<1x16xi32> to vector<16xi32>
    %get3A_686 = arith.constant 1 : i32
    %get3A_687 = arith.index_cast %get3A_686 : i32 to index
    %get3A_688 = arith.constant 352 : index
    %get3A_689 = tpu.vector_load %arg8[%get3A_687, %get3A_688] {strides = array<i32>} : memref<2x512xi32, #tpu.memory_space<vmem>>, vector<1x16xi32>,
    %get3A_690 = vector.shape_cast %get3A_689 : vector<1x16xi32> to vector<16xi32>
    %dma_start3A_691 = arith.constant 96 : i32
    %dma_start3A_692 = arith.constant 0 : i32
    %dma_start3A_693 = tpu.memref_slice %arg9[%dma_start3A_691, %dma_start3A_692] : memref<256x128xf32, #tpu.memory_space<vmem>> -> memref<16x128xf32, #tpu.memory_space<vmem>>
    %dma_start3A_694 = arith.constant 0 : i32
    %dma_start3A_695 = arith.constant 0 : i32
    %dma_start3A_696 = tpu.memref_slice %arg4[%dma_start3A_694, %dma_start3A_695] : memref<251904x128xf32, #tpu.memory_space<hbm>> -> memref<251904x128xf32, #tpu.memory_space<hbm>>
    tpu.enqueue_indirect_dma source(%dma_start3A_696 : memref<251904x128xf32, #tpu.memory_space<hbm>>) target(%dma_start3A_693 : memref<16x128xf32, #tpu.memory_space<vmem>>) offsets(%get3A_685 : vector<16xi32>) semaphore(%arg11 : memref<!tpu.dma_semaphore, #tpu.memory_space<semaphore_mem>>)
    %dma_start3A_697 = arith.constant 96 : i32
    %dma_start3A_698 = arith.constant 0 : i32
    %dma_start3A_699 = tpu.memref_slice %arg10[%dma_start3A_697, %dma_start3A_698] : memref<256x128xf32, #tpu.memory_space<vmem>> -> memref<16x128xf32, #tpu.memory_space<vmem>>
    %dma_start3A_700 = arith.constant 0 : i32
    %dma_start3A_701 = arith.constant 0 : i32
    %dma_start3A_702 = tpu.memref_slice %arg5[%dma_start3A_700, %dma_start3A_701] : memref<251904x128xf32, #tpu.memory_space<hbm>> -> memref<251904x128xf32, #tpu.memory_space<hbm>>
    tpu.enqueue_indirect_dma source(%dma_start3A_702 : memref<251904x128xf32, #tpu.memory_space<hbm>>) target(%dma_start3A_699 : memref<16x128xf32, #tpu.memory_space<vmem>>) offsets(%get3A_690 : vector<16xi32>) semaphore(%arg11 : memref<!tpu.dma_semaphore, #tpu.memory_space<semaphore_mem>>)
    %get3A_703 = arith.constant 0 : i32
    %get3A_704 = arith.index_cast %get3A_703 : i32 to index
    %get3A_705 = arith.constant 368 : index
    %get3A_706 = tpu.vector_load %arg8[%get3A_704, %get3A_705] {strides = array<i32>} : memref<2x512xi32, #tpu.memory_space<vmem>>, vector<1x16xi32>,
    %get3A_707 = vector.shape_cast %get3A_706 : vector<1x16xi32> to vector<16xi32>
    %get3A_708 = arith.constant 1 : i32
    %get3A_709 = arith.index_cast %get3A_708 : i32 to index
    %get3A_710 = arith.constant 368 : index
    %get3A_711 = tpu.vector_load %arg8[%get3A_709, %get3A_710] {strides = array<i32>} : memref<2x512xi32, #tpu.memory_space<vmem>>, vector<1x16xi32>,
    %get3A_712 = vector.shape_cast %get3A_711 : vector<1x16xi32> to vector<16xi32>
    %dma_start3A_713 = arith.constant 112 : i32
    %dma_start3A_714 = arith.constant 0 : i32
    %dma_start3A_715 = tpu.memref_slice %arg9[%dma_start3A_713, %dma_start3A_714] : memref<256x128xf32, #tpu.memory_space<vmem>> -> memref<16x128xf32, #tpu.memory_space<vmem>>
    %dma_start3A_716 = arith.constant 0 : i32
    %dma_start3A_717 = arith.constant 0 : i32
    %dma_start3A_718 = tpu.memref_slice %arg4[%dma_start3A_716, %dma_start3A_717] : memref<251904x128xf32, #tpu.memory_space<hbm>> -> memref<251904x128xf32, #tpu.memory_space<hbm>>
    tpu.enqueue_indirect_dma source(%dma_start3A_718 : memref<251904x128xf32, #tpu.memory_space<hbm>>) target(%dma_start3A_715 : memref<16x128xf32, #tpu.memory_space<vmem>>) offsets(%get3A_707 : vector<16xi32>) semaphore(%arg11 : memref<!tpu.dma_semaphore, #tpu.memory_space<semaphore_mem>>)
    %dma_start3A_719 = arith.constant 112 : i32
    %dma_start3A_720 = arith.constant 0 : i32
    %dma_start3A_721 = tpu.memref_slice %arg10[%dma_start3A_719, %dma_start3A_720] : memref<256x128xf32, #tpu.memory_space<vmem>> -> memref<16x128xf32, #tpu.memory_space<vmem>>
    %dma_start3A_722 = arith.constant 0 : i32
    %dma_start3A_723 = arith.constant 0 : i32
    %dma_start3A_724 = tpu.memref_slice %arg5[%dma_start3A_722, %dma_start3A_723] : memref<251904x128xf32, #tpu.memory_space<hbm>> -> memref<251904x128xf32, #tpu.memory_space<hbm>>
    tpu.enqueue_indirect_dma source(%dma_start3A_724 : memref<251904x128xf32, #tpu.memory_space<hbm>>) target(%dma_start3A_721 : memref<16x128xf32, #tpu.memory_space<vmem>>) offsets(%get3A_712 : vector<16xi32>) semaphore(%arg11 : memref<!tpu.dma_semaphore, #tpu.memory_space<semaphore_mem>>)
    %get3A_725 = arith.constant 0 : i32
    %get3A_726 = arith.index_cast %get3A_725 : i32 to index
    %get3A_727 = arith.constant 384 : index
    %get3A_728 = tpu.vector_load %arg8[%get3A_726, %get3A_727] {strides = array<i32>} : memref<2x512xi32, #tpu.memory_space<vmem>>, vector<1x16xi32>,
    %get3A_729 = vector.shape_cast %get3A_728 : vector<1x16xi32> to vector<16xi32>
    %get3A_730 = arith.constant 1 : i32
    %get3A_731 = arith.index_cast %get3A_730 : i32 to index
    %get3A_732 = arith.constant 384 : index
    %get3A_733 = tpu.vector_load %arg8[%get3A_731, %get3A_732] {strides = array<i32>} : memref<2x512xi32, #tpu.memory_space<vmem>>, vector<1x16xi32>,
    %get3A_734 = vector.shape_cast %get3A_733 : vector<1x16xi32> to vector<16xi32>
    %dma_start3A_735 = arith.constant 128 : i32
    %dma_start3A_736 = arith.constant 0 : i32
    %dma_start3A_737 = tpu.memref_slice %arg9[%dma_start3A_735, %dma_start3A_736] : memref<256x128xf32, #tpu.memory_space<vmem>> -> memref<16x128xf32, #tpu.memory_space<vmem>>
    %dma_start3A_738 = arith.constant 0 : i32
    %dma_start3A_739 = arith.constant 0 : i32
    %dma_start3A_740 = tpu.memref_slice %arg4[%dma_start3A_738, %dma_start3A_739] : memref<251904x128xf32, #tpu.memory_space<hbm>> -> memref<251904x128xf32, #tpu.memory_space<hbm>>
    tpu.enqueue_indirect_dma source(%dma_start3A_740 : memref<251904x128xf32, #tpu.memory_space<hbm>>) target(%dma_start3A_737 : memref<16x128xf32, #tpu.memory_space<vmem>>) offsets(%get3A_729 : vector<16xi32>) semaphore(%arg11 : memref<!tpu.dma_semaphore, #tpu.memory_space<semaphore_mem>>)
    %dma_start3A_741 = arith.constant 128 : i32
    %dma_start3A_742 = arith.constant 0 : i32
    %dma_start3A_743 = tpu.memref_slice %arg10[%dma_start3A_741, %dma_start3A_742] : memref<256x128xf32, #tpu.memory_space<vmem>> -> memref<16x128xf32, #tpu.memory_space<vmem>>
    %dma_start3A_744 = arith.constant 0 : i32
    %dma_start3A_745 = arith.constant 0 : i32
    %dma_start3A_746 = tpu.memref_slice %arg5[%dma_start3A_744, %dma_start3A_745] : memref<251904x128xf32, #tpu.memory_space<hbm>> -> memref<251904x128xf32, #tpu.memory_space<hbm>>
    tpu.enqueue_indirect_dma source(%dma_start3A_746 : memref<251904x128xf32, #tpu.memory_space<hbm>>) target(%dma_start3A_743 : memref<16x128xf32, #tpu.memory_space<vmem>>) offsets(%get3A_734 : vector<16xi32>) semaphore(%arg11 : memref<!tpu.dma_semaphore, #tpu.memory_space<semaphore_mem>>)
    %get3A_747 = arith.constant 0 : i32
    %get3A_748 = arith.index_cast %get3A_747 : i32 to index
    %get3A_749 = arith.constant 400 : index
    %get3A_750 = tpu.vector_load %arg8[%get3A_748, %get3A_749] {strides = array<i32>} : memref<2x512xi32, #tpu.memory_space<vmem>>, vector<1x16xi32>,
    %get3A_751 = vector.shape_cast %get3A_750 : vector<1x16xi32> to vector<16xi32>
    %get3A_752 = arith.constant 1 : i32
    %get3A_753 = arith.index_cast %get3A_752 : i32 to index
    %get3A_754 = arith.constant 400 : index
    %get3A_755 = tpu.vector_load %arg8[%get3A_753, %get3A_754] {strides = array<i32>} : memref<2x512xi32, #tpu.memory_space<vmem>>, vector<1x16xi32>,
    %get3A_756 = vector.shape_cast %get3A_755 : vector<1x16xi32> to vector<16xi32>
    %dma_start3A_757 = arith.constant 144 : i32
    %dma_start3A_758 = arith.constant 0 : i32
    %dma_start3A_759 = tpu.memref_slice %arg9[%dma_start3A_757, %dma_start3A_758] : memref<256x128xf32, #tpu.memory_space<vmem>> -> memref<16x128xf32, #tpu.memory_space<vmem>>
    %dma_start3A_760 = arith.constant 0 : i32
    %dma_start3A_761 = arith.constant 0 : i32
    %dma_start3A_762 = tpu.memref_slice %arg4[%dma_start3A_760, %dma_start3A_761] : memref<251904x128xf32, #tpu.memory_space<hbm>> -> memref<251904x128xf32, #tpu.memory_space<hbm>>
    tpu.enqueue_indirect_dma source(%dma_start3A_762 : memref<251904x128xf32, #tpu.memory_space<hbm>>) target(%dma_start3A_759 : memref<16x128xf32, #tpu.memory_space<vmem>>) offsets(%get3A_751 : vector<16xi32>) semaphore(%arg11 : memref<!tpu.dma_semaphore, #tpu.memory_space<semaphore_mem>>)
    %dma_start3A_763 = arith.constant 144 : i32
    %dma_start3A_764 = arith.constant 0 : i32
    %dma_start3A_765 = tpu.memref_slice %arg10[%dma_start3A_763, %dma_start3A_764] : memref<256x128xf32, #tpu.memory_space<vmem>> -> memref<16x128xf32, #tpu.memory_space<vmem>>
    %dma_start3A_766 = arith.constant 0 : i32
    %dma_start3A_767 = arith.constant 0 : i32
    %dma_start3A_768 = tpu.memref_slice %arg5[%dma_start3A_766, %dma_start3A_767] : memref<251904x128xf32, #tpu.memory_space<hbm>> -> memref<251904x128xf32, #tpu.memory_space<hbm>>
    tpu.enqueue_indirect_dma source(%dma_start3A_768 : memref<251904x128xf32, #tpu.memory_space<hbm>>) target(%dma_start3A_765 : memref<16x128xf32, #tpu.memory_space<vmem>>) offsets(%get3A_756 : vector<16xi32>) semaphore(%arg11 : memref<!tpu.dma_semaphore, #tpu.memory_space<semaphore_mem>>)
    %get3A_769 = arith.constant 0 : i32
    %get3A_770 = arith.index_cast %get3A_769 : i32 to index
    %get3A_771 = arith.constant 416 : index
    %get3A_772 = tpu.vector_load %arg8[%get3A_770, %get3A_771] {strides = array<i32>} : memref<2x512xi32, #tpu.memory_space<vmem>>, vector<1x16xi32>,
    %get3A_773 = vector.shape_cast %get3A_772 : vector<1x16xi32> to vector<16xi32>
    %get3A_774 = arith.constant 1 : i32
    %get3A_775 = arith.index_cast %get3A_774 : i32 to index
    %get3A_776 = arith.constant 416 : index
    %get3A_777 = tpu.vector_load %arg8[%get3A_775, %get3A_776] {strides = array<i32>} : memref<2x512xi32, #tpu.memory_space<vmem>>, vector<1x16xi32>,
    %get3A_778 = vector.shape_cast %get3A_777 : vector<1x16xi32> to vector<16xi32>
    %dma_start3A_779 = arith.constant 160 : i32
    %dma_start3A_780 = arith.constant 0 : i32
    %dma_start3A_781 = tpu.memref_slice %arg9[%dma_start3A_779, %dma_start3A_780] : memref<256x128xf32, #tpu.memory_space<vmem>> -> memref<16x128xf32, #tpu.memory_space<vmem>>
    %dma_start3A_782 = arith.constant 0 : i32
    %dma_start3A_783 = arith.constant 0 : i32
    %dma_start3A_784 = tpu.memref_slice %arg4[%dma_start3A_782, %dma_start3A_783] : memref<251904x128xf32, #tpu.memory_space<hbm>> -> memref<251904x128xf32, #tpu.memory_space<hbm>>
    tpu.enqueue_indirect_dma source(%dma_start3A_784 : memref<251904x128xf32, #tpu.memory_space<hbm>>) target(%dma_start3A_781 : memref<16x128xf32, #tpu.memory_space<vmem>>) offsets(%get3A_773 : vector<16xi32>) semaphore(%arg11 : memref<!tpu.dma_semaphore, #tpu.memory_space<semaphore_mem>>)
    %dma_start3A_785 = arith.constant 160 : i32
    %dma_start3A_786 = arith.constant 0 : i32
    %dma_start3A_787 = tpu.memref_slice %arg10[%dma_start3A_785, %dma_start3A_786] : memref<256x128xf32, #tpu.memory_space<vmem>> -> memref<16x128xf32, #tpu.memory_space<vmem>>
    %dma_start3A_788 = arith.constant 0 : i32
    %dma_start3A_789 = arith.constant 0 : i32
    %dma_start3A_790 = tpu.memref_slice %arg5[%dma_start3A_788, %dma_start3A_789] : memref<251904x128xf32, #tpu.memory_space<hbm>> -> memref<251904x128xf32, #tpu.memory_space<hbm>>
    tpu.enqueue_indirect_dma source(%dma_start3A_790 : memref<251904x128xf32, #tpu.memory_space<hbm>>) target(%dma_start3A_787 : memref<16x128xf32, #tpu.memory_space<vmem>>) offsets(%get3A_778 : vector<16xi32>) semaphore(%arg11 : memref<!tpu.dma_semaphore, #tpu.memory_space<semaphore_mem>>)
    %get3A_791 = arith.constant 0 : i32
    %get3A_792 = arith.index_cast %get3A_791 : i32 to index
    %get3A_793 = arith.constant 432 : index
    %get3A_794 = tpu.vector_load %arg8[%get3A_792, %get3A_793] {strides = array<i32>} : memref<2x512xi32, #tpu.memory_space<vmem>>, vector<1x16xi32>,
    %get3A_795 = vector.shape_cast %get3A_794 : vector<1x16xi32> to vector<16xi32>
    %get3A_796 = arith.constant 1 : i32
    %get3A_797 = arith.index_cast %get3A_796 : i32 to index
    %get3A_798 = arith.constant 432 : index
    %get3A_799 = tpu.vector_load %arg8[%get3A_797, %get3A_798] {strides = array<i32>} : memref<2x512xi32, #tpu.memory_space<vmem>>, vector<1x16xi32>,
    %get3A_800 = vector.shape_cast %get3A_799 : vector<1x16xi32> to vector<16xi32>
    %dma_start3A_801 = arith.constant 176 : i32
    %dma_start3A_802 = arith.constant 0 : i32
    %dma_start3A_803 = tpu.memref_slice %arg9[%dma_start3A_801, %dma_start3A_802] : memref<256x128xf32, #tpu.memory_space<vmem>> -> memref<16x128xf32, #tpu.memory_space<vmem>>
    %dma_start3A_804 = arith.constant 0 : i32
    %dma_start3A_805 = arith.constant 0 : i32
    %dma_start3A_806 = tpu.memref_slice %arg4[%dma_start3A_804, %dma_start3A_805] : memref<251904x128xf32, #tpu.memory_space<hbm>> -> memref<251904x128xf32, #tpu.memory_space<hbm>>
    tpu.enqueue_indirect_dma source(%dma_start3A_806 : memref<251904x128xf32, #tpu.memory_space<hbm>>) target(%dma_start3A_803 : memref<16x128xf32, #tpu.memory_space<vmem>>) offsets(%get3A_795 : vector<16xi32>) semaphore(%arg11 : memref<!tpu.dma_semaphore, #tpu.memory_space<semaphore_mem>>)
    %dma_start3A_807 = arith.constant 176 : i32
    %dma_start3A_808 = arith.constant 0 : i32
    %dma_start3A_809 = tpu.memref_slice %arg10[%dma_start3A_807, %dma_start3A_808] : memref<256x128xf32, #tpu.memory_space<vmem>> -> memref<16x128xf32, #tpu.memory_space<vmem>>
    %dma_start3A_810 = arith.constant 0 : i32
    %dma_start3A_811 = arith.constant 0 : i32
    %dma_start3A_812 = tpu.memref_slice %arg5[%dma_start3A_810, %dma_start3A_811] : memref<251904x128xf32, #tpu.memory_space<hbm>> -> memref<251904x128xf32, #tpu.memory_space<hbm>>
    tpu.enqueue_indirect_dma source(%dma_start3A_812 : memref<251904x128xf32, #tpu.memory_space<hbm>>) target(%dma_start3A_809 : memref<16x128xf32, #tpu.memory_space<vmem>>) offsets(%get3A_800 : vector<16xi32>) semaphore(%arg11 : memref<!tpu.dma_semaphore, #tpu.memory_space<semaphore_mem>>)
    %get3A_813 = arith.constant 0 : i32
    %get3A_814 = arith.index_cast %get3A_813 : i32 to index
    %get3A_815 = arith.constant 448 : index
    %get3A_816 = tpu.vector_load %arg8[%get3A_814, %get3A_815] {strides = array<i32>} : memref<2x512xi32, #tpu.memory_space<vmem>>, vector<1x16xi32>,
    %get3A_817 = vector.shape_cast %get3A_816 : vector<1x16xi32> to vector<16xi32>
    %get3A_818 = arith.constant 1 : i32
    %get3A_819 = arith.index_cast %get3A_818 : i32 to index
    %get3A_820 = arith.constant 448 : index
    %get3A_821 = tpu.vector_load %arg8[%get3A_819, %get3A_820] {strides = array<i32>} : memref<2x512xi32, #tpu.memory_space<vmem>>, vector<1x16xi32>,
    %get3A_822 = vector.shape_cast %get3A_821 : vector<1x16xi32> to vector<16xi32>
    %dma_start3A_823 = arith.constant 192 : i32
    %dma_start3A_824 = arith.constant 0 : i32
    %dma_start3A_825 = tpu.memref_slice %arg9[%dma_start3A_823, %dma_start3A_824] : memref<256x128xf32, #tpu.memory_space<vmem>> -> memref<16x128xf32, #tpu.memory_space<vmem>>
    %dma_start3A_826 = arith.constant 0 : i32
    %dma_start3A_827 = arith.constant 0 : i32
    %dma_start3A_828 = tpu.memref_slice %arg4[%dma_start3A_826, %dma_start3A_827] : memref<251904x128xf32, #tpu.memory_space<hbm>> -> memref<251904x128xf32, #tpu.memory_space<hbm>>
    tpu.enqueue_indirect_dma source(%dma_start3A_828 : memref<251904x128xf32, #tpu.memory_space<hbm>>) target(%dma_start3A_825 : memref<16x128xf32, #tpu.memory_space<vmem>>) offsets(%get3A_817 : vector<16xi32>) semaphore(%arg11 : memref<!tpu.dma_semaphore, #tpu.memory_space<semaphore_mem>>)
    %dma_start3A_829 = arith.constant 192 : i32
    %dma_start3A_830 = arith.constant 0 : i32
    %dma_start3A_831 = tpu.memref_slice %arg10[%dma_start3A_829, %dma_start3A_830] : memref<256x128xf32, #tpu.memory_space<vmem>> -> memref<16x128xf32, #tpu.memory_space<vmem>>
    %dma_start3A_832 = arith.constant 0 : i32
    %dma_start3A_833 = arith.constant 0 : i32
    %dma_start3A_834 = tpu.memref_slice %arg5[%dma_start3A_832, %dma_start3A_833] : memref<251904x128xf32, #tpu.memory_space<hbm>> -> memref<251904x128xf32, #tpu.memory_space<hbm>>
    tpu.enqueue_indirect_dma source(%dma_start3A_834 : memref<251904x128xf32, #tpu.memory_space<hbm>>) target(%dma_start3A_831 : memref<16x128xf32, #tpu.memory_space<vmem>>) offsets(%get3A_822 : vector<16xi32>) semaphore(%arg11 : memref<!tpu.dma_semaphore, #tpu.memory_space<semaphore_mem>>)
    %get3A_835 = arith.constant 0 : i32
    %get3A_836 = arith.index_cast %get3A_835 : i32 to index
    %get3A_837 = arith.constant 464 : index
    %get3A_838 = tpu.vector_load %arg8[%get3A_836, %get3A_837] {strides = array<i32>} : memref<2x512xi32, #tpu.memory_space<vmem>>, vector<1x16xi32>,
    %get3A_839 = vector.shape_cast %get3A_838 : vector<1x16xi32> to vector<16xi32>
    %get3A_840 = arith.constant 1 : i32
    %get3A_841 = arith.index_cast %get3A_840 : i32 to index
    %get3A_842 = arith.constant 464 : index
    %get3A_843 = tpu.vector_load %arg8[%get3A_841, %get3A_842] {strides = array<i32>} : memref<2x512xi32, #tpu.memory_space<vmem>>, vector<1x16xi32>,
    %get3A_844 = vector.shape_cast %get3A_843 : vector<1x16xi32> to vector<16xi32>
    %dma_start3A_845 = arith.constant 208 : i32
    %dma_start3A_846 = arith.constant 0 : i32
    %dma_start3A_847 = tpu.memref_slice %arg9[%dma_start3A_845, %dma_start3A_846] : memref<256x128xf32, #tpu.memory_space<vmem>> -> memref<16x128xf32, #tpu.memory_space<vmem>>
    %dma_start3A_848 = arith.constant 0 : i32
    %dma_start3A_849 = arith.constant 0 : i32
    %dma_start3A_850 = tpu.memref_slice %arg4[%dma_start3A_848, %dma_start3A_849] : memref<251904x128xf32, #tpu.memory_space<hbm>> -> memref<251904x128xf32, #tpu.memory_space<hbm>>
    tpu.enqueue_indirect_dma source(%dma_start3A_850 : memref<251904x128xf32, #tpu.memory_space<hbm>>) target(%dma_start3A_847 : memref<16x128xf32, #tpu.memory_space<vmem>>) offsets(%get3A_839 : vector<16xi32>) semaphore(%arg11 : memref<!tpu.dma_semaphore, #tpu.memory_space<semaphore_mem>>)
    %dma_start3A_851 = arith.constant 208 : i32
    %dma_start3A_852 = arith.constant 0 : i32
    %dma_start3A_853 = tpu.memref_slice %arg10[%dma_start3A_851, %dma_start3A_852] : memref<256x128xf32, #tpu.memory_space<vmem>> -> memref<16x128xf32, #tpu.memory_space<vmem>>
    %dma_start3A_854 = arith.constant 0 : i32
    %dma_start3A_855 = arith.constant 0 : i32
    %dma_start3A_856 = tpu.memref_slice %arg5[%dma_start3A_854, %dma_start3A_855] : memref<251904x128xf32, #tpu.memory_space<hbm>> -> memref<251904x128xf32, #tpu.memory_space<hbm>>
    tpu.enqueue_indirect_dma source(%dma_start3A_856 : memref<251904x128xf32, #tpu.memory_space<hbm>>) target(%dma_start3A_853 : memref<16x128xf32, #tpu.memory_space<vmem>>) offsets(%get3A_844 : vector<16xi32>) semaphore(%arg11 : memref<!tpu.dma_semaphore, #tpu.memory_space<semaphore_mem>>)
    %get3A_857 = arith.constant 0 : i32
    %get3A_858 = arith.index_cast %get3A_857 : i32 to index
    %get3A_859 = arith.constant 480 : index
    %get3A_860 = tpu.vector_load %arg8[%get3A_858, %get3A_859] {strides = array<i32>} : memref<2x512xi32, #tpu.memory_space<vmem>>, vector<1x16xi32>,
    %get3A_861 = vector.shape_cast %get3A_860 : vector<1x16xi32> to vector<16xi32>
    %get3A_862 = arith.constant 1 : i32
    %get3A_863 = arith.index_cast %get3A_862 : i32 to index
    %get3A_864 = arith.constant 480 : index
    %get3A_865 = tpu.vector_load %arg8[%get3A_863, %get3A_864] {strides = array<i32>} : memref<2x512xi32, #tpu.memory_space<vmem>>, vector<1x16xi32>,
    %get3A_866 = vector.shape_cast %get3A_865 : vector<1x16xi32> to vector<16xi32>
    %dma_start3A_867 = arith.constant 224 : i32
    %dma_start3A_868 = arith.constant 0 : i32
    %dma_start3A_869 = tpu.memref_slice %arg9[%dma_start3A_867, %dma_start3A_868] : memref<256x128xf32, #tpu.memory_space<vmem>> -> memref<16x128xf32, #tpu.memory_space<vmem>>
    %dma_start3A_870 = arith.constant 0 : i32
    %dma_start3A_871 = arith.constant 0 : i32
    %dma_start3A_872 = tpu.memref_slice %arg4[%dma_start3A_870, %dma_start3A_871] : memref<251904x128xf32, #tpu.memory_space<hbm>> -> memref<251904x128xf32, #tpu.memory_space<hbm>>
    tpu.enqueue_indirect_dma source(%dma_start3A_872 : memref<251904x128xf32, #tpu.memory_space<hbm>>) target(%dma_start3A_869 : memref<16x128xf32, #tpu.memory_space<vmem>>) offsets(%get3A_861 : vector<16xi32>) semaphore(%arg11 : memref<!tpu.dma_semaphore, #tpu.memory_space<semaphore_mem>>)
    %dma_start3A_873 = arith.constant 224 : i32
    %dma_start3A_874 = arith.constant 0 : i32
    %dma_start3A_875 = tpu.memref_slice %arg10[%dma_start3A_873, %dma_start3A_874] : memref<256x128xf32, #tpu.memory_space<vmem>> -> memref<16x128xf32, #tpu.memory_space<vmem>>
    %dma_start3A_876 = arith.constant 0 : i32
    %dma_start3A_877 = arith.constant 0 : i32
    %dma_start3A_878 = tpu.memref_slice %arg5[%dma_start3A_876, %dma_start3A_877] : memref<251904x128xf32, #tpu.memory_space<hbm>> -> memref<251904x128xf32, #tpu.memory_space<hbm>>
    tpu.enqueue_indirect_dma source(%dma_start3A_878 : memref<251904x128xf32, #tpu.memory_space<hbm>>) target(%dma_start3A_875 : memref<16x128xf32, #tpu.memory_space<vmem>>) offsets(%get3A_866 : vector<16xi32>) semaphore(%arg11 : memref<!tpu.dma_semaphore, #tpu.memory_space<semaphore_mem>>)
    %get3A_879 = arith.constant 0 : i32
    %get3A_880 = arith.index_cast %get3A_879 : i32 to index
    %get3A_881 = arith.constant 496 : index
    %get3A_882 = tpu.vector_load %arg8[%get3A_880, %get3A_881] {strides = array<i32>} : memref<2x512xi32, #tpu.memory_space<vmem>>, vector<1x16xi32>,
    %get3A_883 = vector.shape_cast %get3A_882 : vector<1x16xi32> to vector<16xi32>
    %get3A_884 = arith.constant 1 : i32
    %get3A_885 = arith.index_cast %get3A_884 : i32 to index
    %get3A_886 = arith.constant 496 : index
    %get3A_887 = tpu.vector_load %arg8[%get3A_885, %get3A_886] {strides = array<i32>} : memref<2x512xi32, #tpu.memory_space<vmem>>, vector<1x16xi32>,
    %get3A_888 = vector.shape_cast %get3A_887 : vector<1x16xi32> to vector<16xi32>
    %dma_start3A_889 = arith.constant 240 : i32
    %dma_start3A_890 = arith.constant 0 : i32
    %dma_start3A_891 = tpu.memref_slice %arg9[%dma_start3A_889, %dma_start3A_890] : memref<256x128xf32, #tpu.memory_space<vmem>> -> memref<16x128xf32, #tpu.memory_space<vmem>>
    %dma_start3A_892 = arith.constant 0 : i32
    %dma_start3A_893 = arith.constant 0 : i32
    %dma_start3A_894 = tpu.memref_slice %arg4[%dma_start3A_892, %dma_start3A_893] : memref<251904x128xf32, #tpu.memory_space<hbm>> -> memref<251904x128xf32, #tpu.memory_space<hbm>>
    tpu.enqueue_indirect_dma source(%dma_start3A_894 : memref<251904x128xf32, #tpu.memory_space<hbm>>) target(%dma_start3A_891 : memref<16x128xf32, #tpu.memory_space<vmem>>) offsets(%get3A_883 : vector<16xi32>) semaphore(%arg11 : memref<!tpu.dma_semaphore, #tpu.memory_space<semaphore_mem>>)
    %dma_start3A_895 = arith.constant 240 : i32
    %dma_start3A_896 = arith.constant 0 : i32
    %dma_start3A_897 = tpu.memref_slice %arg10[%dma_start3A_895, %dma_start3A_896] : memref<256x128xf32, #tpu.memory_space<vmem>> -> memref<16x128xf32, #tpu.memory_space<vmem>>
    %dma_start3A_898 = arith.constant 0 : i32
    %dma_start3A_899 = arith.constant 0 : i32
    %dma_start3A_900 = tpu.memref_slice %arg5[%dma_start3A_898, %dma_start3A_899] : memref<251904x128xf32, #tpu.memory_space<hbm>> -> memref<251904x128xf32, #tpu.memory_space<hbm>>
    tpu.enqueue_indirect_dma source(%dma_start3A_900 : memref<251904x128xf32, #tpu.memory_space<hbm>>) target(%dma_start3A_897 : memref<16x128xf32, #tpu.memory_space<vmem>>) offsets(%get3A_888 : vector<16xi32>) semaphore(%arg11 : memref<!tpu.dma_semaphore, #tpu.memory_space<semaphore_mem>>)
    %dma_wait3A_901 = arith.constant 0 : i32
    %dma_wait3A_902 = arith.constant 0 : i32
    %dma_wait3A_903 = tpu.memref_slice %arg9[%dma_wait3A_901, %dma_wait3A_902] : memref<256x128xf32, #tpu.memory_space<vmem>> -> memref<16x128xf32, #tpu.memory_space<vmem>>
    %dma_wait3A_904 = arith.constant 0 : i32
    %dma_wait3A_905 = arith.constant 0 : i32
    %dma_wait3A_906 = tpu.memref_slice %arg4[%dma_wait3A_904, %dma_wait3A_905] : memref<251904x128xf32, #tpu.memory_space<hbm>> -> memref<251904x128xf32, #tpu.memory_space<hbm>>
    tpu.wait_indirect_dma semaphore(%arg11 : memref<!tpu.dma_semaphore, #tpu.memory_space<semaphore_mem>>) src(%dma_wait3A_906 : memref<251904x128xf32, #tpu.memory_space<hbm>>) dst(%dma_wait3A_903 : memref<16x128xf32, #tpu.memory_space<vmem>>)
    %dma_wait3A_907 = arith.constant 0 : i32
    %dma_wait3A_908 = arith.constant 0 : i32
    %dma_wait3A_909 = tpu.memref_slice %arg10[%dma_wait3A_907, %dma_wait3A_908] : memref<256x128xf32, #tpu.memory_space<vmem>> -> memref<16x128xf32, #tpu.memory_space<vmem>>
    %dma_wait3A_910 = arith.constant 0 : i32
    %dma_wait3A_911 = arith.constant 0 : i32
    %dma_wait3A_912 = tpu.memref_slice %arg5[%dma_wait3A_910, %dma_wait3A_911] : memref<251904x128xf32, #tpu.memory_space<hbm>> -> memref<251904x128xf32, #tpu.memory_space<hbm>>
    tpu.wait_indirect_dma semaphore(%arg11 : memref<!tpu.dma_semaphore, #tpu.memory_space<semaphore_mem>>) src(%dma_wait3A_912 : memref<251904x128xf32, #tpu.memory_space<hbm>>) dst(%dma_wait3A_909 : memref<16x128xf32, #tpu.memory_space<vmem>>)
    %dma_wait3A_913 = arith.constant 16 : i32
    %dma_wait3A_914 = arith.constant 0 : i32
    %dma_wait3A_915 = tpu.memref_slice %arg9[%dma_wait3A_913, %dma_wait3A_914] : memref<256x128xf32, #tpu.memory_space<vmem>> -> memref<16x128xf32, #tpu.memory_space<vmem>>
    %dma_wait3A_916 = arith.constant 0 : i32
    %dma_wait3A_917 = arith.constant 0 : i32
    %dma_wait3A_918 = tpu.memref_slice %arg4[%dma_wait3A_916, %dma_wait3A_917] : memref<251904x128xf32, #tpu.memory_space<hbm>> -> memref<251904x128xf32, #tpu.memory_space<hbm>>
    tpu.wait_indirect_dma semaphore(%arg11 : memref<!tpu.dma_semaphore, #tpu.memory_space<semaphore_mem>>) src(%dma_wait3A_918 : memref<251904x128xf32, #tpu.memory_space<hbm>>) dst(%dma_wait3A_915 : memref<16x128xf32, #tpu.memory_space<vmem>>)
    %dma_wait3A_919 = arith.constant 16 : i32
    %dma_wait3A_920 = arith.constant 0 : i32
    %dma_wait3A_921 = tpu.memref_slice %arg10[%dma_wait3A_919, %dma_wait3A_920] : memref<256x128xf32, #tpu.memory_space<vmem>> -> memref<16x128xf32, #tpu.memory_space<vmem>>
    %dma_wait3A_922 = arith.constant 0 : i32
    %dma_wait3A_923 = arith.constant 0 : i32
    %dma_wait3A_924 = tpu.memref_slice %arg5[%dma_wait3A_922, %dma_wait3A_923] : memref<251904x128xf32, #tpu.memory_space<hbm>> -> memref<251904x128xf32, #tpu.memory_space<hbm>>
    tpu.wait_indirect_dma semaphore(%arg11 : memref<!tpu.dma_semaphore, #tpu.memory_space<semaphore_mem>>) src(%dma_wait3A_924 : memref<251904x128xf32, #tpu.memory_space<hbm>>) dst(%dma_wait3A_921 : memref<16x128xf32, #tpu.memory_space<vmem>>)
    %dma_wait3A_925 = arith.constant 32 : i32
    %dma_wait3A_926 = arith.constant 0 : i32
    %dma_wait3A_927 = tpu.memref_slice %arg9[%dma_wait3A_925, %dma_wait3A_926] : memref<256x128xf32, #tpu.memory_space<vmem>> -> memref<16x128xf32, #tpu.memory_space<vmem>>
    %dma_wait3A_928 = arith.constant 0 : i32
    %dma_wait3A_929 = arith.constant 0 : i32
    %dma_wait3A_930 = tpu.memref_slice %arg4[%dma_wait3A_928, %dma_wait3A_929] : memref<251904x128xf32, #tpu.memory_space<hbm>> -> memref<251904x128xf32, #tpu.memory_space<hbm>>
    tpu.wait_indirect_dma semaphore(%arg11 : memref<!tpu.dma_semaphore, #tpu.memory_space<semaphore_mem>>) src(%dma_wait3A_930 : memref<251904x128xf32, #tpu.memory_space<hbm>>) dst(%dma_wait3A_927 : memref<16x128xf32, #tpu.memory_space<vmem>>)
    %dma_wait3A_931 = arith.constant 32 : i32
    %dma_wait3A_932 = arith.constant 0 : i32
    %dma_wait3A_933 = tpu.memref_slice %arg10[%dma_wait3A_931, %dma_wait3A_932] : memref<256x128xf32, #tpu.memory_space<vmem>> -> memref<16x128xf32, #tpu.memory_space<vmem>>
    %dma_wait3A_934 = arith.constant 0 : i32
    %dma_wait3A_935 = arith.constant 0 : i32
    %dma_wait3A_936 = tpu.memref_slice %arg5[%dma_wait3A_934, %dma_wait3A_935] : memref<251904x128xf32, #tpu.memory_space<hbm>> -> memref<251904x128xf32, #tpu.memory_space<hbm>>
    tpu.wait_indirect_dma semaphore(%arg11 : memref<!tpu.dma_semaphore, #tpu.memory_space<semaphore_mem>>) src(%dma_wait3A_936 : memref<251904x128xf32, #tpu.memory_space<hbm>>) dst(%dma_wait3A_933 : memref<16x128xf32, #tpu.memory_space<vmem>>)
    %dma_wait3A_937 = arith.constant 48 : i32
    %dma_wait3A_938 = arith.constant 0 : i32
    %dma_wait3A_939 = tpu.memref_slice %arg9[%dma_wait3A_937, %dma_wait3A_938] : memref<256x128xf32, #tpu.memory_space<vmem>> -> memref<16x128xf32, #tpu.memory_space<vmem>>
    %dma_wait3A_940 = arith.constant 0 : i32
    %dma_wait3A_941 = arith.constant 0 : i32
    %dma_wait3A_942 = tpu.memref_slice %arg4[%dma_wait3A_940, %dma_wait3A_941] : memref<251904x128xf32, #tpu.memory_space<hbm>> -> memref<251904x128xf32, #tpu.memory_space<hbm>>
    tpu.wait_indirect_dma semaphore(%arg11 : memref<!tpu.dma_semaphore, #tpu.memory_space<semaphore_mem>>) src(%dma_wait3A_942 : memref<251904x128xf32, #tpu.memory_space<hbm>>) dst(%dma_wait3A_939 : memref<16x128xf32, #tpu.memory_space<vmem>>)
    %dma_wait3A_943 = arith.constant 48 : i32
    %dma_wait3A_944 = arith.constant 0 : i32
    %dma_wait3A_945 = tpu.memref_slice %arg10[%dma_wait3A_943, %dma_wait3A_944] : memref<256x128xf32, #tpu.memory_space<vmem>> -> memref<16x128xf32, #tpu.memory_space<vmem>>
    %dma_wait3A_946 = arith.constant 0 : i32
    %dma_wait3A_947 = arith.constant 0 : i32
    %dma_wait3A_948 = tpu.memref_slice %arg5[%dma_wait3A_946, %dma_wait3A_947] : memref<251904x128xf32, #tpu.memory_space<hbm>> -> memref<251904x128xf32, #tpu.memory_space<hbm>>
    tpu.wait_indirect_dma semaphore(%arg11 : memref<!tpu.dma_semaphore, #tpu.memory_space<semaphore_mem>>) src(%dma_wait3A_948 : memref<251904x128xf32, #tpu.memory_space<hbm>>) dst(%dma_wait3A_945 : memref<16x128xf32, #tpu.memory_space<vmem>>)
    %dma_wait3A_949 = arith.constant 64 : i32
    %dma_wait3A_950 = arith.constant 0 : i32
    %dma_wait3A_951 = tpu.memref_slice %arg9[%dma_wait3A_949, %dma_wait3A_950] : memref<256x128xf32, #tpu.memory_space<vmem>> -> memref<16x128xf32, #tpu.memory_space<vmem>>
    %dma_wait3A_952 = arith.constant 0 : i32
    %dma_wait3A_953 = arith.constant 0 : i32
    %dma_wait3A_954 = tpu.memref_slice %arg4[%dma_wait3A_952, %dma_wait3A_953] : memref<251904x128xf32, #tpu.memory_space<hbm>> -> memref<251904x128xf32, #tpu.memory_space<hbm>>
    tpu.wait_indirect_dma semaphore(%arg11 : memref<!tpu.dma_semaphore, #tpu.memory_space<semaphore_mem>>) src(%dma_wait3A_954 : memref<251904x128xf32, #tpu.memory_space<hbm>>) dst(%dma_wait3A_951 : memref<16x128xf32, #tpu.memory_space<vmem>>)
    %dma_wait3A_955 = arith.constant 64 : i32
    %dma_wait3A_956 = arith.constant 0 : i32
    %dma_wait3A_957 = tpu.memref_slice %arg10[%dma_wait3A_955, %dma_wait3A_956] : memref<256x128xf32, #tpu.memory_space<vmem>> -> memref<16x128xf32, #tpu.memory_space<vmem>>
    %dma_wait3A_958 = arith.constant 0 : i32
    %dma_wait3A_959 = arith.constant 0 : i32
    %dma_wait3A_960 = tpu.memref_slice %arg5[%dma_wait3A_958, %dma_wait3A_959] : memref<251904x128xf32, #tpu.memory_space<hbm>> -> memref<251904x128xf32, #tpu.memory_space<hbm>>
    tpu.wait_indirect_dma semaphore(%arg11 : memref<!tpu.dma_semaphore, #tpu.memory_space<semaphore_mem>>) src(%dma_wait3A_960 : memref<251904x128xf32, #tpu.memory_space<hbm>>) dst(%dma_wait3A_957 : memref<16x128xf32, #tpu.memory_space<vmem>>)
    %dma_wait3A_961 = arith.constant 80 : i32
    %dma_wait3A_962 = arith.constant 0 : i32
    %dma_wait3A_963 = tpu.memref_slice %arg9[%dma_wait3A_961, %dma_wait3A_962] : memref<256x128xf32, #tpu.memory_space<vmem>> -> memref<16x128xf32, #tpu.memory_space<vmem>>
    %dma_wait3A_964 = arith.constant 0 : i32
    %dma_wait3A_965 = arith.constant 0 : i32
    %dma_wait3A_966 = tpu.memref_slice %arg4[%dma_wait3A_964, %dma_wait3A_965] : memref<251904x128xf32, #tpu.memory_space<hbm>> -> memref<251904x128xf32, #tpu.memory_space<hbm>>
    tpu.wait_indirect_dma semaphore(%arg11 : memref<!tpu.dma_semaphore, #tpu.memory_space<semaphore_mem>>) src(%dma_wait3A_966 : memref<251904x128xf32, #tpu.memory_space<hbm>>) dst(%dma_wait3A_963 : memref<16x128xf32, #tpu.memory_space<vmem>>)
    %dma_wait3A_967 = arith.constant 80 : i32
    %dma_wait3A_968 = arith.constant 0 : i32
    %dma_wait3A_969 = tpu.memref_slice %arg10[%dma_wait3A_967, %dma_wait3A_968] : memref<256x128xf32, #tpu.memory_space<vmem>> -> memref<16x128xf32, #tpu.memory_space<vmem>>
    %dma_wait3A_970 = arith.constant 0 : i32
    %dma_wait3A_971 = arith.constant 0 : i32
    %dma_wait3A_972 = tpu.memref_slice %arg5[%dma_wait3A_970, %dma_wait3A_971] : memref<251904x128xf32, #tpu.memory_space<hbm>> -> memref<251904x128xf32, #tpu.memory_space<hbm>>
    tpu.wait_indirect_dma semaphore(%arg11 : memref<!tpu.dma_semaphore, #tpu.memory_space<semaphore_mem>>) src(%dma_wait3A_972 : memref<251904x128xf32, #tpu.memory_space<hbm>>) dst(%dma_wait3A_969 : memref<16x128xf32, #tpu.memory_space<vmem>>)
    %dma_wait3A_973 = arith.constant 96 : i32
    %dma_wait3A_974 = arith.constant 0 : i32
    %dma_wait3A_975 = tpu.memref_slice %arg9[%dma_wait3A_973, %dma_wait3A_974] : memref<256x128xf32, #tpu.memory_space<vmem>> -> memref<16x128xf32, #tpu.memory_space<vmem>>
    %dma_wait3A_976 = arith.constant 0 : i32
    %dma_wait3A_977 = arith.constant 0 : i32
    %dma_wait3A_978 = tpu.memref_slice %arg4[%dma_wait3A_976, %dma_wait3A_977] : memref<251904x128xf32, #tpu.memory_space<hbm>> -> memref<251904x128xf32, #tpu.memory_space<hbm>>
    tpu.wait_indirect_dma semaphore(%arg11 : memref<!tpu.dma_semaphore, #tpu.memory_space<semaphore_mem>>) src(%dma_wait3A_978 : memref<251904x128xf32, #tpu.memory_space<hbm>>) dst(%dma_wait3A_975 : memref<16x128xf32, #tpu.memory_space<vmem>>)
    %dma_wait3A_979 = arith.constant 96 : i32
    %dma_wait3A_980 = arith.constant 0 : i32
    %dma_wait3A_981 = tpu.memref_slice %arg10[%dma_wait3A_979, %dma_wait3A_980] : memref<256x128xf32, #tpu.memory_space<vmem>> -> memref<16x128xf32, #tpu.memory_space<vmem>>
    %dma_wait3A_982 = arith.constant 0 : i32
    %dma_wait3A_983 = arith.constant 0 : i32
    %dma_wait3A_984 = tpu.memref_slice %arg5[%dma_wait3A_982, %dma_wait3A_983] : memref<251904x128xf32, #tpu.memory_space<hbm>> -> memref<251904x128xf32, #tpu.memory_space<hbm>>
    tpu.wait_indirect_dma semaphore(%arg11 : memref<!tpu.dma_semaphore, #tpu.memory_space<semaphore_mem>>) src(%dma_wait3A_984 : memref<251904x128xf32, #tpu.memory_space<hbm>>) dst(%dma_wait3A_981 : memref<16x128xf32, #tpu.memory_space<vmem>>)
    %dma_wait3A_985 = arith.constant 112 : i32
    %dma_wait3A_986 = arith.constant 0 : i32
    %dma_wait3A_987 = tpu.memref_slice %arg9[%dma_wait3A_985, %dma_wait3A_986] : memref<256x128xf32, #tpu.memory_space<vmem>> -> memref<16x128xf32, #tpu.memory_space<vmem>>
    %dma_wait3A_988 = arith.constant 0 : i32
    %dma_wait3A_989 = arith.constant 0 : i32
    %dma_wait3A_990 = tpu.memref_slice %arg4[%dma_wait3A_988, %dma_wait3A_989] : memref<251904x128xf32, #tpu.memory_space<hbm>> -> memref<251904x128xf32, #tpu.memory_space<hbm>>
    tpu.wait_indirect_dma semaphore(%arg11 : memref<!tpu.dma_semaphore, #tpu.memory_space<semaphore_mem>>) src(%dma_wait3A_990 : memref<251904x128xf32, #tpu.memory_space<hbm>>) dst(%dma_wait3A_987 : memref<16x128xf32, #tpu.memory_space<vmem>>)
    %dma_wait3A_991 = arith.constant 112 : i32
    %dma_wait3A_992 = arith.constant 0 : i32
    %dma_wait3A_993 = tpu.memref_slice %arg10[%dma_wait3A_991, %dma_wait3A_992] : memref<256x128xf32, #tpu.memory_space<vmem>> -> memref<16x128xf32, #tpu.memory_space<vmem>>
    %dma_wait3A_994 = arith.constant 0 : i32
    %dma_wait3A_995 = arith.constant 0 : i32
    %dma_wait3A_996 = tpu.memref_slice %arg5[%dma_wait3A_994, %dma_wait3A_995] : memref<251904x128xf32, #tpu.memory_space<hbm>> -> memref<251904x128xf32, #tpu.memory_space<hbm>>
    tpu.wait_indirect_dma semaphore(%arg11 : memref<!tpu.dma_semaphore, #tpu.memory_space<semaphore_mem>>) src(%dma_wait3A_996 : memref<251904x128xf32, #tpu.memory_space<hbm>>) dst(%dma_wait3A_993 : memref<16x128xf32, #tpu.memory_space<vmem>>)
    %dma_wait3A_997 = arith.constant 128 : i32
    %dma_wait3A_998 = arith.constant 0 : i32
    %dma_wait3A_999 = tpu.memref_slice %arg9[%dma_wait3A_997, %dma_wait3A_998] : memref<256x128xf32, #tpu.memory_space<vmem>> -> memref<16x128xf32, #tpu.memory_space<vmem>>
    %dma_wait3A_1000 = arith.constant 0 : i32
    %dma_wait3A_1001 = arith.constant 0 : i32
    %dma_wait3A_1002 = tpu.memref_slice %arg4[%dma_wait3A_1000, %dma_wait3A_1001] : memref<251904x128xf32, #tpu.memory_space<hbm>> -> memref<251904x128xf32, #tpu.memory_space<hbm>>
    tpu.wait_indirect_dma semaphore(%arg11 : memref<!tpu.dma_semaphore, #tpu.memory_space<semaphore_mem>>) src(%dma_wait3A_1002 : memref<251904x128xf32, #tpu.memory_space<hbm>>) dst(%dma_wait3A_999 : memref<16x128xf32, #tpu.memory_space<vmem>>)
    %dma_wait3A_1003 = arith.constant 128 : i32
    %dma_wait3A_1004 = arith.constant 0 : i32
    %dma_wait3A_1005 = tpu.memref_slice %arg10[%dma_wait3A_1003, %dma_wait3A_1004] : memref<256x128xf32, #tpu.memory_space<vmem>> -> memref<16x128xf32, #tpu.memory_space<vmem>>
    %dma_wait3A_1006 = arith.constant 0 : i32
    %dma_wait3A_1007 = arith.constant 0 : i32
    %dma_wait3A_1008 = tpu.memref_slice %arg5[%dma_wait3A_1006, %dma_wait3A_1007] : memref<251904x128xf32, #tpu.memory_space<hbm>> -> memref<251904x128xf32, #tpu.memory_space<hbm>>
    tpu.wait_indirect_dma semaphore(%arg11 : memref<!tpu.dma_semaphore, #tpu.memory_space<semaphore_mem>>) src(%dma_wait3A_1008 : memref<251904x128xf32, #tpu.memory_space<hbm>>) dst(%dma_wait3A_1005 : memref<16x128xf32, #tpu.memory_space<vmem>>)
    %dma_wait3A_1009 = arith.constant 144 : i32
    %dma_wait3A_1010 = arith.constant 0 : i32
    %dma_wait3A_1011 = tpu.memref_slice %arg9[%dma_wait3A_1009, %dma_wait3A_1010] : memref<256x128xf32, #tpu.memory_space<vmem>> -> memref<16x128xf32, #tpu.memory_space<vmem>>
    %dma_wait3A_1012 = arith.constant 0 : i32
    %dma_wait3A_1013 = arith.constant 0 : i32
    %dma_wait3A_1014 = tpu.memref_slice %arg4[%dma_wait3A_1012, %dma_wait3A_1013] : memref<251904x128xf32, #tpu.memory_space<hbm>> -> memref<251904x128xf32, #tpu.memory_space<hbm>>
    tpu.wait_indirect_dma semaphore(%arg11 : memref<!tpu.dma_semaphore, #tpu.memory_space<semaphore_mem>>) src(%dma_wait3A_1014 : memref<251904x128xf32, #tpu.memory_space<hbm>>) dst(%dma_wait3A_1011 : memref<16x128xf32, #tpu.memory_space<vmem>>)
    %dma_wait3A_1015 = arith.constant 144 : i32
    %dma_wait3A_1016 = arith.constant 0 : i32
    %dma_wait3A_1017 = tpu.memref_slice %arg10[%dma_wait3A_1015, %dma_wait3A_1016] : memref<256x128xf32, #tpu.memory_space<vmem>> -> memref<16x128xf32, #tpu.memory_space<vmem>>
    %dma_wait3A_1018 = arith.constant 0 : i32
    %dma_wait3A_1019 = arith.constant 0 : i32
    %dma_wait3A_1020 = tpu.memref_slice %arg5[%dma_wait3A_1018, %dma_wait3A_1019] : memref<251904x128xf32, #tpu.memory_space<hbm>> -> memref<251904x128xf32, #tpu.memory_space<hbm>>
    tpu.wait_indirect_dma semaphore(%arg11 : memref<!tpu.dma_semaphore, #tpu.memory_space<semaphore_mem>>) src(%dma_wait3A_1020 : memref<251904x128xf32, #tpu.memory_space<hbm>>) dst(%dma_wait3A_1017 : memref<16x128xf32, #tpu.memory_space<vmem>>)
    %dma_wait3A_1021 = arith.constant 160 : i32
    %dma_wait3A_1022 = arith.constant 0 : i32
    %dma_wait3A_1023 = tpu.memref_slice %arg9[%dma_wait3A_1021, %dma_wait3A_1022] : memref<256x128xf32, #tpu.memory_space<vmem>> -> memref<16x128xf32, #tpu.memory_space<vmem>>
    %dma_wait3A_1024 = arith.constant 0 : i32
    %dma_wait3A_1025 = arith.constant 0 : i32
    %dma_wait3A_1026 = tpu.memref_slice %arg4[%dma_wait3A_1024, %dma_wait3A_1025] : memref<251904x128xf32, #tpu.memory_space<hbm>> -> memref<251904x128xf32, #tpu.memory_space<hbm>>
    tpu.wait_indirect_dma semaphore(%arg11 : memref<!tpu.dma_semaphore, #tpu.memory_space<semaphore_mem>>) src(%dma_wait3A_1026 : memref<251904x128xf32, #tpu.memory_space<hbm>>) dst(%dma_wait3A_1023 : memref<16x128xf32, #tpu.memory_space<vmem>>)
    %dma_wait3A_1027 = arith.constant 160 : i32
    %dma_wait3A_1028 = arith.constant 0 : i32
    %dma_wait3A_1029 = tpu.memref_slice %arg10[%dma_wait3A_1027, %dma_wait3A_1028] : memref<256x128xf32, #tpu.memory_space<vmem>> -> memref<16x128xf32, #tpu.memory_space<vmem>>
    %dma_wait3A_1030 = arith.constant 0 : i32
    %dma_wait3A_1031 = arith.constant 0 : i32
    %dma_wait3A_1032 = tpu.memref_slice %arg5[%dma_wait3A_1030, %dma_wait3A_1031] : memref<251904x128xf32, #tpu.memory_space<hbm>> -> memref<251904x128xf32, #tpu.memory_space<hbm>>
    tpu.wait_indirect_dma semaphore(%arg11 : memref<!tpu.dma_semaphore, #tpu.memory_space<semaphore_mem>>) src(%dma_wait3A_1032 : memref<251904x128xf32, #tpu.memory_space<hbm>>) dst(%dma_wait3A_1029 : memref<16x128xf32, #tpu.memory_space<vmem>>)
    %dma_wait3A_1033 = arith.constant 176 : i32
    %dma_wait3A_1034 = arith.constant 0 : i32
    %dma_wait3A_1035 = tpu.memref_slice %arg9[%dma_wait3A_1033, %dma_wait3A_1034] : memref<256x128xf32, #tpu.memory_space<vmem>> -> memref<16x128xf32, #tpu.memory_space<vmem>>
    %dma_wait3A_1036 = arith.constant 0 : i32
    %dma_wait3A_1037 = arith.constant 0 : i32
    %dma_wait3A_1038 = tpu.memref_slice %arg4[%dma_wait3A_1036, %dma_wait3A_1037] : memref<251904x128xf32, #tpu.memory_space<hbm>> -> memref<251904x128xf32, #tpu.memory_space<hbm>>
    tpu.wait_indirect_dma semaphore(%arg11 : memref<!tpu.dma_semaphore, #tpu.memory_space<semaphore_mem>>) src(%dma_wait3A_1038 : memref<251904x128xf32, #tpu.memory_space<hbm>>) dst(%dma_wait3A_1035 : memref<16x128xf32, #tpu.memory_space<vmem>>)
    %dma_wait3A_1039 = arith.constant 176 : i32
    %dma_wait3A_1040 = arith.constant 0 : i32
    %dma_wait3A_1041 = tpu.memref_slice %arg10[%dma_wait3A_1039, %dma_wait3A_1040] : memref<256x128xf32, #tpu.memory_space<vmem>> -> memref<16x128xf32, #tpu.memory_space<vmem>>
    %dma_wait3A_1042 = arith.constant 0 : i32
    %dma_wait3A_1043 = arith.constant 0 : i32
    %dma_wait3A_1044 = tpu.memref_slice %arg5[%dma_wait3A_1042, %dma_wait3A_1043] : memref<251904x128xf32, #tpu.memory_space<hbm>> -> memref<251904x128xf32, #tpu.memory_space<hbm>>
    tpu.wait_indirect_dma semaphore(%arg11 : memref<!tpu.dma_semaphore, #tpu.memory_space<semaphore_mem>>) src(%dma_wait3A_1044 : memref<251904x128xf32, #tpu.memory_space<hbm>>) dst(%dma_wait3A_1041 : memref<16x128xf32, #tpu.memory_space<vmem>>)
    %dma_wait3A_1045 = arith.constant 192 : i32
    %dma_wait3A_1046 = arith.constant 0 : i32
    %dma_wait3A_1047 = tpu.memref_slice %arg9[%dma_wait3A_1045, %dma_wait3A_1046] : memref<256x128xf32, #tpu.memory_space<vmem>> -> memref<16x128xf32, #tpu.memory_space<vmem>>
    %dma_wait3A_1048 = arith.constant 0 : i32
    %dma_wait3A_1049 = arith.constant 0 : i32
    %dma_wait3A_1050 = tpu.memref_slice %arg4[%dma_wait3A_1048, %dma_wait3A_1049] : memref<251904x128xf32, #tpu.memory_space<hbm>> -> memref<251904x128xf32, #tpu.memory_space<hbm>>
    tpu.wait_indirect_dma semaphore(%arg11 : memref<!tpu.dma_semaphore, #tpu.memory_space<semaphore_mem>>) src(%dma_wait3A_1050 : memref<251904x128xf32, #tpu.memory_space<hbm>>) dst(%dma_wait3A_1047 : memref<16x128xf32, #tpu.memory_space<vmem>>)
    %dma_wait3A_1051 = arith.constant 192 : i32
    %dma_wait3A_1052 = arith.constant 0 : i32
    %dma_wait3A_1053 = tpu.memref_slice %arg10[%dma_wait3A_1051, %dma_wait3A_1052] : memref<256x128xf32, #tpu.memory_space<vmem>> -> memref<16x128xf32, #tpu.memory_space<vmem>>
    %dma_wait3A_1054 = arith.constant 0 : i32
    %dma_wait3A_1055 = arith.constant 0 : i32
    %dma_wait3A_1056 = tpu.memref_slice %arg5[%dma_wait3A_1054, %dma_wait3A_1055] : memref<251904x128xf32, #tpu.memory_space<hbm>> -> memref<251904x128xf32, #tpu.memory_space<hbm>>
    tpu.wait_indirect_dma semaphore(%arg11 : memref<!tpu.dma_semaphore, #tpu.memory_space<semaphore_mem>>) src(%dma_wait3A_1056 : memref<251904x128xf32, #tpu.memory_space<hbm>>) dst(%dma_wait3A_1053 : memref<16x128xf32, #tpu.memory_space<vmem>>)
    %dma_wait3A_1057 = arith.constant 208 : i32
    %dma_wait3A_1058 = arith.constant 0 : i32
    %dma_wait3A_1059 = tpu.memref_slice %arg9[%dma_wait3A_1057, %dma_wait3A_1058] : memref<256x128xf32, #tpu.memory_space<vmem>> -> memref<16x128xf32, #tpu.memory_space<vmem>>
    %dma_wait3A_1060 = arith.constant 0 : i32
    %dma_wait3A_1061 = arith.constant 0 : i32
    %dma_wait3A_1062 = tpu.memref_slice %arg4[%dma_wait3A_1060, %dma_wait3A_1061] : memref<251904x128xf32, #tpu.memory_space<hbm>> -> memref<251904x128xf32, #tpu.memory_space<hbm>>
    tpu.wait_indirect_dma semaphore(%arg11 : memref<!tpu.dma_semaphore, #tpu.memory_space<semaphore_mem>>) src(%dma_wait3A_1062 : memref<251904x128xf32, #tpu.memory_space<hbm>>) dst(%dma_wait3A_1059 : memref<16x128xf32, #tpu.memory_space<vmem>>)
    %dma_wait3A_1063 = arith.constant 208 : i32
    %dma_wait3A_1064 = arith.constant 0 : i32
    %dma_wait3A_1065 = tpu.memref_slice %arg10[%dma_wait3A_1063, %dma_wait3A_1064] : memref<256x128xf32, #tpu.memory_space<vmem>> -> memref<16x128xf32, #tpu.memory_space<vmem>>
    %dma_wait3A_1066 = arith.constant 0 : i32
    %dma_wait3A_1067 = arith.constant 0 : i32
    %dma_wait3A_1068 = tpu.memref_slice %arg5[%dma_wait3A_1066, %dma_wait3A_1067] : memref<251904x128xf32, #tpu.memory_space<hbm>> -> memref<251904x128xf32, #tpu.memory_space<hbm>>
    tpu.wait_indirect_dma semaphore(%arg11 : memref<!tpu.dma_semaphore, #tpu.memory_space<semaphore_mem>>) src(%dma_wait3A_1068 : memref<251904x128xf32, #tpu.memory_space<hbm>>) dst(%dma_wait3A_1065 : memref<16x128xf32, #tpu.memory_space<vmem>>)
    %dma_wait3A_1069 = arith.constant 224 : i32
    %dma_wait3A_1070 = arith.constant 0 : i32
    %dma_wait3A_1071 = tpu.memref_slice %arg9[%dma_wait3A_1069, %dma_wait3A_1070] : memref<256x128xf32, #tpu.memory_space<vmem>> -> memref<16x128xf32, #tpu.memory_space<vmem>>
    %dma_wait3A_1072 = arith.constant 0 : i32
    %dma_wait3A_1073 = arith.constant 0 : i32
    %dma_wait3A_1074 = tpu.memref_slice %arg4[%dma_wait3A_1072, %dma_wait3A_1073] : memref<251904x128xf32, #tpu.memory_space<hbm>> -> memref<251904x128xf32, #tpu.memory_space<hbm>>
    tpu.wait_indirect_dma semaphore(%arg11 : memref<!tpu.dma_semaphore, #tpu.memory_space<semaphore_mem>>) src(%dma_wait3A_1074 : memref<251904x128xf32, #tpu.memory_space<hbm>>) dst(%dma_wait3A_1071 : memref<16x128xf32, #tpu.memory_space<vmem>>)
    %dma_wait3A_1075 = arith.constant 224 : i32
    %dma_wait3A_1076 = arith.constant 0 : i32
    %dma_wait3A_1077 = tpu.memref_slice %arg10[%dma_wait3A_1075, %dma_wait3A_1076] : memref<256x128xf32, #tpu.memory_space<vmem>> -> memref<16x128xf32, #tpu.memory_space<vmem>>
    %dma_wait3A_1078 = arith.constant 0 : i32
    %dma_wait3A_1079 = arith.constant 0 : i32
    %dma_wait3A_1080 = tpu.memref_slice %arg5[%dma_wait3A_1078, %dma_wait3A_1079] : memref<251904x128xf32, #tpu.memory_space<hbm>> -> memref<251904x128xf32, #tpu.memory_space<hbm>>
    tpu.wait_indirect_dma semaphore(%arg11 : memref<!tpu.dma_semaphore, #tpu.memory_space<semaphore_mem>>) src(%dma_wait3A_1080 : memref<251904x128xf32, #tpu.memory_space<hbm>>) dst(%dma_wait3A_1077 : memref<16x128xf32, #tpu.memory_space<vmem>>)
    %dma_wait3A_1081 = arith.constant 240 : i32
    %dma_wait3A_1082 = arith.constant 0 : i32
    %dma_wait3A_1083 = tpu.memref_slice %arg9[%dma_wait3A_1081, %dma_wait3A_1082] : memref<256x128xf32, #tpu.memory_space<vmem>> -> memref<16x128xf32, #tpu.memory_space<vmem>>
    %dma_wait3A_1084 = arith.constant 0 : i32
    %dma_wait3A_1085 = arith.constant 0 : i32
    %dma_wait3A_1086 = tpu.memref_slice %arg4[%dma_wait3A_1084, %dma_wait3A_1085] : memref<251904x128xf32, #tpu.memory_space<hbm>> -> memref<251904x128xf32, #tpu.memory_space<hbm>>
    tpu.wait_indirect_dma semaphore(%arg11 : memref<!tpu.dma_semaphore, #tpu.memory_space<semaphore_mem>>) src(%dma_wait3A_1086 : memref<251904x128xf32, #tpu.memory_space<hbm>>) dst(%dma_wait3A_1083 : memref<16x128xf32, #tpu.memory_space<vmem>>)
    %dma_wait3A_1087 = arith.constant 240 : i32
    %dma_wait3A_1088 = arith.constant 0 : i32
    %dma_wait3A_1089 = tpu.memref_slice %arg10[%dma_wait3A_1087, %dma_wait3A_1088] : memref<256x128xf32, #tpu.memory_space<vmem>> -> memref<16x128xf32, #tpu.memory_space<vmem>>
    %dma_wait3A_1090 = arith.constant 0 : i32
    %dma_wait3A_1091 = arith.constant 0 : i32
    %dma_wait3A_1092 = tpu.memref_slice %arg5[%dma_wait3A_1090, %dma_wait3A_1091] : memref<251904x128xf32, #tpu.memory_space<hbm>> -> memref<251904x128xf32, #tpu.memory_space<hbm>>
    tpu.wait_indirect_dma semaphore(%arg11 : memref<!tpu.dma_semaphore, #tpu.memory_space<semaphore_mem>>) src(%dma_wait3A_1092 : memref<251904x128xf32, #tpu.memory_space<hbm>>) dst(%dma_wait3A_1089 : memref<16x128xf32, #tpu.memory_space<vmem>>)
    %add3A_1093 = arith.constant 256 : i32
    %add3A_1094 = arith.addi %mul3A_2, %add3A_1093 : i32
    "tpu.region"() ({
      %run_scoped3A_1097 = tpu.sem_alloc : memref<!tpu.dma_semaphore, #tpu.memory_space<semaphore_mem>>
      %dma_start3A_1098 = arith.constant 0 : i32
      %dma_start3A_1099 = tpu.memref_slice %arg6[%add3A_1094, %dma_start3A_1098] : memref<16384x128xf32, #tpu.memory_space<hbm>> -> memref<256x128xf32, #tpu.memory_space<hbm>>
      %dma_start3A_1100 = arith.constant 0 : i32
      %dma_start3A_1101 = tpu.memref_slice %arg6[%add3A_1094, %dma_start3A_1100] : memref<16384x128xf32, #tpu.memory_space<hbm>> -> memref<256x128xf32, #tpu.memory_space<hbm>>
      tpu.enqueue_dma source(%arg9 : memref<256x128xf32, #tpu.memory_space<vmem>>) target(%dma_start3A_1101 : memref<256x128xf32, #tpu.memory_space<hbm>>) target_semaphore(%run_scoped3A_1097 : memref<!tpu.dma_semaphore, #tpu.memory_space<semaphore_mem>>)
      %dma_wait3A_1102 = arith.constant 0 : i32
      %dma_wait3A_1103 = tpu.memref_slice %arg6[%add3A_1094, %dma_wait3A_1102] : memref<16384x128xf32, #tpu.memory_space<hbm>> -> memref<256x128xf32, #tpu.memory_space<hbm>>
      %dma_wait3A_1104 = arith.constant 0 : i32
      %dma_wait3A_1105 = tpu.memref_slice %arg6[%add3A_1094, %dma_wait3A_1104] : memref<16384x128xf32, #tpu.memory_space<hbm>> -> memref<256x128xf32, #tpu.memory_space<hbm>>
      tpu.wait_dma2 semaphore(%run_scoped3A_1097 : memref<!tpu.dma_semaphore, #tpu.memory_space<semaphore_mem>>) src(%arg9 : memref<256x128xf32, #tpu.memory_space<vmem>>) dst(%dma_wait3A_1105 : memref<256x128xf32, #tpu.memory_space<hbm>>)
      tpu.yield
    }) : () -> ()
    %add3A_1095 = arith.constant 256 : i32
    %add3A_1096 = arith.addi %mul3A_2, %add3A_1095 : i32
    "tpu.region"() ({
      %run_scoped3A_1097 = tpu.sem_alloc : memref<!tpu.dma_semaphore, #tpu.memory_space<semaphore_mem>>
      %dma_start3A_1098 = arith.constant 0 : i32
      %dma_start3A_1099 = tpu.memref_slice %arg7[%add3A_1096, %dma_start3A_1098] : memref<16384x128xf32, #tpu.memory_space<hbm>> -> memref<256x128xf32, #tpu.memory_space<hbm>>
      %dma_start3A_1100 = arith.constant 0 : i32
      %dma_start3A_1101 = tpu.memref_slice %arg7[%add3A_1096, %dma_start3A_1100] : memref<16384x128xf32, #tpu.memory_space<hbm>> -> memref<256x128xf32, #tpu.memory_space<hbm>>
      tpu.enqueue_dma source(%arg10 : memref<256x128xf32, #tpu.memory_space<vmem>>) target(%dma_start3A_1101 : memref<256x128xf32, #tpu.memory_space<hbm>>) target_semaphore(%run_scoped3A_1097 : memref<!tpu.dma_semaphore, #tpu.memory_space<semaphore_mem>>)
      %dma_wait3A_1102 = arith.constant 0 : i32
      %dma_wait3A_1103 = tpu.memref_slice %arg7[%add3A_1096, %dma_wait3A_1102] : memref<16384x128xf32, #tpu.memory_space<hbm>> -> memref<256x128xf32, #tpu.memory_space<hbm>>
      %dma_wait3A_1104 = arith.constant 0 : i32
      %dma_wait3A_1105 = tpu.memref_slice %arg7[%add3A_1096, %dma_wait3A_1104] : memref<16384x128xf32, #tpu.memory_space<hbm>> -> memref<256x128xf32, #tpu.memory_space<hbm>>
      tpu.wait_dma2 semaphore(%run_scoped3A_1097 : memref<!tpu.dma_semaphore, #tpu.memory_space<semaphore_mem>>) src(%arg10 : memref<256x128xf32, #tpu.memory_space<vmem>>) dst(%dma_wait3A_1105 : memref<256x128xf32, #tpu.memory_space<hbm>>)
      tpu.yield
    }) : () -> ()
    return
  }
}

module attributes {stable_mosaic.version = 14 : i64} {
  func.func @_pack_body(%arg0: i32, %arg1: memref<32x2048xf32, #tpu.memory_space<vmem>>, %arg2: memref<32x2048xf32, #tpu.memory_space<vmem>>, %arg3: memref<32x2048xf32, #tpu.memory_space<vmem>>, %arg4: memref<32x2048xf32, #tpu.memory_space<vmem>>, %arg5: memref<2048x128xf32, #tpu.memory_space<vmem>>) attributes {dimension_semantics = [#tpu.dimension_semantics<arbitrary>], iteration_bounds = array<i64: 123>, scalar_prefetch = 0 : i64, scratch_operands = 0 : i64, tpu.core_type = #tpu.core_type<tc>, window_params = [{transform_indices = @transform_0, window_bounds = array<i64: 32, 2048>}, {transform_indices = @transform_1, window_bounds = array<i64: 32, 2048>}, {transform_indices = @transform_2, window_bounds = array<i64: 32, 2048>}, {transform_indices = @transform_3, window_bounds = array<i64: 32, 2048>}, {transform_indices = @transform_4, window_bounds = array<i64: 2048, 128>}]} {
    %get3A = arith.constant 0 : index
    %get3A_0 = arith.constant 0 : index
    %get3A_1 = vector.load %arg1[%get3A, %get3A_0] : memref<32x2048xf32, #tpu.memory_space<vmem>>, vector<32x2048xf32>
    %transpose3A = tpu.transpose %get3A_1, [1, 0] : vector<32x2048xf32> -> vector<2048x32xf32>
    %swap3A = arith.constant 0 : index
    %swap3A_2 = arith.constant 0 : index
    %swap3A_3 = vector.load %arg5[%swap3A, %swap3A_2] : memref<2048x128xf32, #tpu.memory_space<vmem>>, vector<2048x32xf32>
    tpu.vector_store %arg5[%swap3A, %swap3A_2], %transpose3A {strides = array<i32>} : memref<2048x128xf32, #tpu.memory_space<vmem>>, vector<2048x32xf32>,
    %get3A_4 = arith.constant 0 : index
    %get3A_5 = arith.constant 0 : index
    %get3A_6 = vector.load %arg2[%get3A_4, %get3A_5] : memref<32x2048xf32, #tpu.memory_space<vmem>>, vector<32x2048xf32>
    %transpose3A_7 = tpu.transpose %get3A_6, [1, 0] : vector<32x2048xf32> -> vector<2048x32xf32>
    %swap3A_8 = arith.constant 0 : index
    %swap3A_9 = arith.constant 32 : index
    %swap3A_10 = vector.load %arg5[%swap3A_8, %swap3A_9] : memref<2048x128xf32, #tpu.memory_space<vmem>>, vector<2048x32xf32>
    tpu.vector_store %arg5[%swap3A_8, %swap3A_9], %transpose3A_7 {strides = array<i32>} : memref<2048x128xf32, #tpu.memory_space<vmem>>, vector<2048x32xf32>,
    %get3A_11 = arith.constant 0 : index
    %get3A_12 = arith.constant 0 : index
    %get3A_13 = vector.load %arg3[%get3A_11, %get3A_12] : memref<32x2048xf32, #tpu.memory_space<vmem>>, vector<32x2048xf32>
    %transpose3A_14 = tpu.transpose %get3A_13, [1, 0] : vector<32x2048xf32> -> vector<2048x32xf32>
    %swap3A_15 = arith.constant 0 : index
    %swap3A_16 = arith.constant 64 : index
    %swap3A_17 = vector.load %arg5[%swap3A_15, %swap3A_16] : memref<2048x128xf32, #tpu.memory_space<vmem>>, vector<2048x32xf32>
    tpu.vector_store %arg5[%swap3A_15, %swap3A_16], %transpose3A_14 {strides = array<i32>} : memref<2048x128xf32, #tpu.memory_space<vmem>>, vector<2048x32xf32>,
    %get3A_18 = arith.constant 0 : index
    %get3A_19 = arith.constant 0 : index
    %get3A_20 = vector.load %arg4[%get3A_18, %get3A_19] : memref<32x2048xf32, #tpu.memory_space<vmem>>, vector<32x2048xf32>
    %transpose3A_21 = tpu.transpose %get3A_20, [1, 0] : vector<32x2048xf32> -> vector<2048x32xf32>
    %swap3A_22 = arith.constant 0 : index
    %swap3A_23 = arith.constant 96 : index
    %swap3A_24 = vector.load %arg5[%swap3A_22, %swap3A_23] : memref<2048x128xf32, #tpu.memory_space<vmem>>, vector<2048x32xf32>
    tpu.vector_store %arg5[%swap3A_22, %swap3A_23], %transpose3A_21 {strides = array<i32>} : memref<2048x128xf32, #tpu.memory_space<vmem>>, vector<2048x32xf32>,
    return
  }
  func.func @transform_0(%arg0: i32) -> (i32, i32) {
    %add3A = arith.constant 0 : i32
    %add3A_0 = arith.addi %add3A, %arg0 : i32
    %min3A = arith.constant 488 : i32
    %min3A_1 = arith.minsi %add3A_0, %min3A : i32
    %c0_i32 = arith.constant 0 : i32
    %c0_i32_2 = arith.constant 0 : i32
    return %c0_i32, %min3A_1 : i32, i32
  }
  func.func @transform_1(%arg0: i32) -> (i32, i32) {
    %add3A = arith.constant 123 : i32
    %add3A_0 = arith.addi %add3A, %arg0 : i32
    %min3A = arith.constant 488 : i32
    %min3A_1 = arith.minsi %add3A_0, %min3A : i32
    %c0_i32 = arith.constant 0 : i32
    %c0_i32_2 = arith.constant 0 : i32
    return %c0_i32, %min3A_1 : i32, i32
  }
  func.func @transform_2(%arg0: i32) -> (i32, i32) {
    %add3A = arith.constant 246 : i32
    %add3A_0 = arith.addi %add3A, %arg0 : i32
    %min3A = arith.constant 488 : i32
    %min3A_1 = arith.minsi %add3A_0, %min3A : i32
    %c0_i32 = arith.constant 0 : i32
    %c0_i32_2 = arith.constant 0 : i32
    return %c0_i32, %min3A_1 : i32, i32
  }
  func.func @transform_3(%arg0: i32) -> (i32, i32) {
    %add3A = arith.constant 369 : i32
    %add3A_0 = arith.addi %add3A, %arg0 : i32
    %min3A = arith.constant 488 : i32
    %min3A_1 = arith.minsi %add3A_0, %min3A : i32
    %c0_i32 = arith.constant 0 : i32
    %c0_i32_2 = arith.constant 0 : i32
    return %c0_i32, %min3A_1 : i32, i32
  }
  func.func @transform_4(%arg0: i32) -> (i32, i32) {
    %c0_i32 = arith.constant 0 : i32
    %c0_i32_0 = arith.constant 0 : i32
    return %arg0, %c0_i32 : i32, i32
  }
}

module attributes {stable_mosaic.version = 14 : i64} {
  func.func @_mlp_body(%arg0: i32, %arg1: memref<2048x128xf32, #tpu.memory_space<vmem>>, %arg2: memref<2048x128xf32, #tpu.memory_space<vmem>>, %arg3: memref<2048xi32, #tpu.memory_space<vmem>>, %arg4: memref<2048xi32, #tpu.memory_space<vmem>>, %arg5: memref<2048xi32, #tpu.memory_space<vmem>>, %arg6: memref<2048xi32, #tpu.memory_space<vmem>>, %arg7: memref<2048xi32, #tpu.memory_space<vmem>>, %arg8: memref<2048xi32, #tpu.memory_space<vmem>>, %arg9: memref<32x32xf32, #tpu.memory_space<vmem>>, %arg10: memref<32x32xf32, #tpu.memory_space<vmem>>, %arg11: memref<32x32xf32, #tpu.memory_space<vmem>>, %arg12: memref<32x32xf32, #tpu.memory_space<vmem>>, %arg13: memref<192x256xf32, #tpu.memory_space<vmem>>, %arg14: memref<256xf32, #tpu.memory_space<vmem>>, %arg15: memref<256x256xf32, #tpu.memory_space<vmem>>, %arg16: memref<256xf32, #tpu.memory_space<vmem>>, %arg17: memref<1x256xf32, #tpu.memory_space<vmem>>, %arg18: memref<1x1xf32, #tpu.memory_space<vmem>>, %arg19: memref<2048xf32, #tpu.memory_space<vmem>>) attributes {dimension_semantics = [#tpu.dimension_semantics<arbitrary>], iteration_bounds = array<i64: 8>, scalar_prefetch = 0 : i64, scratch_operands = 0 : i64, tpu.core_type = #tpu.core_type<tc>, window_params = [{transform_indices = @transform_0, window_bounds = array<i64: 2048, 128>}, {transform_indices = @transform_1, window_bounds = array<i64: 2048, 128>}, {transform_indices = @transform_2, window_bounds = array<i64: 2048>}, {transform_indices = @transform_3, window_bounds = array<i64: 2048>}, {transform_indices = @transform_4, window_bounds = array<i64: 2048>}, {transform_indices = @transform_5, window_bounds = array<i64: 2048>}, {transform_indices = @transform_6, window_bounds = array<i64: 2048>}, {transform_indices = @transform_7, window_bounds = array<i64: 2048>}, {pipeline_mode = #tpu.pipeline_mode<synchronous>, transform_indices = @transform_8, window_bounds = array<i64: 32, 32>}, {pipeline_mode = #tpu.pipeline_mode<synchronous>, transform_indices = @transform_9, window_bounds = array<i64: 32, 32>}, {pipeline_mode = #tpu.pipeline_mode<synchronous>, transform_indices = @transform_10, window_bounds = array<i64: 32, 32>}, {pipeline_mode = #tpu.pipeline_mode<synchronous>, transform_indices = @transform_11, window_bounds = array<i64: 32, 32>}, {pipeline_mode = #tpu.pipeline_mode<synchronous>, transform_indices = @transform_12, window_bounds = array<i64: 192, 256>}, {pipeline_mode = #tpu.pipeline_mode<synchronous>, transform_indices = @transform_13, window_bounds = array<i64: 256>}, {pipeline_mode = #tpu.pipeline_mode<synchronous>, transform_indices = @transform_14, window_bounds = array<i64: 256, 256>}, {pipeline_mode = #tpu.pipeline_mode<synchronous>, transform_indices = @transform_15, window_bounds = array<i64: 256>}, {pipeline_mode = #tpu.pipeline_mode<synchronous>, transform_indices = @transform_16, window_bounds = array<i64: 1, 256>}, {pipeline_mode = #tpu.pipeline_mode<synchronous>, transform_indices = @transform_17, window_bounds = array<i64: 1, 1>}, {transform_indices = @transform_18, window_bounds = array<i64: 2048>}]} {
    %get3A = arith.constant 0 : index
    %get3A_0 = arith.constant 0 : index
    %get3A_1 = vector.load %arg1[%get3A, %get3A_0] : memref<2048x128xf32, #tpu.memory_space<vmem>>, vector<2048x128xf32>
    %get3A_2 = arith.constant 0 : index
    %get3A_3 = vector.load %arg3[%get3A_2] : memref<2048xi32, #tpu.memory_space<vmem>>, vector<2048xi32>
    %reshape3A = vector.shape_cast %get3A_3 : vector<2048xi32> to vector<2048x1xi32>
    %broadcast_in_dim3A = arith.constant 0.000000e+00 : f32
    %broadcast_in_dim3A_4 = vector.broadcast %broadcast_in_dim3A : f32 to vector<2048x32xf32>
    %eq3A = arith.constant 0 : i32
    %eq3A_5 = vector.broadcast %eq3A : i32 to vector<2048x1xi32>
    %eq3A_6 = arith.cmpi eq, %reshape3A, %eq3A_5 : vector<2048x1xi32>
    %convert_element_type3A = arith.extui %eq3A_6 : vector<2048x1xi1> to vector<2048x1xi32>
    %convert_element_type3A_7 = arith.sitofp %convert_element_type3A : vector<2048x1xi32> to vector<2048x1xf32>
    %slice3A = vector.extract_strided_slice %get3A_1 {offsets = [0, 0], sizes = [2048, 32], strides = [1, 1]} : vector<2048x128xf32> to vector<2048x32xf32>
    %mul3A = vector.broadcast %convert_element_type3A_7 : vector<2048x1xf32> to vector<2048x32xf32>
    %mul3A_8 = arith.mulf %mul3A, %slice3A : vector<2048x32xf32>
    %add3A = arith.addf %broadcast_in_dim3A_4, %mul3A_8 : vector<2048x32xf32>
    %eq3A_9 = arith.constant 1 : i32
    %eq3A_10 = vector.broadcast %eq3A_9 : i32 to vector<2048x1xi32>
    %eq3A_11 = arith.cmpi eq, %reshape3A, %eq3A_10 : vector<2048x1xi32>
    %convert_element_type3A_12 = arith.extui %eq3A_11 : vector<2048x1xi1> to vector<2048x1xi32>
    %convert_element_type3A_13 = arith.sitofp %convert_element_type3A_12 : vector<2048x1xi32> to vector<2048x1xf32>
    %slice3A_14 = vector.extract_strided_slice %get3A_1 {offsets = [0, 32], sizes = [2048, 32], strides = [1, 1]} : vector<2048x128xf32> to vector<2048x32xf32>
    %mul3A_15 = vector.broadcast %convert_element_type3A_13 : vector<2048x1xf32> to vector<2048x32xf32>
    %mul3A_16 = arith.mulf %mul3A_15, %slice3A_14 : vector<2048x32xf32>
    %add3A_17 = arith.addf %add3A, %mul3A_16 : vector<2048x32xf32>
    %eq3A_18 = arith.constant 2 : i32
    %eq3A_19 = vector.broadcast %eq3A_18 : i32 to vector<2048x1xi32>
    %eq3A_20 = arith.cmpi eq, %reshape3A, %eq3A_19 : vector<2048x1xi32>
    %convert_element_type3A_21 = arith.extui %eq3A_20 : vector<2048x1xi1> to vector<2048x1xi32>
    %convert_element_type3A_22 = arith.sitofp %convert_element_type3A_21 : vector<2048x1xi32> to vector<2048x1xf32>
    %slice3A_23 = vector.extract_strided_slice %get3A_1 {offsets = [0, 64], sizes = [2048, 32], strides = [1, 1]} : vector<2048x128xf32> to vector<2048x32xf32>
    %mul3A_24 = vector.broadcast %convert_element_type3A_22 : vector<2048x1xf32> to vector<2048x32xf32>
    %mul3A_25 = arith.mulf %mul3A_24, %slice3A_23 : vector<2048x32xf32>
    %add3A_26 = arith.addf %add3A_17, %mul3A_25 : vector<2048x32xf32>
    %eq3A_27 = arith.constant 3 : i32
    %eq3A_28 = vector.broadcast %eq3A_27 : i32 to vector<2048x1xi32>
    %eq3A_29 = arith.cmpi eq, %reshape3A, %eq3A_28 : vector<2048x1xi32>
    %convert_element_type3A_30 = arith.extui %eq3A_29 : vector<2048x1xi1> to vector<2048x1xi32>
    %convert_element_type3A_31 = arith.sitofp %convert_element_type3A_30 : vector<2048x1xi32> to vector<2048x1xf32>
    %slice3A_32 = vector.extract_strided_slice %get3A_1 {offsets = [0, 96], sizes = [2048, 32], strides = [1, 1]} : vector<2048x128xf32> to vector<2048x32xf32>
    %mul3A_33 = vector.broadcast %convert_element_type3A_31 : vector<2048x1xf32> to vector<2048x32xf32>
    %mul3A_34 = arith.mulf %mul3A_33, %slice3A_32 : vector<2048x32xf32>
    %add3A_35 = arith.addf %add3A_26, %mul3A_34 : vector<2048x32xf32>
    %get3A_36 = arith.constant 0 : index
    %get3A_37 = arith.constant 0 : index
    %get3A_38 = vector.load %arg2[%get3A_36, %get3A_37] : memref<2048x128xf32, #tpu.memory_space<vmem>>, vector<2048x128xf32>
    %get3A_39 = arith.constant 0 : index
    %get3A_40 = vector.load %arg4[%get3A_39] : memref<2048xi32, #tpu.memory_space<vmem>>, vector<2048xi32>
    %reshape3A_41 = vector.shape_cast %get3A_40 : vector<2048xi32> to vector<2048x1xi32>
    %broadcast_in_dim3A_42 = arith.constant 0.000000e+00 : f32
    %broadcast_in_dim3A_43 = vector.broadcast %broadcast_in_dim3A_42 : f32 to vector<2048x32xf32>
    %eq3A_44 = arith.constant 0 : i32
    %eq3A_45 = vector.broadcast %eq3A_44 : i32 to vector<2048x1xi32>
    %eq3A_46 = arith.cmpi eq, %reshape3A_41, %eq3A_45 : vector<2048x1xi32>
    %convert_element_type3A_47 = arith.extui %eq3A_46 : vector<2048x1xi1> to vector<2048x1xi32>
    %convert_element_type3A_48 = arith.sitofp %convert_element_type3A_47 : vector<2048x1xi32> to vector<2048x1xf32>
    %slice3A_49 = vector.extract_strided_slice %get3A_38 {offsets = [0, 0], sizes = [2048, 32], strides = [1, 1]} : vector<2048x128xf32> to vector<2048x32xf32>
    %mul3A_50 = vector.broadcast %convert_element_type3A_48 : vector<2048x1xf32> to vector<2048x32xf32>
    %mul3A_51 = arith.mulf %mul3A_50, %slice3A_49 : vector<2048x32xf32>
    %add3A_52 = arith.addf %broadcast_in_dim3A_43, %mul3A_51 : vector<2048x32xf32>
    %eq3A_53 = arith.constant 1 : i32
    %eq3A_54 = vector.broadcast %eq3A_53 : i32 to vector<2048x1xi32>
    %eq3A_55 = arith.cmpi eq, %reshape3A_41, %eq3A_54 : vector<2048x1xi32>
    %convert_element_type3A_56 = arith.extui %eq3A_55 : vector<2048x1xi1> to vector<2048x1xi32>
    %convert_element_type3A_57 = arith.sitofp %convert_element_type3A_56 : vector<2048x1xi32> to vector<2048x1xf32>
    %slice3A_58 = vector.extract_strided_slice %get3A_38 {offsets = [0, 32], sizes = [2048, 32], strides = [1, 1]} : vector<2048x128xf32> to vector<2048x32xf32>
    %mul3A_59 = vector.broadcast %convert_element_type3A_57 : vector<2048x1xf32> to vector<2048x32xf32>
    %mul3A_60 = arith.mulf %mul3A_59, %slice3A_58 : vector<2048x32xf32>
    %add3A_61 = arith.addf %add3A_52, %mul3A_60 : vector<2048x32xf32>
    %eq3A_62 = arith.constant 2 : i32
    %eq3A_63 = vector.broadcast %eq3A_62 : i32 to vector<2048x1xi32>
    %eq3A_64 = arith.cmpi eq, %reshape3A_41, %eq3A_63 : vector<2048x1xi32>
    %convert_element_type3A_65 = arith.extui %eq3A_64 : vector<2048x1xi1> to vector<2048x1xi32>
    %convert_element_type3A_66 = arith.sitofp %convert_element_type3A_65 : vector<2048x1xi32> to vector<2048x1xf32>
    %slice3A_67 = vector.extract_strided_slice %get3A_38 {offsets = [0, 64], sizes = [2048, 32], strides = [1, 1]} : vector<2048x128xf32> to vector<2048x32xf32>
    %mul3A_68 = vector.broadcast %convert_element_type3A_66 : vector<2048x1xf32> to vector<2048x32xf32>
    %mul3A_69 = arith.mulf %mul3A_68, %slice3A_67 : vector<2048x32xf32>
    %add3A_70 = arith.addf %add3A_61, %mul3A_69 : vector<2048x32xf32>
    %eq3A_71 = arith.constant 3 : i32
    %eq3A_72 = vector.broadcast %eq3A_71 : i32 to vector<2048x1xi32>
    %eq3A_73 = arith.cmpi eq, %reshape3A_41, %eq3A_72 : vector<2048x1xi32>
    %convert_element_type3A_74 = arith.extui %eq3A_73 : vector<2048x1xi1> to vector<2048x1xi32>
    %convert_element_type3A_75 = arith.sitofp %convert_element_type3A_74 : vector<2048x1xi32> to vector<2048x1xf32>
    %slice3A_76 = vector.extract_strided_slice %get3A_38 {offsets = [0, 96], sizes = [2048, 32], strides = [1, 1]} : vector<2048x128xf32> to vector<2048x32xf32>
    %mul3A_77 = vector.broadcast %convert_element_type3A_75 : vector<2048x1xf32> to vector<2048x32xf32>
    %mul3A_78 = arith.mulf %mul3A_77, %slice3A_76 : vector<2048x32xf32>
    %add3A_79 = arith.addf %add3A_70, %mul3A_78 : vector<2048x32xf32>
    %get3A_80 = arith.constant 0 : index
    %get3A_81 = vector.load %arg5[%get3A_80] : memref<2048xi32, #tpu.memory_space<vmem>>, vector<2048xi32>
    %get3A_82 = arith.constant 0 : index
    %get3A_83 = arith.constant 0 : index
    %get3A_84 = vector.load %arg9[%get3A_82, %get3A_83] : memref<32x32xf32, #tpu.memory_space<vmem>>, vector<32x32xf32>
    %reshape3A_85 = vector.shape_cast %get3A_81 : vector<2048xi32> to vector<2048x1xi32>
    %iota3A = tpu.iota {dimensions = array<i32: 1>} : vector<2048x32xi32>
    %eq3A_86 = vector.broadcast %reshape3A_85 : vector<2048x1xi32> to vector<2048x32xi32>
    %eq3A_87 = arith.cmpi eq, %eq3A_86, %iota3A : vector<2048x32xi32>
    %convert_element_type3A_88 = arith.extui %eq3A_87 : vector<2048x32xi1> to vector<2048x32xi32>
    %convert_element_type3A_89 = arith.sitofp %convert_element_type3A_88 : vector<2048x32xi32> to vector<2048x32xf32>
    %dot_general3A = arith.constant dense<0.000000e+00> : vector<2048x32xf32>
    %dot_general3A_90 = tpu.matmul %convert_element_type3A_89, %get3A_84, %dot_general3A {dimension_numbers = #tpu.dot_dimension_numbers<[1], [0], [0], [1], [0, 0, 1, 1], [], []>, transpose_lhs_hint = false} : vector<2048x32xf32>, vector<32x32xf32>, vector<2048x32xf32> -> vector<2048x32xf32>
    %get3A_91 = arith.constant 0 : index
    %get3A_92 = vector.load %arg6[%get3A_91] : memref<2048xi32, #tpu.memory_space<vmem>>, vector<2048xi32>
    %get3A_93 = arith.constant 0 : index
    %get3A_94 = arith.constant 0 : index
    %get3A_95 = vector.load %arg10[%get3A_93, %get3A_94] : memref<32x32xf32, #tpu.memory_space<vmem>>, vector<32x32xf32>
    %reshape3A_96 = vector.shape_cast %get3A_92 : vector<2048xi32> to vector<2048x1xi32>
    %iota3A_97 = tpu.iota {dimensions = array<i32: 1>} : vector<2048x32xi32>
    %eq3A_98 = vector.broadcast %reshape3A_96 : vector<2048x1xi32> to vector<2048x32xi32>
    %eq3A_99 = arith.cmpi eq, %eq3A_98, %iota3A_97 : vector<2048x32xi32>
    %convert_element_type3A_100 = arith.extui %eq3A_99 : vector<2048x32xi1> to vector<2048x32xi32>
    %convert_element_type3A_101 = arith.sitofp %convert_element_type3A_100 : vector<2048x32xi32> to vector<2048x32xf32>
    %dot_general3A_102 = arith.constant dense<0.000000e+00> : vector<2048x32xf32>
    %dot_general3A_103 = tpu.matmul %convert_element_type3A_101, %get3A_95, %dot_general3A_102 {dimension_numbers = #tpu.dot_dimension_numbers<[1], [0], [0], [1], [0, 0, 1, 1], [], []>, transpose_lhs_hint = false} : vector<2048x32xf32>, vector<32x32xf32>, vector<2048x32xf32> -> vector<2048x32xf32>
    %get3A_104 = arith.constant 0 : index
    %get3A_105 = vector.load %arg7[%get3A_104] : memref<2048xi32, #tpu.memory_space<vmem>>, vector<2048xi32>
    %get3A_106 = arith.constant 0 : index
    %get3A_107 = arith.constant 0 : index
    %get3A_108 = vector.load %arg11[%get3A_106, %get3A_107] : memref<32x32xf32, #tpu.memory_space<vmem>>, vector<32x32xf32>
    %reshape3A_109 = vector.shape_cast %get3A_105 : vector<2048xi32> to vector<2048x1xi32>
    %iota3A_110 = tpu.iota {dimensions = array<i32: 1>} : vector<2048x32xi32>
    %eq3A_111 = vector.broadcast %reshape3A_109 : vector<2048x1xi32> to vector<2048x32xi32>
    %eq3A_112 = arith.cmpi eq, %eq3A_111, %iota3A_110 : vector<2048x32xi32>
    %convert_element_type3A_113 = arith.extui %eq3A_112 : vector<2048x32xi1> to vector<2048x32xi32>
    %convert_element_type3A_114 = arith.sitofp %convert_element_type3A_113 : vector<2048x32xi32> to vector<2048x32xf32>
    %dot_general3A_115 = arith.constant dense<0.000000e+00> : vector<2048x32xf32>
    %dot_general3A_116 = tpu.matmul %convert_element_type3A_114, %get3A_108, %dot_general3A_115 {dimension_numbers = #tpu.dot_dimension_numbers<[1], [0], [0], [1], [0, 0, 1, 1], [], []>, transpose_lhs_hint = false} : vector<2048x32xf32>, vector<32x32xf32>, vector<2048x32xf32> -> vector<2048x32xf32>
    %get3A_117 = arith.constant 0 : index
    %get3A_118 = vector.load %arg8[%get3A_117] : memref<2048xi32, #tpu.memory_space<vmem>>, vector<2048xi32>
    %get3A_119 = arith.constant 0 : index
    %get3A_120 = arith.constant 0 : index
    %get3A_121 = vector.load %arg12[%get3A_119, %get3A_120] : memref<32x32xf32, #tpu.memory_space<vmem>>, vector<32x32xf32>
    %reshape3A_122 = vector.shape_cast %get3A_118 : vector<2048xi32> to vector<2048x1xi32>
    %iota3A_123 = tpu.iota {dimensions = array<i32: 1>} : vector<2048x32xi32>
    %eq3A_124 = vector.broadcast %reshape3A_122 : vector<2048x1xi32> to vector<2048x32xi32>
    %eq3A_125 = arith.cmpi eq, %eq3A_124, %iota3A_123 : vector<2048x32xi32>
    %convert_element_type3A_126 = arith.extui %eq3A_125 : vector<2048x32xi1> to vector<2048x32xi32>
    %convert_element_type3A_127 = arith.sitofp %convert_element_type3A_126 : vector<2048x32xi32> to vector<2048x32xf32>
    %dot_general3A_128 = arith.constant dense<0.000000e+00> : vector<2048x32xf32>
    %dot_general3A_129 = tpu.matmul %convert_element_type3A_127, %get3A_121, %dot_general3A_128 {dimension_numbers = #tpu.dot_dimension_numbers<[1], [0], [0], [1], [0, 0, 1, 1], [], []>, transpose_lhs_hint = false} : vector<2048x32xf32>, vector<32x32xf32>, vector<2048x32xf32> -> vector<2048x32xf32>
    %concatenate3A = tpu.concatenate %add3A_35, %dot_general3A_90, %dot_general3A_103, %dot_general3A_116, %add3A_79, %dot_general3A_129 in 1 : vector<2048x32xf32>, vector<2048x32xf32>, vector<2048x32xf32>, vector<2048x32xf32>, vector<2048x32xf32>, vector<2048x32xf32> -> vector<2048x192xf32>
    %get3A_130 = arith.constant 0 : index
    %get3A_131 = arith.constant 0 : index
    %get3A_132 = vector.load %arg13[%get3A_130, %get3A_131] : memref<192x256xf32, #tpu.memory_space<vmem>>, vector<192x256xf32>
    %dot_general3A_133 = arith.constant dense<0.000000e+00> : vector<2048x256xf32>
    %dot_general3A_134 = tpu.matmul %concatenate3A, %get3A_132, %dot_general3A_133 {dimension_numbers = #tpu.dot_dimension_numbers<[1], [0], [0], [1], [0, 0, 1, 1], [], []>, transpose_lhs_hint = false} : vector<2048x192xf32>, vector<192x256xf32>, vector<2048x256xf32> -> vector<2048x256xf32>
    %get3A_135 = arith.constant 0 : index
    %get3A_136 = vector.load %arg14[%get3A_135] : memref<256xf32, #tpu.memory_space<vmem>>, vector<256xf32>
    %broadcast_in_dim3A_137 = vector.shape_cast %get3A_136 : vector<256xf32> to vector<1x256xf32>
    %add3A_138 = vector.broadcast %broadcast_in_dim3A_137 : vector<1x256xf32> to vector<2048x256xf32>
    %add3A_139 = arith.addf %dot_general3A_134, %add3A_138 : vector<2048x256xf32>
    %max3A = arith.constant 0.000000e+00 : f32
    %max3A_140 = vector.broadcast %max3A : f32 to vector<2048x256xf32>
    %max3A_141 = arith.maximumf %add3A_139, %max3A_140 : vector<2048x256xf32>
    %get3A_142 = arith.constant 0 : index
    %get3A_143 = arith.constant 0 : index
    %get3A_144 = vector.load %arg15[%get3A_142, %get3A_143] : memref<256x256xf32, #tpu.memory_space<vmem>>, vector<256x256xf32>
    %dot_general3A_145 = arith.constant dense<0.000000e+00> : vector<2048x256xf32>
    %dot_general3A_146 = tpu.matmul %max3A_141, %get3A_144, %dot_general3A_145 {dimension_numbers = #tpu.dot_dimension_numbers<[1], [0], [0], [1], [0, 0, 1, 1], [], []>, transpose_lhs_hint = false} : vector<2048x256xf32>, vector<256x256xf32>, vector<2048x256xf32> -> vector<2048x256xf32>
    %get3A_147 = arith.constant 0 : index
    %get3A_148 = vector.load %arg16[%get3A_147] : memref<256xf32, #tpu.memory_space<vmem>>, vector<256xf32>
    %broadcast_in_dim3A_149 = vector.shape_cast %get3A_148 : vector<256xf32> to vector<1x256xf32>
    %add3A_150 = vector.broadcast %broadcast_in_dim3A_149 : vector<1x256xf32> to vector<2048x256xf32>
    %add3A_151 = arith.addf %dot_general3A_146, %add3A_150 : vector<2048x256xf32>
    %max3A_152 = arith.constant 0.000000e+00 : f32
    %max3A_153 = vector.broadcast %max3A_152 : f32 to vector<2048x256xf32>
    %max3A_154 = arith.maximumf %add3A_151, %max3A_153 : vector<2048x256xf32>
    %get3A_155 = arith.constant 0 : index
    %get3A_156 = arith.constant 0 : index
    %get3A_157 = vector.load %arg17[%get3A_155, %get3A_156] : memref<1x256xf32, #tpu.memory_space<vmem>>, vector<1x256xf32>
    %mul3A_158 = vector.broadcast %get3A_157 : vector<1x256xf32> to vector<2048x256xf32>
    %mul3A_159 = arith.mulf %max3A_154, %mul3A_158 : vector<2048x256xf32>
    %reduce_sum3A = arith.constant dense<0.000000e+00> : vector<2048xf32>
    %reduce_sum3A_160 = vector.multi_reduction <add>, %mul3A_159, %reduce_sum3A [1] : vector<2048x256xf32> to vector<2048xf32>
    %get3A_161 = arith.constant 0 : index
    %get3A_162 = arith.constant 0 : index
    %get3A_163 = vector.load %arg18[%get3A_161, %get3A_162] : memref<1x1xf32, #tpu.memory_space<vmem>>, vector<1x1xf32>
    %get3A_164 = vector.extract %get3A_163[0, 0] : f32 from vector<1x1xf32>
    %add3A_165 = vector.broadcast %get3A_164 : f32 to vector<2048xf32>
    %add3A_166 = arith.addf %reduce_sum3A_160, %add3A_165 : vector<2048xf32>
    %swap3A = arith.constant 0 : index
    %swap3A_167 = vector.load %arg19[%swap3A] : memref<2048xf32, #tpu.memory_space<vmem>>, vector<2048xf32>
    tpu.vector_store %arg19[%swap3A], %add3A_166 {strides = array<i32>} : memref<2048xf32, #tpu.memory_space<vmem>>, vector<2048xf32>,
    return
  }
  func.func @transform_0(%arg0: i32) -> (i32, i32) {
    %c0_i32 = arith.constant 0 : i32
    %c0_i32_0 = arith.constant 0 : i32
    return %arg0, %c0_i32 : i32, i32
  }
  func.func @transform_1(%arg0: i32) -> (i32, i32) {
    %c0_i32 = arith.constant 0 : i32
    %c0_i32_0 = arith.constant 0 : i32
    return %arg0, %c0_i32 : i32, i32
  }
  func.func @transform_2(%arg0: i32) -> i32 {
    %c0_i32 = arith.constant 0 : i32
    return %arg0 : i32
  }
  func.func @transform_3(%arg0: i32) -> i32 {
    %c0_i32 = arith.constant 0 : i32
    return %arg0 : i32
  }
  func.func @transform_4(%arg0: i32) -> i32 {
    %c0_i32 = arith.constant 0 : i32
    return %arg0 : i32
  }
  func.func @transform_5(%arg0: i32) -> i32 {
    %c0_i32 = arith.constant 0 : i32
    return %arg0 : i32
  }
  func.func @transform_6(%arg0: i32) -> i32 {
    %c0_i32 = arith.constant 0 : i32
    return %arg0 : i32
  }
  func.func @transform_7(%arg0: i32) -> i32 {
    %c0_i32 = arith.constant 0 : i32
    return %arg0 : i32
  }
  func.func @transform_8(%arg0: i32) -> (i32, i32) {
    %c0_i32 = arith.constant 0 : i32
    %c0_i32_0 = arith.constant 0 : i32
    %c0_i32_1 = arith.constant 0 : i32
    return %c0_i32, %c0_i32_0 : i32, i32
  }
  func.func @transform_9(%arg0: i32) -> (i32, i32) {
    %c0_i32 = arith.constant 0 : i32
    %c0_i32_0 = arith.constant 0 : i32
    %c0_i32_1 = arith.constant 0 : i32
    return %c0_i32, %c0_i32_0 : i32, i32
  }
  func.func @transform_10(%arg0: i32) -> (i32, i32) {
    %c0_i32 = arith.constant 0 : i32
    %c0_i32_0 = arith.constant 0 : i32
    %c0_i32_1 = arith.constant 0 : i32
    return %c0_i32, %c0_i32_0 : i32, i32
  }
  func.func @transform_11(%arg0: i32) -> (i32, i32) {
    %c0_i32 = arith.constant 0 : i32
    %c0_i32_0 = arith.constant 0 : i32
    %c0_i32_1 = arith.constant 0 : i32
    return %c0_i32, %c0_i32_0 : i32, i32
  }
  func.func @transform_12(%arg0: i32) -> (i32, i32) {
    %c0_i32 = arith.constant 0 : i32
    %c0_i32_0 = arith.constant 0 : i32
    %c0_i32_1 = arith.constant 0 : i32
    return %c0_i32, %c0_i32_0 : i32, i32
  }
  func.func @transform_13(%arg0: i32) -> i32 {
    %c0_i32 = arith.constant 0 : i32
    %c0_i32_0 = arith.constant 0 : i32
    return %c0_i32 : i32
  }
  func.func @transform_14(%arg0: i32) -> (i32, i32) {
    %c0_i32 = arith.constant 0 : i32
    %c0_i32_0 = arith.constant 0 : i32
    %c0_i32_1 = arith.constant 0 : i32
    return %c0_i32, %c0_i32_0 : i32, i32
  }
  func.func @transform_15(%arg0: i32) -> i32 {
    %c0_i32 = arith.constant 0 : i32
    %c0_i32_0 = arith.constant 0 : i32
    return %c0_i32 : i32
  }
  func.func @transform_16(%arg0: i32) -> (i32, i32) {
    %c0_i32 = arith.constant 0 : i32
    %c0_i32_0 = arith.constant 0 : i32
    %c0_i32_1 = arith.constant 0 : i32
    return %c0_i32, %c0_i32_0 : i32, i32
  }
  func.func @transform_17(%arg0: i32) -> (i32, i32) {
    %c0_i32 = arith.constant 0 : i32
    %c0_i32_0 = arith.constant 0 : i32
    %c0_i32_1 = arith.constant 0 : i32
    return %c0_i32, %c0_i32_0 : i32, i32
  }
  func.func @transform_18(%arg0: i32) -> i32 {
    %c0_i32 = arith.constant 0 : i32
    return %arg0 : i32
  }
}

</mosaic_0001>

<sc_bundles>
// kernel: kernel.6.cloned.1.call-start
scs
__scs_entry_jumppad:
0x0: {  	(pc) =	sbr.rel $0x88, $3  }
0x1: {  	(tag) =	ssettag $0x0;
	lr =	simm.s32 $0x1  }
0x2: {  	[smem:$0x3F8F] =	sst lr;
	_ =	strace $0xD0000000  }
0x3: {  	_ = 	snop  }
0x4: {  	_ = 	snop  }
0x5: {  	_ = 	snop  }
0x6: {  	_ = 	snop  }
0x7: {  	_ = 	snop  }
__scs_overlays_trampoline_lowered:
0x8: {  	[smem:$0x3F9E] =	sst s0  }
0x9: {  	[smem:$0x3F9F] =	sst s1  }
0xa: {  	[smem:$0x3FA0] =	sst s2  }
0xb: {  	[smem:$0x3FA1] =	sst s3  }
0xc: {  	[smem:$0x3FA2] =	sst s4  }
0xd: {  	[smem:$0x3FA3] =	sst s5  }
0xe: {  	[smem:$0x3FA4] =	sst s6  }
0xf: {  	[smem:$0x3FA5] =	sst s7  }
0x10: {  	[smem:$0x3FA6] =	sst s8  }
0x11: {  	[smem:$0x3FA7] =	sst s9;
	s0 =	simm.s32 @!p0 $0x0  }
0x12: {  	s1 =	sld [smem:$0x3F8D];
	s0 =	simm.s32 @p0 $0x1  }
0x13: {  	[smem:$0x3FA8] =	sst s0;
	s0 =	simm.s32 @!p1 $0x0  }
0x14: {  	s2 =	sld [smem:$0x3F8C];
	s0 =	simm.s32 @p1 $0x1  }
0x15: {  	[smem:$0x3FA9] =	sst s0;
	s0 =	simm.s32 @!p2 $0x0  }
0x16: {  	s3 =	sld [smem:$0x3FDB];
	s0 =	simm.s32 @p2 $0x1  }
0x17: {  	s4 =	simm.s32 $0x1BF5;
	[smem:$0x3FAB] =	sst s0  }
0x18: {  	s0 =	sld [smem:$0x3F8E];
	_ =	swait.ge [sflag:s4], $0x0  }
0x19: {  	s7 =	sld [smem:$0x3F8F]  }
0x1a: {  	s8 =	sadd.s32 $0xFFFFE003, lr  }
0x1b: {  	s9 =	sadd.s32 $0xFFFFFEF7, lr;
	s5 =	simm.s32 $0xFFFFFFFF;
	p2 =	slt.u32 s8, $0xFFFFF086  }
0x1c: {  	p1 =	slt.u32 s9, $0xF7A;
	s5 =	simm.s32 @!p2 $0x0  }
0x1d: {  	s5 =	simm.s32 @p1 $0x1;
	p0 =	seq.s32 s7, s2  }
0x1e: {  	s7 =	smul.u32 @!p0 $0xF7A, s2;
	p2 =	seq.s32 @!p0 s5, $0x0  }
0x1f: {  	s9 =	smul.u32 $0xF7A, s1;
	s8 =	simm.s32 @!p0 $0x1BF5;
	p2 =	por !p2, p0  }
0x20: {  	[sflag:s8] =	ssyncset.s32 @!p0 $0xFFFFF086;
	s6 =	sadd.s32 @!p0 s3, s7;
	s7 =	simm.s32 @!p0 $0x108  }
0x21: {  	s3 =	sadd.s32 s3, s9;
	s6 =	sadd.s32 @!p0 $0x88, s6;
	s7 =	simm.s32 @p2 $0x1082  }
0x22: {  	[simem:s7], [sflag:s8] =	dma.local @!p0 [hbm:s6], $0xF7A  }
0x23: {  	s9 =	sor.u32 $0xD0000000, s2;
	s6 =	simm.s32 $0x108;
	_ =	swait.ge @!p0 [sflag:s8], $0x0  }
0x24: {  	s3 =	sadd.s32 $0x88, s3;
	s6 =	simm.s32 @!p1 $0x1082;
	[sflag:s4] =	ssyncset.s32 $0xFFFFF086  }
0x25: {  	[simem:s6], [sflag:s4] =	dma.local [hbm:s3], $0xF7A  }
0x26: {  	[smem:$0x3F8F] =	sst s1;
	(tag) =	ssettag s2;
	_ =	strace s9  }
0x27: {  	s1 =	sld [smem:$0x3F9F]  }
0x28: {  	s2 =	sld [smem:$0x3FA0]  }
0x29: {  	s4 =	sld [smem:$0x3FA2]  }
0x2a: {  	p0 =	seq.s32 s5, $0x0;
	s5 =	sld [smem:$0x3FA3]  }
0x2b: {  	s6 =	sld [smem:$0x3FA4]  }
0x2c: {  	s7 =	sld [smem:$0x3FA5]  }
0x2d: {  	s3 =	simm.s32 $0x108;
	s8 =	sld [smem:$0x3FA6]  }
0x2e: {  	s3 =	simm.s32 @!p0 $0x1082;
	s9 =	sld [smem:$0x3FA7]  }
0x2f: {  	lr =	sadd.s32 s0, s3;
	s0 =	sld [smem:$0x3F9E]  }
0x30: {  	s3 =	sld [smem:$0x3FA1]  }
0x31: {  	[smem:$0x3FAA] =	sst s10  }
0x32: {  	s10 =	sld [smem:$0x3FA8];
	_ =	sdelay $0x3  }
0x33: {  	p0 =	seq.s32 s10, $0x1;
	s10 =	sld [smem:$0x3FAA];
	_ =	sdelay $0x3  }
0x34: {  	[smem:$0x3FAA] =	sst s10  }
0x35: {  	s10 =	sld [smem:$0x3FA9];
	_ =	sdelay $0x3  }
0x36: {  	p1 =	seq.s32 s10, $0x1;
	s10 =	sld [smem:$0x3FAA];
	_ =	sdelay $0x3  }
0x37: {  	[smem:$0x3FAA] =	sst s10  }
0x38: {  	s10 =	sld [smem:$0x3FAB]  }
0x39: {  	_ = 	snop;
	(pc) =	sbr.ind lr, $3  }
0x3a: {  	_ = 	snop  }
0x3b: {  	_ = 	snop  }
0x3c: {  	p2 =	seq.s32 s10, $0x1;
	s10 =	sld [smem:$0x3FAA]  }
0x3d: {  	_ =	shalt  }
0x3e: {  	_ =	shalt  }
0x3f: {  	_ =	shalt  }
0x40: {  	_ =	shalt  }
0x41: {  	_ =	shalt  }
0x42: {  	_ =	shalt  }
0x43: {  	_ =	shalt  }
0x44: {  	_ =	shalt  }
0x45: {  	_ =	shalt  }
0x46: {  	_ =	shalt  }
0x47: {  	_ =	shalt  }
0x48: {  	_ =	shalt  }
0x49: {  	_ =	shalt  }
0x4a: {  	_ =	shalt  }
0x4b: {  	_ =	shalt  }
0x4c: {  	_ =	shalt  }
0x4d: {  	_ =	shalt  }
0x4e: {  	_ =	shalt  }
0x4f: {  	_ =	shalt  }
0x50: {  	_ =	shalt  }
0x51: {  	_ =	shalt  }
0x52: {  	_ =	shalt  }
0x53: {  	_ =	shalt  }
0x54: {  	_ =	shalt  }
0x55: {  	_ =	shalt  }
0x56: {  	_ =	shalt  }
0x57: {  	_ =	shalt  }
0x58: {  	_ =	shalt  }
0x59: {  	_ =	shalt  }
0x5a: {  	_ =	shalt  }
0x5b: {  	_ =	shalt  }
0x5c: {  	_ =	shalt  }
0x5d: {  	_ =	shalt  }
0x5e: {  	_ =	shalt  }
0x5f: {  	_ =	shalt  }
0x60: {  	_ =	shalt  }
0x61: {  	_ =	shalt  }
0x62: {  	_ =	shalt  }
0x63: {  	_ =	shalt  }
0x64: {  	_ =	shalt  }
0x65: {  	_ =	shalt  }
0x66: {  	_ =	shalt  }
0x67: {  	_ =	shalt  }
0x68: {  	_ =	shalt  }
0x69: {  	_ =	shalt  }
0x6a: {  	_ =	shalt  }
0x6b: {  	_ =	shalt  }
0x6c: {  	_ =	shalt  }
0x6d: {  	_ =	shalt  }
0x6e: {  	_ =	shalt  }
0x6f: {  	_ =	shalt  }
0x70: {  	_ =	shalt  }
0x71: {  	_ =	shalt  }
0x72: {  	_ =	shalt  }
0x73: {  	_ =	shalt  }
0x74: {  	_ =	shalt  }
0x75: {  	_ =	shalt  }
0x76: {  	_ =	shalt  }
0x77: {  	_ =	shalt  }
0x78: {  	_ =	shalt  }
0x79: {  	_ =	shalt  }
0x7a: {  	_ =	shalt  }
0x7b: {  	_ =	shalt  }
0x7c: {  	_ =	shalt  }
0x7d: {  	_ =	shalt  }
0x7e: {  	_ =	shalt  }
0x7f: {  	_ =	shalt  }
0x80: {  	_ =	shalt  }
0x81: {  	_ =	shalt  }
0x82: {  	_ =	shalt  }
0x83: {  	_ =	shalt  }
0x84: {  	_ =	shalt  }
0x85: {  	_ =	shalt  }
0x86: {  	_ =	shalt  }
0x87: {  	_ =	shalt  }
.Lfunc_end0:
.L_simem_size_0:
called_computation_lowered:
.L_overlay_start_0:
0x88: {  	s2 =	sld [smem:$0x3FD9]  }
0x89: {  	s3 =	sld [smem:$0x3FFE];
	_ =	sdelay $0x1  }
0x8a: {  	s1 =	srdreg.scid  }
0x8b: {  	s0 =	sand.u32 $0x1, s1  }
0x8c: {  	s16 =	sshll.u32 s0, $0xA;
	s2 =	sadd.s32 s3, s2  }
0x8d: {  	s2 =	sadd.s32 s2, s16  }
0x8e: {  	[smem:$0x3FB6] =	sst s2  }
0x8f: {  	_ = 	snop  }
0x90: {  	(tm) =	ssettm $0x1  }
0x91: {  	s17 =	sld [smem:$0x3FFB];
	_ =	sdelay $0x3  }
0x92: {  	_ =	strace s17  }
0x93: {  	s2 =	sld [smem:$0x3FFC];
	_ =	sdelay $0x3  }
0x94: {  	_ =	strace s2  }
0x95: {  	s2 =	sld [smem:$0x3FFD];
	_ =	sdelay $0x3  }
0x96: {  	_ =	strace s2  }
0x97: {  	_ =	strace $0x8FFFFFFF  }
0x98: {  	s18 =	sld [smem:$0x3FDB];
	_ =	sdelay $0x1  }
0x99: {  	s19 =	simm.s32 $_scs_section_size  }
0x9a: {  	s4 =	simm.s32 $_size__tile_overlayer_lowered;
	s5 =	simm.s32 $_tile_overlayer_lowered  }
0x9b: {  	s22 =	simm.s32 $0x1BFF;
	s21 =	sshll.u32 s5, $0x1;
	s2 =	sadd.s32 s19, s18  }
0x9c: {  	s6 =	simm.s32 $0x0;
	s20 =	sshll.u32 s4, $0x1;
	s4 =	sadd.s32 s21, s2  }
0x9d: {  	[timem:s6], [sflag:s22] =	dma.local [hbm:s4], s20  }
0x9e: {  	_ =	swait.ge [sflag:s22], s20  }
0x9f: {  	s3 =	ssub.s32 $0x0, s20;
	[sflag:s22] =	ssyncset.done $0x0  }
0xa0: {  	[sflag:s22] =	ssyncadd.s32 s3;
	_ =	sdelay $0x1  }
0xa1: {  	s23 =	simm.s32 $0x1B8B  }
0xa2: {  	_ =	swait.ge [sflag:s23], $0x1  }
0xa3: {  	[sflag:s23] =	ssyncset.done $0x0  }
0xa4: {  	s25 =	simm.s32 $0x1B8E;
	s24 =	sld [smem:$0x3FFE];
	[sflag:s23] =	ssyncadd.s32 $0xFFFFFFFF  }
0xa5: {  	s26 =	simm.s32 $execute0_lowered;
	[smem:$0x3FD2] =	sst s25  }
0xa6: {  	s4 =	sshll.u32 s26, $0x1;
	_ =	strace $0x80000046;
	[dreg:$0x1] =	wrdreg $0xFFFFFFFF  }
0xa7: {  	s28 =	simm.s32 $_size_execute0_lowered;
	s2 =	sadd.s32 s2, s4;
	[dreg:$0x0] =	wrdreg $0x0  }
0xa8: {  	s4 =	sshll.u32 s28, $0x1;
	[dreg:$0x2] =	wrdreg s2  }
0xa9: {  	[dreg:$0x3] =	wrdreg s4  }
0xaa: {  	[dreg:$0x4] =	wrdreg $0xC0  }
0xab: {  	_ =	task [dreg:s6], $0x5FFFF  }
0xac: {  	[dreg:$0x1] =	wrdreg $0xFFFFFFFF  }
0xad: {  	[dreg:$0x0] =	wrdreg $0x60  }
0xae: {  	[dreg:$0x2] =	wrdreg s24  }
0xaf: {  	[dreg:$0x3] =	wrdreg $0x9  }
0xb0: {  	_ =	task.clear_ibuf [dreg:s6], $0x4FFFF;
	_ =	strace $0x90000046  }
0xb1: {  	s29 =	simm.s32 $0x9;
	_ =	strace $0x80000048  }
0xb2: {  	_ =	swait.ge [sflag:s29], $0x1  }
0xb3: {  	[sflag:s29] =	ssyncadd.s32 $0xFFFFFFFF  }
0xb4: {  	_ =	strace $0x90000048  }
0xb5: {  	_ =	sfence  }
0xb6: {  	s30 =	sld [smem:$0x0];
	_ =	sdelay $0x2  }
0xb7: {  	s31 =	sshll.u32 s1, $0xD;
	s1 =	sshrl.u32 s1, $0x2  }
0xb8: {  	s3 =	sand.u32 $0x4000, s31;
	s1 =	sadd.s32 s1, s30  }
0xb9: {  	s0 =	sor.u32 s3, s0;
	s1 =	sshll.u32 s1, $0x11  }
0xba: {  	s0 =	sor.u32 s1, s0  }
0xbb: {  	s0 =	sadd.s32 $0x8F2B, s0  }
0xbc: {  	[sflag:s0] =	ssyncadd.remote.s32 $0x1  }
0xbd: {  	_ =	sfence.sel $0xFFFF  }
0xbe: {  	[dreg:$0x0] =	wrdreg $0xFFFFFFFF;
	(pc) =	sbr.abs _section_cstart, $3  }
0xbf: {  	[dreg:$0x1] =	wrdreg $0xFFFFFFFF  }
0xc0: {  	_ =	task.clear_ibuf [dreg:s6], $0x2FFFF;
	_ =	strace $0x9FFFFFFF  }
0xc1: {  	(tm) =	ssettm $0x7FFFFFFF  }
tec
execute0_lowered:
.L_overlay_start_1:
0x0: {  	(tag) =	ssettag $0x1  }
0x1: {  	s0 =	srdreg.scid  }
0x2: {  	s2 =	stileid.u32;
	s1 =	rddreg [dreg:$0x0];
	s16 =	simm.s32 $0x100  }
0x3: {  	s17 =	simm.s32 $0x200;
	s18 =	simm.s32 $0x300;
	s20 =	simm.s32 $0x80  }
0x4: {  	s22 =	simm.s32 $0x180;
	s25 =	simm.s32 $0x280;
	s26 =	simm.s32 $0x380  }
0x5: {  	s28 =	simm.s32 $0x2C00;
	s3 =	sshll.u32 s2, $0xA;
	s2 =	simm.s32 $0x0  }
0x6: {  	s29 =	simm.s32 $0xAC00;
	s30 =	simm.s32 $0x3400;
	[smem:$0x7FF] =	sst s2  }
0x7: {  	s31 =	simm.s32 $0xB400;
	_ =	strace $0x80000047;
	[dreg:$0xa] =	wrdreg s16  }
0x8: {  	s10 =	simm.s32 $0x4400;
	s8 =	simm.s32 $0x6400;
	[dreg:$0xb] =	wrdreg s17  }
0x9: {  	s9 =	simm.s32 $0xE400;
	s0 =	sand.u32 $0x1, s0;
	[dreg:$0xc] =	wrdreg s18  }
0xa: {  	s5 =	sadd.s32 $0x7B4800, s1;
	s7 =	sadd.s32 $0x7F4800, s1;
	[dreg:$0xd] =	wrdreg s20  }
0xb: {  	s4 =	sshll.u32 s0, $0x9;
	s0 =	ssub.s32 $0x2, s0;
	[dreg:$0xf] =	wrdreg s22  }
0xc: {  	s3 =	sor.u32 s4, s3;
	s24 =	sshrl.u32 s0, $0x1;
	[dreg:$0x11] =	wrdreg s25  }
0xd: {  	[dreg:$0x12] =	wrdreg s26;
	s17 =	simm.s32 $0x1;
	s22 =	simm.s32 $0x9400  }
0xe: {  	s25 =	simm.s32 $0x2400;
	s4 =	sshrl.u32 s3, $0x3;
	s3 =	sshll.u32 s3, $0x4  }
0xf: {  	s26 =	simm.s32 $0xA400;
	s16 =	simm.s32 $0x5C00;
	s11 =	sadd.s32 s5, s3  }
0x10: {  	s4 =	sadd.s32 s4, s1;
	s12 =	sadd.s32 s7, s3;
	[dreg:$0x2] =	wrdreg s11  }
0x11: {  	s3 =	sor.u32 $0x1000, s3;
	s6 =	sadd.s32 $0x7B3800, s4;
	[dreg:$0x3] =	wrdreg s12  }
0x12: {  	s0 =	ssub.s32 s0, s24;
	s5 =	sadd.s32 s5, s3;
	[dreg:$0x6] =	wrdreg s6  }
0x13: {  	s24 =	simm.s32 $0x9C00;
	s3 =	sadd.s32 s7, s3;
	[dreg:$0x4] =	wrdreg s5  }
0x14: {  	s13 =	sadd.s32 $0x7B3810, s4;
	s14 =	sadd.s32 $0x7B3820, s4;
	[dreg:$0x5] =	wrdreg s3  }
0x15: {  	s15 =	sadd.s32 $0x7B3830, s4;
	s19 =	sadd.s32 $0x7B3000, s4;
	[dreg:$0x7] =	wrdreg s13  }
0x16: {  	s4 =	sadd.s32 $0x3000, s1;
	s7 =	simm.s32 $0x2;
	[dreg:$0x8] =	wrdreg s14  }
0x17: {  	s11 =	simm.s32 $0xC400;
	s12 =	simm.s32 $0x4C00;
	[dreg:$0x9] =	wrdreg s15  }
0x18: {  	s21 =	sadd.s32 $0x10, s19;
	s5 =	sadd.s32 $0x3DB000, s1;
	[dreg:$0x13] =	wrdreg s19  }
0x19: {  	s23 =	sadd.s32 $0x20, s19;
	s6 =	smax.u32 s0, $0x1;
	s13 =	simm.s32 $0xCC00  }
0x1a: {  	s14 =	simm.s32 $0x5400;
	s15 =	simm.s32 $0xD400;
	[dreg:$0xe] =	wrdreg s21  }
0x1b: {  	vm0 =	vmmov $0xffff;
	s3 =	simm.s32 $0xDC00;
	[dreg:$0x10] =	wrdreg s23;
	s23 =	simm.s32 $0x1C00  }
.LBB2_1:
0x1c: {  	s18 =	rddreg [dreg:$0x6]  }
0x1d: {  	s19 =	rddreg [dreg:$0x7]  }
0x1e: {  	s20 =	rddreg [dreg:$0xa]  }
0x1f: {  	[tilespmem:s2], [sflag:$0x2] =	stream.linear.gather [hbm4b:s18+s2], $0x80, $0x38;
	[tilespmem:$0x10400] =	vst v63  }
0x20: {  	s0 =	rddreg [dreg:$0x9]  }
0x21: {  	[tilespmem:s20], [sflag:$0x2] =	stream.linear.gather [hbm4b:s19+s2], $0x80, $0x38;
	[tilespmem:$0x10400] =	vst v63  }
0x22: {  	s19 =	rddreg [dreg:$0x8]  }
0x23: {  	s20 =	rddreg [dreg:$0xb]  }
0x24: {  	[tilespmem:s20], [sflag:$0x2] =	stream.linear.gather [hbm4b:s19+s2], $0x80, $0x38;
	[tilespmem:$0x10400] =	vst v63  }
0x25: {  	s21 =	rddreg [dreg:$0xc]  }
0x26: {  	[tilespmem:s21], [sflag:$0x2] =	stream.linear.gather [hbm4b:s0+s2], $0x80, $0x38;
	[tilespmem:$0x10400] =	vst v63  }
0x27: {  	_ =	swait.ge [sflag:s7], $0x200  }
0x28: {  	s1 =	rddreg [dreg:$0xd]  }
0x29: {  	s0 =	rddreg [dreg:$0x13]  }
0x2a: {  	[sflag:s7] =	ssyncset.done $0x0;
	s19 =	rddreg [dreg:$0xe]  }
0x2b: {  	s20 =	rddreg [dreg:$0xf];
	[sflag:s7] =	ssyncadd.s32 $0xFFFFFE00  }
0x2c: {  	[tilespmem:s1], [sflag:$0x2] =	stream.linear.gather [hbm4b:s0+s2], $0x80, $0x38;
	[tilespmem:$0x10400] =	vst v63  }
0x2d: {  	s21 =	rddreg [dreg:$0x10]  }
0x2e: {  	[tilespmem:s20], [sflag:$0x2] =	stream.linear.gather [hbm4b:s19+s2], $0x80, $0x38;
	[tilespmem:$0x10400] =	vst v63  }
0x2f: {  	s1 =	rddreg [dreg:$0x11]  }
0x30: {  	[tilespmem:s1], [sflag:$0x2] =	stream.linear.gather [hbm4b:s21+s2], $0x80, $0x38;
	[tilespmem:$0x10400] =	vst v63  }
0x31: {  	s19 =	rddreg [dreg:$0x12];
	s1 =	sadd.s32 $0x30, s0  }
0x32: {  	[tilespmem:s19], [sflag:$0x2] =	stream.linear.gather [hbm4b:s1+s2], $0x80, $0x38;
	[tilespmem:$0x10400] =	vst v63  }
0x33: {  	_ =	swait.ge [sflag:s7], $0x200  }
0x34: {  	[sflag:s7] =	ssyncset.done $0x0  }
0x35: {  	[sflag:s7] =	ssyncadd.s32 $0xFFFFFE00  }
0x36: {  	v0 =	vld [tilespmem:$0x0];
	_ =	sdelay $0x1  }
0x37: {  	v1 =	vld [tilespmem:$0x80];
	_ =	sdelay $0x4  }
0x38: {  	s20 =	simm.s32 $0x400  }
0x39: {  	[tilespmem:s20], [sflag:$0x1] =	stream.indirect_vreg.gather [hbm4b:s4+s2], $0x80, v0, vm0, $0xb8;
	[tilespmem:$0x10400] =	vst v63  }
0x3a: {  	s21 =	simm.s32 $0x8400  }
0x3b: {  	[tilespmem:s21], [sflag:$0x1] =	stream.indirect_vreg.gather [hbm4b:s5+s2], $0x80, v1, vm0, $0xb8;
	[tilespmem:$0x10400] =	vst v63  }
0x3c: {  	v0 =	vld [tilespmem:$0x10];
	_ =	sdelay $0x1  }
0x3d: {  	v1 =	vld [tilespmem:$0x90];
	_ =	sdelay $0x4  }
0x3e: {  	s19 =	simm.s32 $0xC00  }
0x3f: {  	[tilespmem:s19], [sflag:$0x1] =	stream.indirect_vreg.gather [hbm4b:s4+s2], $0x80, v0, vm0, $0xb8;
	[tilespmem:$0x10400] =	vst v63  }
0x40: {  	s20 =	simm.s32 $0x8C00  }
0x41: {  	[tilespmem:s20], [sflag:$0x1] =	stream.indirect_vreg.gather [hbm4b:s5+s2], $0x80, v1, vm0, $0xb8;
	[tilespmem:$0x10400] =	vst v63  }
0x42: {  	v0 =	vld [tilespmem:$0x20];
	_ =	sdelay $0x1  }
0x43: {  	v1 =	vld [tilespmem:$0xA0];
	_ =	sdelay $0x4  }
0x44: {  	s21 =	simm.s32 $0x1400  }
0x45: {  	[tilespmem:s21], [sflag:$0x1] =	stream.indirect_vreg.gather [hbm4b:s4+s2], $0x80, v0, vm0, $0xb8;
	[tilespmem:$0x10400] =	vst v63  }
0x46: {  	_ = 	snop  }
0x47: {  	[tilespmem:s22], [sflag:$0x1] =	stream.indirect_vreg.gather [hbm4b:s5+s2], $0x80, v1, vm0, $0xb8;
	[tilespmem:$0x10400] =	vst v63  }
0x48: {  	v0 =	vld [tilespmem:$0x30];
	_ =	sdelay $0x1  }
0x49: {  	v1 =	vld [tilespmem:$0xB0];
	_ =	sdelay $0x5  }
0x4a: {  	[tilespmem:s23], [sflag:$0x1] =	stream.indirect_vreg.gather [hbm4b:s4+s2], $0x80, v0, vm0, $0xb8;
	[tilespmem:$0x10400] =	vst v63  }
0x4b: {  	_ = 	snop  }
0x4c: {  	[tilespmem:s24], [sflag:$0x1] =	stream.indirect_vreg.gather [hbm4b:s5+s2], $0x80, v1, vm0, $0xb8;
	[tilespmem:$0x10400] =	vst v63  }
0x4d: {  	v0 =	vld [tilespmem:$0x40];
	_ =	sdelay $0x1  }
0x4e: {  	v1 =	vld [tilespmem:$0xC0];
	_ =	sdelay $0x5  }
0x4f: {  	[tilespmem:s25], [sflag:$0x1] =	stream.indirect_vreg.gather [hbm4b:s4+s2], $0x80, v0, vm0, $0xb8;
	[tilespmem:$0x10400] =	vst v63  }
0x50: {  	_ = 	snop  }
0x51: {  	[tilespmem:s26], [sflag:$0x1] =	stream.indirect_vreg.gather [hbm4b:s5+s2], $0x80, v1, vm0, $0xb8;
	[tilespmem:$0x10400] =	vst v63  }
0x52: {  	v0 =	vld [tilespmem:$0x50];
	_ =	sdelay $0x1  }
0x53: {  	v1 =	vld [tilespmem:$0xD0];
	_ =	sdelay $0x5  }
0x54: {  	[tilespmem:s28], [sflag:$0x1] =	stream.indirect_vreg.gather [hbm4b:s4+s2], $0x80, v0, vm0, $0xb8;
	[tilespmem:$0x10400] =	vst v63  }
0x55: {  	_ = 	snop  }
0x56: {  	[tilespmem:s29], [sflag:$0x1] =	stream.indirect_vreg.gather [hbm4b:s5+s2], $0x80, v1, vm0, $0xb8;
	[tilespmem:$0x10400] =	vst v63  }
0x57: {  	v0 =	vld [tilespmem:$0x60];
	_ =	sdelay $0x1  }
0x58: {  	v1 =	vld [tilespmem:$0xE0];
	_ =	sdelay $0x5  }
0x59: {  	[tilespmem:s30], [sflag:$0x1] =	stream.indirect_vreg.gather [hbm4b:s4+s2], $0x80, v0, vm0, $0xb8;
	[tilespmem:$0x10400] =	vst v63  }
0x5a: {  	_ = 	snop  }
0x5b: {  	[tilespmem:s31], [sflag:$0x1] =	stream.indirect_vreg.gather [hbm4b:s5+s2], $0x80, v1, vm0, $0xb8;
	[tilespmem:$0x10400] =	vst v63  }
0x5c: {  	v0 =	vld [tilespmem:$0x70];
	_ =	sdelay $0x1  }
0x5d: {  	v1 =	vld [tilespmem:$0xF0];
	_ =	sdelay $0x4  }
0x5e: {  	s1 =	simm.s32 $0x3C00  }
0x5f: {  	[tilespmem:s1], [sflag:$0x1] =	stream.indirect_vreg.gather [hbm4b:s4+s2], $0x80, v0, vm0, $0xb8;
	[tilespmem:$0x10400] =	vst v63  }
0x60: {  	s18 =	simm.s32 $0xBC00  }
0x61: {  	[tilespmem:s18], [sflag:$0x1] =	stream.indirect_vreg.gather [hbm4b:s5+s2], $0x80, v1, vm0, $0xb8;
	[tilespmem:$0x10400] =	vst v63  }
0x62: {  	v0 =	vld [tilespmem:$0x100];
	_ =	sdelay $0x1  }
0x63: {  	v1 =	vld [tilespmem:$0x180];
	_ =	sdelay $0x5  }
0x64: {  	[tilespmem:s10], [sflag:$0x1] =	stream.indirect_vreg.gather [hbm4b:s4+s2], $0x80, v0, vm0, $0xb8;
	[tilespmem:$0x10400] =	vst v63  }
0x65: {  	_ = 	snop  }
0x66: {  	[tilespmem:s11], [sflag:$0x1] =	stream.indirect_vreg.gather [hbm4b:s5+s2], $0x80, v1, vm0, $0xb8;
	[tilespmem:$0x10400] =	vst v63  }
0x67: {  	v0 =	vld [tilespmem:$0x110];
	_ =	sdelay $0x1  }
0x68: {  	v1 =	vld [tilespmem:$0x190];
	_ =	sdelay $0x5  }
0x69: {  	[tilespmem:s12], [sflag:$0x1] =	stream.indirect_vreg.gather [hbm4b:s4+s2], $0x80, v0, vm0, $0xb8;
	[tilespmem:$0x10400] =	vst v63  }
0x6a: {  	_ = 	snop  }
0x6b: {  	[tilespmem:s13], [sflag:$0x1] =	stream.indirect_vreg.gather [hbm4b:s5+s2], $0x80, v1, vm0, $0xb8;
	[tilespmem:$0x10400] =	vst v63  }
0x6c: {  	v0 =	vld [tilespmem:$0x120];
	_ =	sdelay $0x1  }
0x6d: {  	v1 =	vld [tilespmem:$0x1A0];
	_ =	sdelay $0x5  }
0x6e: {  	[tilespmem:s14], [sflag:$0x1] =	stream.indirect_vreg.gather [hbm4b:s4+s2], $0x80, v0, vm0, $0xb8;
	[tilespmem:$0x10400] =	vst v63  }
0x6f: {  	_ = 	snop  }
0x70: {  	[tilespmem:s15], [sflag:$0x1] =	stream.indirect_vreg.gather [hbm4b:s5+s2], $0x80, v1, vm0, $0xb8;
	[tilespmem:$0x10400] =	vst v63  }
0x71: {  	v0 =	vld [tilespmem:$0x130];
	_ =	sdelay $0x1  }
0x72: {  	v1 =	vld [tilespmem:$0x1B0];
	_ =	sdelay $0x5  }
0x73: {  	[tilespmem:s16], [sflag:$0x1] =	stream.indirect_vreg.gather [hbm4b:s4+s2], $0x80, v0, vm0, $0xb8;
	[tilespmem:$0x10400] =	vst v63  }
0x74: {  	_ = 	snop  }
0x75: {  	[tilespmem:s3], [sflag:$0x1] =	stream.indirect_vreg.gather [hbm4b:s5+s2], $0x80, v1, vm0, $0xb8;
	[tilespmem:$0x10400] =	vst v63  }
0x76: {  	v0 =	vld [tilespmem:$0x140];
	_ =	sdelay $0x1  }
0x77: {  	v1 =	vld [tilespmem:$0x1C0];
	_ =	sdelay $0x5  }
0x78: {  	[tilespmem:s8], [sflag:$0x1] =	stream.indirect_vreg.gather [hbm4b:s4+s2], $0x80, v0, vm0, $0xb8;
	[tilespmem:$0x10400] =	vst v63  }
0x79: {  	_ = 	snop  }
0x7a: {  	[tilespmem:s9], [sflag:$0x1] =	stream.indirect_vreg.gather [hbm4b:s5+s2], $0x80, v1, vm0, $0xb8;
	[tilespmem:$0x10400] =	vst v63  }
0x7b: {  	v0 =	vld [tilespmem:$0x150];
	_ =	sdelay $0x1  }
0x7c: {  	v1 =	vld [tilespmem:$0x1D0];
	_ =	sdelay $0x4  }
0x7d: {  	s1 =	simm.s32 $0x6C00  }
0x7e: {  	[tilespmem:s1], [sflag:$0x1] =	stream.indirect_vreg.gather [hbm4b:s4+s2], $0x80, v0, vm0, $0xb8;
	[tilespmem:$0x10400] =	vst v63  }
0x7f: {  	s18 =	simm.s32 $0xEC00  }
0x80: {  	[tilespmem:s18], [sflag:$0x1] =	stream.indirect_vreg.gather [hbm4b:s5+s2], $0x80, v1, vm0, $0xb8;
	[tilespmem:$0x10400] =	vst v63  }
0x81: {  	v0 =	vld [tilespmem:$0x160];
	_ =	sdelay $0x1  }
0x82: {  	v1 =	vld [tilespmem:$0x1E0];
	_ =	sdelay $0x4  }
0x83: {  	s1 =	simm.s32 $0x7400  }
0x84: {  	[tilespmem:s1], [sflag:$0x1] =	stream.indirect_vreg.gather [hbm4b:s4+s2], $0x80, v0, vm0, $0xb8;
	[tilespmem:$0x10400] =	vst v63  }
0x85: {  	s18 =	simm.s32 $0xF400  }
0x86: {  	[tilespmem:s18], [sflag:$0x1] =	stream.indirect_vreg.gather [hbm4b:s5+s2], $0x80, v1, vm0, $0xb8;
	[tilespmem:$0x10400] =	vst v63  }
0x87: {  	v0 =	vld [tilespmem:$0x170];
	_ =	sdelay $0x1  }
0x88: {  	v1 =	vld [tilespmem:$0x1F0];
	_ =	sdelay $0x4  }
0x89: {  	s1 =	simm.s32 $0x7C00  }
0x8a: {  	[tilespmem:s1], [sflag:$0x1] =	stream.indirect_vreg.gather [hbm4b:s4+s2], $0x80, v0, vm0, $0xb8;
	[tilespmem:$0x10400] =	vst v63  }
0x8b: {  	s18 =	simm.s32 $0xFC00  }
0x8c: {  	[tilespmem:s18], [sflag:$0x1] =	stream.indirect_vreg.gather [hbm4b:s5+s2], $0x80, v1, vm0, $0xb8;
	[tilespmem:$0x10400] =	vst v63  }
0x8d: {  	_ =	swait.ge [sflag:s17], $0x800  }
0x8e: {  	[sflag:s17] =	ssyncset.done $0x0  }
0x8f: {  	[sflag:s17] =	ssyncadd.s32 $0xFFFFF800  }
0x90: {  	_ =	swait.ge [sflag:s17], $0x800  }
0x91: {  	[sflag:s17] =	ssyncset.done $0x0  }
0x92: {  	[sflag:s17] =	ssyncadd.s32 $0xFFFFF800  }
0x93: {  	_ =	swait.ge [sflag:s17], $0x800  }
0x94: {  	[sflag:s17] =	ssyncset.done $0x0  }
0x95: {  	[sflag:s17] =	ssyncadd.s32 $0xFFFFF800  }
0x96: {  	_ =	swait.ge [sflag:s17], $0x800  }
0x97: {  	[sflag:s17] =	ssyncset.done $0x0  }
0x98: {  	[sflag:s17] =	ssyncadd.s32 $0xFFFFF800  }
0x99: {  	_ =	swait.ge [sflag:s17], $0x800  }
0x9a: {  	[sflag:s17] =	ssyncset.done $0x0  }
0x9b: {  	[sflag:s17] =	ssyncadd.s32 $0xFFFFF800  }
0x9c: {  	_ =	swait.ge [sflag:s17], $0x800  }
0x9d: {  	[sflag:s17] =	ssyncset.done $0x0  }
0x9e: {  	[sflag:s17] =	ssyncadd.s32 $0xFFFFF800  }
0x9f: {  	_ =	swait.ge [sflag:s17], $0x800  }
0xa0: {  	[sflag:s17] =	ssyncset.done $0x0  }
0xa1: {  	[sflag:s17] =	ssyncadd.s32 $0xFFFFF800  }
0xa2: {  	_ =	swait.ge [sflag:s17], $0x800  }
0xa3: {  	[sflag:s17] =	ssyncset.done $0x0  }
0xa4: {  	[sflag:s17] =	ssyncadd.s32 $0xFFFFF800  }
0xa5: {  	_ =	swait.ge [sflag:s17], $0x800  }
0xa6: {  	[sflag:s17] =	ssyncset.done $0x0  }
0xa7: {  	[sflag:s17] =	ssyncadd.s32 $0xFFFFF800  }
0xa8: {  	_ =	swait.ge [sflag:s17], $0x800  }
0xa9: {  	[sflag:s17] =	ssyncset.done $0x0  }
0xaa: {  	[sflag:s17] =	ssyncadd.s32 $0xFFFFF800  }
0xab: {  	_ =	swait.ge [sflag:s17], $0x800  }
0xac: {  	[sflag:s17] =	ssyncset.done $0x0  }
0xad: {  	[sflag:s17] =	ssyncadd.s32 $0xFFFFF800  }
0xae: {  	_ =	swait.ge [sflag:s17], $0x800  }
0xaf: {  	[sflag:s17] =	ssyncset.done $0x0  }
0xb0: {  	[sflag:s17] =	ssyncadd.s32 $0xFFFFF800  }
0xb1: {  	_ =	swait.ge [sflag:s17], $0x800  }
0xb2: {  	[sflag:s17] =	ssyncset.done $0x0  }
0xb3: {  	[sflag:s17] =	ssyncadd.s32 $0xFFFFF800  }
0xb4: {  	_ =	swait.ge [sflag:s17], $0x800  }
0xb5: {  	[sflag:s17] =	ssyncset.done $0x0  }
0xb6: {  	[sflag:s17] =	ssyncadd.s32 $0xFFFFF800  }
0xb7: {  	_ =	swait.ge [sflag:s17], $0x800  }
0xb8: {  	[sflag:s17] =	ssyncset.done $0x0  }
0xb9: {  	[sflag:s17] =	ssyncadd.s32 $0xFFFFF800  }
0xba: {  	_ =	swait.ge [sflag:s17], $0x800  }
0xbb: {  	[sflag:s17] =	ssyncset.done $0x0  }
0xbc: {  	[sflag:s17] =	ssyncadd.s32 $0xFFFFF800  }
0xbd: {  	_ =	swait.ge [sflag:s17], $0x800  }
0xbe: {  	[sflag:s17] =	ssyncset.done $0x0  }
0xbf: {  	[sflag:s17] =	ssyncadd.s32 $0xFFFFF800  }
0xc0: {  	_ =	swait.ge [sflag:s17], $0x800  }
0xc1: {  	[sflag:s17] =	ssyncset.done $0x0  }
0xc2: {  	[sflag:s17] =	ssyncadd.s32 $0xFFFFF800  }
0xc3: {  	_ =	swait.ge [sflag:s17], $0x800  }
0xc4: {  	[sflag:s17] =	ssyncset.done $0x0  }
0xc5: {  	[sflag:s17] =	ssyncadd.s32 $0xFFFFF800  }
0xc6: {  	_ =	swait.ge [sflag:s17], $0x800  }
0xc7: {  	[sflag:s17] =	ssyncset.done $0x0  }
0xc8: {  	[sflag:s17] =	ssyncadd.s32 $0xFFFFF800  }
0xc9: {  	_ =	swait.ge [sflag:s17], $0x800  }
0xca: {  	[sflag:s17] =	ssyncset.done $0x0  }
0xcb: {  	[sflag:s17] =	ssyncadd.s32 $0xFFFFF800  }
0xcc: {  	_ =	swait.ge [sflag:s17], $0x800  }
0xcd: {  	[sflag:s17] =	ssyncset.done $0x0  }
0xce: {  	[sflag:s17] =	ssyncadd.s32 $0xFFFFF800  }
0xcf: {  	_ =	swait.ge [sflag:s17], $0x800  }
0xd0: {  	[sflag:s17] =	ssyncset.done $0x0  }
0xd1: {  	[sflag:s17] =	ssyncadd.s32 $0xFFFFF800  }
0xd2: {  	_ =	swait.ge [sflag:s17], $0x800  }
0xd3: {  	[sflag:s17] =	ssyncset.done $0x0  }
0xd4: {  	[sflag:s17] =	ssyncadd.s32 $0xFFFFF800  }
0xd5: {  	_ =	swait.ge [sflag:s17], $0x800  }
0xd6: {  	[sflag:s17] =	ssyncset.done $0x0  }
0xd7: {  	[sflag:s17] =	ssyncadd.s32 $0xFFFFF800  }
0xd8: {  	_ =	swait.ge [sflag:s17], $0x800  }
0xd9: {  	[sflag:s17] =	ssyncset.done $0x0  }
0xda: {  	[sflag:s17] =	ssyncadd.s32 $0xFFFFF800  }
0xdb: {  	_ =	swait.ge [sflag:s17], $0x800  }
0xdc: {  	[sflag:s17] =	ssyncset.done $0x0  }
0xdd: {  	[sflag:s17] =	ssyncadd.s32 $0xFFFFF800  }
0xde: {  	_ =	swait.ge [sflag:s17], $0x800  }
0xdf: {  	[sflag:s17] =	ssyncset.done $0x0  }
0xe0: {  	[sflag:s17] =	ssyncadd.s32 $0xFFFFF800  }
0xe1: {  	_ =	swait.ge [sflag:s17], $0x800  }
0xe2: {  	[sflag:s17] =	ssyncset.done $0x0  }
0xe3: {  	[sflag:s17] =	ssyncadd.s32 $0xFFFFF800  }
0xe4: {  	_ =	swait.ge [sflag:s17], $0x800  }
0xe5: {  	[sflag:s17] =	ssyncset.done $0x0  }
0xe6: {  	[sflag:s17] =	ssyncadd.s32 $0xFFFFF800  }
0xe7: {  	_ =	swait.ge [sflag:s17], $0x800  }
0xe8: {  	[sflag:s17] =	ssyncset.done $0x0  }
0xe9: {  	[sflag:s17] =	ssyncadd.s32 $0xFFFFF800  }
0xea: {  	_ =	swait.ge [sflag:s17], $0x800  }
0xeb: {  	[sflag:s17] =	ssyncset.done $0x0  }
0xec: {  	s1 =	simm.s32 $0x400;
	s0 =	rddreg [dreg:$0x2];
	[sflag:s17] =	ssyncadd.s32 $0xFFFFF800  }
0xed: {  	[hbm4b:s0+s2] =	stream.linear.scatter [tilespmem:s1], [sflag:$0x2], $0x8000, $0x38;
	[tilespmem:$0x10400] =	vst v63  }
0xee: {  	_ =	swait.ge [sflag:s7], $0x8000  }
0xef: {  	[sflag:s7] =	ssyncset.done $0x0  }
0xf0: {  	s0 =	simm.s32 $0x8400;
	s18 =	rddreg [dreg:$0x3];
	[sflag:s7] =	ssyncadd.s32 $0xFFFF8000  }
0xf1: {  	[hbm4b:s18+s2] =	stream.linear.scatter [tilespmem:s0], [sflag:$0x2], $0x8000, $0x38;
	[tilespmem:$0x10400] =	vst v63  }
0xf2: {  	_ =	swait.ge [sflag:s7], $0x8000  }
0xf3: {  	[sflag:s7] =	ssyncset.done $0x0  }
0xf4: {  	[sflag:s7] =	ssyncadd.s32 $0xFFFF8000  }
0xf5: {  	v62 =	vld [tilespmem:$0x200];
	_ =	sdelay $0x1  }
0xf6: {  	v63 =	vld [tilespmem:$0x280];
	_ =	sdelay $0x5  }
0xf7: {  	[tilespmem:s1], [sflag:$0x1] =	stream.indirect_vreg.gather [hbm4b:s4+s2], $0x80, v62, vm0, $0xb8;
	[tilespmem:$0x10400] =	vst v63  }
0xf8: {  	_ = 	snop  }
0xf9: {  	[tilespmem:s0], [sflag:$0x1] =	stream.indirect_vreg.gather [hbm4b:s5+s2], $0x80, v63, vm0, $0xb8;
	[tilespmem:$0x10400] =	vst v63  }
0xfa: {  	v0 =	vld [tilespmem:$0x210];
	_ =	sdelay $0x1  }
0xfb: {  	v1 =	vld [tilespmem:$0x290];
	_ =	sdelay $0x5  }
0xfc: {  	[tilespmem:s19], [sflag:$0x1] =	stream.indirect_vreg.gather [hbm4b:s4+s2], $0x80, v0, vm0, $0xb8;
	[tilespmem:$0x10400] =	vst v63  }
0xfd: {  	_ = 	snop  }
0xfe: {  	[tilespmem:s20], [sflag:$0x1] =	stream.indirect_vreg.gather [hbm4b:s5+s2], $0x80, v1, vm0, $0xb8;
	[tilespmem:$0x10400] =	vst v63  }
0xff: {  	v0 =	vld [tilespmem:$0x220];
	_ =	sdelay $0x1  }
0x100: {  	v1 =	vld [tilespmem:$0x2A0];
	_ =	sdelay $0x5  }
0x101: {  	[tilespmem:s21], [sflag:$0x1] =	stream.indirect_vreg.gather [hbm4b:s4+s2], $0x80, v0, vm0, $0xb8;
	[tilespmem:$0x10400] =	vst v63  }
0x102: {  	_ = 	snop  }
0x103: {  	[tilespmem:s22], [sflag:$0x1] =	stream.indirect_vreg.gather [hbm4b:s5+s2], $0x80, v1, vm0, $0xb8;
	[tilespmem:$0x10400] =	vst v63  }
0x104: {  	v0 =	vld [tilespmem:$0x230];
	_ =	sdelay $0x1  }
0x105: {  	v1 =	vld [tilespmem:$0x2B0];
	_ =	sdelay $0x5  }
0x106: {  	[tilespmem:s23], [sflag:$0x1] =	stream.indirect_vreg.gather [hbm4b:s4+s2], $0x80, v0, vm0, $0xb8;
	[tilespmem:$0x10400] =	vst v63  }
0x107: {  	_ = 	snop  }
0x108: {  	[tilespmem:s24], [sflag:$0x1] =	stream.indirect_vreg.gather [hbm4b:s5+s2], $0x80, v1, vm0, $0xb8;
	[tilespmem:$0x10400] =	vst v63  }
0x109: {  	v0 =	vld [tilespmem:$0x240];
	_ =	sdelay $0x1  }
0x10a: {  	v1 =	vld [tilespmem:$0x2C0];
	_ =	sdelay $0x5  }
0x10b: {  	[tilespmem:s25], [sflag:$0x1] =	stream.indirect_vreg.gather [hbm4b:s4+s2], $0x80, v0, vm0, $0xb8;
	[tilespmem:$0x10400] =	vst v63  }
0x10c: {  	_ = 	snop  }
0x10d: {  	[tilespmem:s26], [sflag:$0x1] =	stream.indirect_vreg.gather [hbm4b:s5+s2], $0x80, v1, vm0, $0xb8;
	[tilespmem:$0x10400] =	vst v63  }
0x10e: {  	v0 =	vld [tilespmem:$0x250];
	_ =	sdelay $0x1  }
0x10f: {  	v1 =	vld [tilespmem:$0x2D0];
	_ =	sdelay $0x5  }
0x110: {  	[tilespmem:s28], [sflag:$0x1] =	stream.indirect_vreg.gather [hbm4b:s4+s2], $0x80, v0, vm0, $0xb8;
	[tilespmem:$0x10400] =	vst v63  }
0x111: {  	_ = 	snop  }
0x112: {  	[tilespmem:s29], [sflag:$0x1] =	stream.indirect_vreg.gather [hbm4b:s5+s2], $0x80, v1, vm0, $0xb8;
	[tilespmem:$0x10400] =	vst v63  }
0x113: {  	v0 =	vld [tilespmem:$0x260];
	_ =	sdelay $0x1  }
0x114: {  	v1 =	vld [tilespmem:$0x2E0];
	_ =	sdelay $0x5  }
0x115: {  	[tilespmem:s30], [sflag:$0x1] =	stream.indirect_vreg.gather [hbm4b:s4+s2], $0x80, v0, vm0, $0xb8;
	[tilespmem:$0x10400] =	vst v63  }
0x116: {  	_ = 	snop  }
0x117: {  	[tilespmem:s31], [sflag:$0x1] =	stream.indirect_vreg.gather [hbm4b:s5+s2], $0x80, v1, vm0, $0xb8;
	[tilespmem:$0x10400] =	vst v63  }
0x118: {  	v0 =	vld [tilespmem:$0x270];
	_ =	sdelay $0x1  }
0x119: {  	v1 =	vld [tilespmem:$0x2F0];
	_ =	sdelay $0x4  }
0x11a: {  	s19 =	simm.s32 $0x3C00  }
0x11b: {  	[tilespmem:s19], [sflag:$0x1] =	stream.indirect_vreg.gather [hbm4b:s4+s2], $0x80, v0, vm0, $0xb8;
	[tilespmem:$0x10400] =	vst v63  }
0x11c: {  	s20 =	simm.s32 $0xBC00  }
0x11d: {  	[tilespmem:s20], [sflag:$0x1] =	stream.indirect_vreg.gather [hbm4b:s5+s2], $0x80, v1, vm0, $0xb8;
	[tilespmem:$0x10400] =	vst v63  }
0x11e: {  	v0 =	vld [tilespmem:$0x300];
	_ =	sdelay $0x1  }
0x11f: {  	v1 =	vld [tilespmem:$0x380];
	_ =	sdelay $0x5  }
0x120: {  	[tilespmem:s10], [sflag:$0x1] =	stream.indirect_vreg.gather [hbm4b:s4+s2], $0x80, v0, vm0, $0xb8;
	[tilespmem:$0x10400] =	vst v63  }
0x121: {  	_ = 	snop  }
0x122: {  	[tilespmem:s11], [sflag:$0x1] =	stream.indirect_vreg.gather [hbm4b:s5+s2], $0x80, v1, vm0, $0xb8;
	[tilespmem:$0x10400] =	vst v63  }
0x123: {  	v0 =	vld [tilespmem:$0x310];
	_ =	sdelay $0x1  }
0x124: {  	v1 =	vld [tilespmem:$0x390];
	_ =	sdelay $0x5  }
0x125: {  	[tilespmem:s12], [sflag:$0x1] =	stream.indirect_vreg.gather [hbm4b:s4+s2], $0x80, v0, vm0, $0xb8;
	[tilespmem:$0x10400] =	vst v63  }
0x126: {  	_ = 	snop  }
0x127: {  	[tilespmem:s13], [sflag:$0x1] =	stream.indirect_vreg.gather [hbm4b:s5+s2], $0x80, v1, vm0, $0xb8;
	[tilespmem:$0x10400] =	vst v63  }
0x128: {  	v0 =	vld [tilespmem:$0x320];
	_ =	sdelay $0x1  }
0x129: {  	v1 =	vld [tilespmem:$0x3A0];
	_ =	sdelay $0x5  }
0x12a: {  	[tilespmem:s14], [sflag:$0x1] =	stream.indirect_vreg.gather [hbm4b:s4+s2], $0x80, v0, vm0, $0xb8;
	[tilespmem:$0x10400] =	vst v63  }
0x12b: {  	_ = 	snop  }
0x12c: {  	[tilespmem:s15], [sflag:$0x1] =	stream.indirect_vreg.gather [hbm4b:s5+s2], $0x80, v1, vm0, $0xb8;
	[tilespmem:$0x10400] =	vst v63  }
0x12d: {  	v0 =	vld [tilespmem:$0x330];
	_ =	sdelay $0x1  }
0x12e: {  	v1 =	vld [tilespmem:$0x3B0];
	_ =	sdelay $0x5  }
0x12f: {  	[tilespmem:s16], [sflag:$0x1] =	stream.indirect_vreg.gather [hbm4b:s4+s2], $0x80, v0, vm0, $0xb8;
	[tilespmem:$0x10400] =	vst v63  }
0x130: {  	_ = 	snop  }
0x131: {  	[tilespmem:s3], [sflag:$0x1] =	stream.indirect_vreg.gather [hbm4b:s5+s2], $0x80, v1, vm0, $0xb8;
	[tilespmem:$0x10400] =	vst v63  }
0x132: {  	v0 =	vld [tilespmem:$0x340];
	_ =	sdelay $0x1  }
0x133: {  	v1 =	vld [tilespmem:$0x3C0];
	_ =	sdelay $0x5  }
0x134: {  	[tilespmem:s8], [sflag:$0x1] =	stream.indirect_vreg.gather [hbm4b:s4+s2], $0x80, v0, vm0, $0xb8;
	[tilespmem:$0x10400] =	vst v63  }
0x135: {  	_ = 	snop  }
0x136: {  	[tilespmem:s9], [sflag:$0x1] =	stream.indirect_vreg.gather [hbm4b:s5+s2], $0x80, v1, vm0, $0xb8;
	[tilespmem:$0x10400] =	vst v63  }
0x137: {  	v0 =	vld [tilespmem:$0x350];
	_ =	sdelay $0x1  }
0x138: {  	v1 =	vld [tilespmem:$0x3D0];
	_ =	sdelay $0x4  }
0x139: {  	s21 =	simm.s32 $0x6C00  }
0x13a: {  	[tilespmem:s21], [sflag:$0x1] =	stream.indirect_vreg.gather [hbm4b:s4+s2], $0x80, v0, vm0, $0xb8;
	[tilespmem:$0x10400] =	vst v63  }
0x13b: {  	s18 =	simm.s32 $0xEC00  }
0x13c: {  	[tilespmem:s18], [sflag:$0x1] =	stream.indirect_vreg.gather [hbm4b:s5+s2], $0x80, v1, vm0, $0xb8;
	[tilespmem:$0x10400] =	vst v63  }
0x13d: {  	v0 =	vld [tilespmem:$0x360];
	_ =	sdelay $0x1  }
0x13e: {  	v1 =	vld [tilespmem:$0x3E0];
	_ =	sdelay $0x4  }
0x13f: {  	s19 =	simm.s32 $0x7400  }
0x140: {  	[tilespmem:s19], [sflag:$0x1] =	stream.indirect_vreg.gather [hbm4b:s4+s2], $0x80, v0, vm0, $0xb8;
	[tilespmem:$0x10400] =	vst v63  }
0x141: {  	s20 =	simm.s32 $0xF400  }
0x142: {  	[tilespmem:s20], [sflag:$0x1] =	stream.indirect_vreg.gather [hbm4b:s5+s2], $0x80, v1, vm0, $0xb8;
	[tilespmem:$0x10400] =	vst v63  }
0x143: {  	v0 =	vld [tilespmem:$0x370];
	_ =	sdelay $0x1  }
0x144: {  	v1 =	vld [tilespmem:$0x3F0];
	_ =	sdelay $0x4  }
0x145: {  	s21 =	simm.s32 $0x7C00  }
0x146: {  	[tilespmem:s21], [sflag:$0x1] =	stream.indirect_vreg.gather [hbm4b:s4+s2], $0x80, v0, vm0, $0xb8;
	[tilespmem:$0x10400] =	vst v63  }
0x147: {  	s18 =	simm.s32 $0xFC00  }
0x148: {  	[tilespmem:s18], [sflag:$0x1] =	stream.indirect_vreg.gather [hbm4b:s5+s2], $0x80, v1, vm0, $0xb8;
	[tilespmem:$0x10400] =	vst v63  }
0x149: {  	_ =	swait.ge [sflag:s17], $0x800  }
0x14a: {  	[sflag:s17] =	ssyncset.done $0x0  }
0x14b: {  	[sflag:s17] =	ssyncadd.s32 $0xFFFFF800  }
0x14c: {  	_ =	swait.ge [sflag:s17], $0x800  }
0x14d: {  	[sflag:s17] =	ssyncset.done $0x0  }
0x14e: {  	[sflag:s17] =	ssyncadd.s32 $0xFFFFF800  }
0x14f: {  	_ =	swait.ge [sflag:s17], $0x800  }
0x150: {  	[sflag:s17] =	ssyncset.done $0x0  }
0x151: {  	[sflag:s17] =	ssyncadd.s32 $0xFFFFF800  }
0x152: {  	_ =	swait.ge [sflag:s17], $0x800  }
0x153: {  	[sflag:s17] =	ssyncset.done $0x0  }
0x154: {  	[sflag:s17] =	ssyncadd.s32 $0xFFFFF800  }
0x155: {  	_ =	swait.ge [sflag:s17], $0x800  }
0x156: {  	[sflag:s17] =	ssyncset.done $0x0  }
0x157: {  	[sflag:s17] =	ssyncadd.s32 $0xFFFFF800  }
0x158: {  	_ =	swait.ge [sflag:s17], $0x800  }
0x159: {  	[sflag:s17] =	ssyncset.done $0x0  }
0x15a: {  	[sflag:s17] =	ssyncadd.s32 $0xFFFFF800  }
0x15b: {  	_ =	swait.ge [sflag:s17], $0x800  }
0x15c: {  	[sflag:s17] =	ssyncset.done $0x0  }
0x15d: {  	[sflag:s17] =	ssyncadd.s32 $0xFFFFF800  }
0x15e: {  	_ =	swait.ge [sflag:s17], $0x800  }
0x15f: {  	[sflag:s17] =	ssyncset.done $0x0  }
0x160: {  	[sflag:s17] =	ssyncadd.s32 $0xFFFFF800  }
0x161: {  	_ =	swait.ge [sflag:s17], $0x800  }
0x162: {  	[sflag:s17] =	ssyncset.done $0x0  }
0x163: {  	[sflag:s17] =	ssyncadd.s32 $0xFFFFF800  }
0x164: {  	_ =	swait.ge [sflag:s17], $0x800  }
0x165: {  	[sflag:s17] =	ssyncset.done $0x0  }
0x166: {  	[sflag:s17] =	ssyncadd.s32 $0xFFFFF800  }
0x167: {  	_ =	swait.ge [sflag:s17], $0x800  }
0x168: {  	[sflag:s17] =	ssyncset.done $0x0  }
0x169: {  	[sflag:s17] =	ssyncadd.s32 $0xFFFFF800  }
0x16a: {  	_ =	swait.ge [sflag:s17], $0x800  }
0x16b: {  	[sflag:s17] =	ssyncset.done $0x0  }
0x16c: {  	[sflag:s17] =	ssyncadd.s32 $0xFFFFF800  }
0x16d: {  	_ =	swait.ge [sflag:s17], $0x800  }
0x16e: {  	[sflag:s17] =	ssyncset.done $0x0  }
0x16f: {  	[sflag:s17] =	ssyncadd.s32 $0xFFFFF800  }
0x170: {  	_ =	swait.ge [sflag:s17], $0x800  }
0x171: {  	[sflag:s17] =	ssyncset.done $0x0  }
0x172: {  	[sflag:s17] =	ssyncadd.s32 $0xFFFFF800  }
0x173: {  	_ =	swait.ge [sflag:s17], $0x800  }
0x174: {  	[sflag:s17] =	ssyncset.done $0x0  }
0x175: {  	[sflag:s17] =	ssyncadd.s32 $0xFFFFF800  }
0x176: {  	_ =	swait.ge [sflag:s17], $0x800  }
0x177: {  	[sflag:s17] =	ssyncset.done $0x0  }
0x178: {  	[sflag:s17] =	ssyncadd.s32 $0xFFFFF800  }
0x179: {  	_ =	swait.ge [sflag:s17], $0x800  }
0x17a: {  	[sflag:s17] =	ssyncset.done $0x0  }
0x17b: {  	[sflag:s17] =	ssyncadd.s32 $0xFFFFF800  }
0x17c: {  	_ =	swait.ge [sflag:s17], $0x800  }
0x17d: {  	[sflag:s17] =	ssyncset.done $0x0  }
0x17e: {  	[sflag:s17] =	ssyncadd.s32 $0xFFFFF800  }
0x17f: {  	_ =	swait.ge [sflag:s17], $0x800  }
0x180: {  	[sflag:s17] =	ssyncset.done $0x0  }
0x181: {  	[sflag:s17] =	ssyncadd.s32 $0xFFFFF800  }
0x182: {  	_ =	swait.ge [sflag:s17], $0x800  }
0x183: {  	[sflag:s17] =	ssyncset.done $0x0  }
0x184: {  	[sflag:s17] =	ssyncadd.s32 $0xFFFFF800  }
0x185: {  	_ =	swait.ge [sflag:s17], $0x800  }
0x186: {  	[sflag:s17] =	ssyncset.done $0x0  }
0x187: {  	[sflag:s17] =	ssyncadd.s32 $0xFFFFF800  }
0x188: {  	_ =	swait.ge [sflag:s17], $0x800  }
0x189: {  	[sflag:s17] =	ssyncset.done $0x0  }
0x18a: {  	[sflag:s17] =	ssyncadd.s32 $0xFFFFF800  }
0x18b: {  	_ =	swait.ge [sflag:s17], $0x800  }
0x18c: {  	[sflag:s17] =	ssyncset.done $0x0  }
0x18d: {  	[sflag:s17] =	ssyncadd.s32 $0xFFFFF800  }
0x18e: {  	_ =	swait.ge [sflag:s17], $0x800  }
0x18f: {  	[sflag:s17] =	ssyncset.done $0x0  }
0x190: {  	[sflag:s17] =	ssyncadd.s32 $0xFFFFF800  }
0x191: {  	_ =	swait.ge [sflag:s17], $0x800  }
0x192: {  	[sflag:s17] =	ssyncset.done $0x0  }
0x193: {  	[sflag:s17] =	ssyncadd.s32 $0xFFFFF800  }
0x194: {  	_ =	swait.ge [sflag:s17], $0x800  }
0x195: {  	[sflag:s17] =	ssyncset.done $0x0  }
0x196: {  	[sflag:s17] =	ssyncadd.s32 $0xFFFFF800  }
0x197: {  	_ =	swait.ge [sflag:s17], $0x800  }
0x198: {  	[sflag:s17] =	ssyncset.done $0x0  }
0x199: {  	[sflag:s17] =	ssyncadd.s32 $0xFFFFF800  }
0x19a: {  	_ =	swait.ge [sflag:s17], $0x800  }
0x19b: {  	[sflag:s17] =	ssyncset.done $0x0  }
0x19c: {  	[sflag:s17] =	ssyncadd.s32 $0xFFFFF800  }
0x19d: {  	_ =	swait.ge [sflag:s17], $0x800  }
0x19e: {  	[sflag:s17] =	ssyncset.done $0x0  }
0x19f: {  	[sflag:s17] =	ssyncadd.s32 $0xFFFFF800  }
0x1a0: {  	_ =	swait.ge [sflag:s17], $0x800  }
0x1a1: {  	[sflag:s17] =	ssyncset.done $0x0  }
0x1a2: {  	[sflag:s17] =	ssyncadd.s32 $0xFFFFF800  }
0x1a3: {  	_ =	swait.ge [sflag:s17], $0x800  }
0x1a4: {  	[sflag:s17] =	ssyncset.done $0x0  }
0x1a5: {  	[sflag:s17] =	ssyncadd.s32 $0xFFFFF800  }
0x1a6: {  	_ =	swait.ge [sflag:s17], $0x800  }
0x1a7: {  	[sflag:s17] =	ssyncset.done $0x0  }
0x1a8: {  	s20 =	simm.s32 $0x400;
	s19 =	rddreg [dreg:$0x4];
	[sflag:s17] =	ssyncadd.s32 $0xFFFFF800  }
0x1a9: {  	[hbm4b:s19+s2] =	stream.linear.scatter [tilespmem:s20], [sflag:$0x2], $0x8000, $0x38;
	[tilespmem:$0x10400] =	vst v63  }
0x1aa: {  	_ =	swait.ge [sflag:s7], $0x8000  }
0x1ab: {  	p0 =	sne.s32 s6, $0x1;
	s1 =	simm.s32 $0x8400;
	[sflag:s7] =	ssyncset.done $0x0  }
.Ltmp0:
0x1ac: {  	s21 =	rddreg [dreg:$0x5];
	[sflag:s7] =	ssyncadd.s32 $0xFFFF8000;
	(pc) =	sbr.rel @p0 .LBB2_1-.Ltmp0, $4  }
0x1ad: {  	[hbm4b:s21+s2] =	stream.linear.scatter [tilespmem:s1], [sflag:$0x2], $0x8000, $0x38;
	[tilespmem:$0x10400] =	vst v63  }
0x1ae: {  	_ =	swait.ge [sflag:s7], $0x8000  }
0x1af: {  	[sflag:s7] =	ssyncset.done $0x0  }
0x1b0: {  	s6 =	sadd.s32 $0xFFFFFFFF, s6;
	[sflag:s7] =	ssyncadd.s32 $0xFFFF8000  }
0x1b1: {  	_ =	sfence.sel $0x180000  }
0x1b2: {  	[bflag:$0x0] =	sbarrier.arrive $0xFFFF  }
0x1b3: {  	_ =	strace $0x90000047  }
0x1b4: {  	s0 =	stileid.u32;
	[bflag:$0x2] =	sbarrier.arrive $0xFFFF  }
0x1b5: {  	p0 =	sne.s32 s0, $0x0;
	s0 =	rddreg [dreg:$0x1]  }
0x1b6: {  	s0 =	sadd.s32 @!p0 $0x100000, s0  }
0x1b7: {  	[sflag:s0] =	ssyncadd.tile.s32 @!p0 $0x1;
	_ =	shalt  }
.Lfunc_end2:
_tile_overlayer_lowered:
.L_overlay_start_2:
0x1b8: {  	(tag) =	ssettag $0x2  }
0x1b9: {  	s0 =	rddreg [dreg:$0x0];
	s2 =	stileid.u32  }
0x1ba: {  	s1 =	rddreg [dreg:$0x1];
	p0 =	sne.s32 s2, $0x0  }
0x1bb: {  	s3 =	rddreg [dreg:$0x2];
	[bflag:$0x3] =	sbarrier.arrive $0xFFFF;
	s2 =	simm.s32 @!p0 $0x1C02  }
0x1bc: {  	[timem:s3], [sflag:s2] =	dma.local @!p0 [hbm:s0], s1  }
0x1bd: {  	s0 =	simm.s32 @!p0 $0x2  }
0x1be: {  	_ =	swait.ge @!p0 [sflag:s0], s1  }
0x1bf: {  	s1 =	ssub.s32 @!p0 $0x0, s1;
	[sflag:s0] =	ssyncset.done @!p0 $0x0  }
0x1c0: {  	[sflag:s0] =	ssyncadd.s32 @!p0 s1  }
0x1c1: {  	[bflag:$0x3] =	sbarrier.arrive $0xFFFF  }
0x1c2: {  	_ =	shalt  }

</sc_bundles>
